<compile_context>
chip_gen: v7x
topology: tpu7x:2x2x1
jax: 0.10.2.dev20260603
libtpu: 0.0.44.dev20260713+nightly
codegen_flags: <defaults>
</compile_context>

<pallas_src>
import functools

import jax
import jax.numpy as jnp
from jax import lax
from jax.experimental import pallas as pl
from jax.experimental.pallas import tpu as pltpu
from jax.experimental.pallas import tpu_sc as plsc

N = 10000
NP = 10112
E = 320000
D = 128
K = 128
KT = 16
K0 = 80
NC = 2
NS = 16
BR = 2000
DH = 80

_PER_TILE = E // (NC * NS)
_RPS = NP // NS


def _sc_mesh():
    return plsc.VectorSubcoreMesh(core_axis_name="c", subcore_axis_name="s")


def _hist_update(deghist, dslot, k):
    ones16 = jnp.ones((16,), jnp.float32)
    for j in range(k // 16):
        d16 = dslot[pl.ds(j * 16, 16)]
        plsc.addupdate_scatter(
            deghist,
            [jax.lax.shift_right_logical(d16, 7),
             jax.lax.bitwise_and(d16, 127)],
            ones16)


def _feature_phase(dst_hbm, table_hbm, srcall, dstv, rows, acc,
                   isem, gsem, ssem, base0, k, nfull, deghist=None,
                   dstt=None, rowt=None):

    def dst_start(i, b):
        pltpu.async_copy(dst_hbm.at[pl.ds(base0 + i * k, k)], dstv[b],
                         isem[b])

    def dst_wait(i, b):
        pltpu.make_async_copy(dst_hbm.at[pl.ds(base0 + i * k, k)],
                              dstv[b], isem[b]).wait()

    def gather_start(i, b):
        pltpu.async_copy(table_hbm.at[srcall.at[pl.ds(i * k, k)]],
                         rows.at[b], gsem[b])

    def gather_wait(i, b):
        pltpu.make_async_copy(table_hbm.at[srcall.at[pl.ds(i * k, k)]],
                              rows.at[b], gsem[b]).wait()

    def scat_start(b):
        pltpu.async_copy(rows.at[b], acc.at[dstv[b]], ssem, add=True)

    def scat_wait(b):
        pltpu.make_async_copy(rows.at[b], acc.at[dstv[b]], ssem).wait()

    def hist(b):
        if deghist is not None:
            _hist_update(deghist, dstv[b], k)

    def step(i, b):
        scat_wait(b)
        dst_start(i, b)
        gather_start(i, b)
        gather_wait(i - 1, 1 - b)
        dst_wait(i - 1, 1 - b)
        hist(1 - b)
        scat_start(1 - b)

    dst_start(0, 0)
    gather_start(0, 0)
    dst_start(1, 1)
    gather_start(1, 1)
    gather_wait(0, 0)
    dst_wait(0, 0)
    hist(0)
    scat_start(0)

    def group(g, carry):
        step(2 * g + 2, 0)
        step(2 * g + 3, 1)
        return carry

    lax.fori_loop(0, (nfull - 2) // 2, group, 0)

    last = nfull - 1
    if nfull % 2 == 1:
        step(last, 0)
        lb = 0
    else:
        lb = 1
    gather_wait(last, lb)
    dst_wait(last, lb)
    hist(lb)
    scat_start(lb)
    scat_wait(1 - lb)
    scat_wait(lb)

    if dstt is not None:
        tbase = base0 + nfull * k
        pltpu.sync_copy(dst_hbm.at[pl.ds(tbase, KT)], dstt)
        pltpu.async_copy(table_hbm.at[srcall.at[pl.ds(nfull * k, KT)]],
                         rowt, gsem[0]).wait()
        if deghist is not None:
            _hist_update(deghist, dstt, KT)
        pltpu.sync_copy(rowt, acc.at[dstt], add=True)


def _agg_kernel():

    @functools.partial(
        pl.kernel,
        mesh=_sc_mesh(),
        out_type=jax.ShapeDtypeStruct((NC, NP, D), jnp.float32),
        scratch_types=[
            pltpu.VMEM((_PER_TILE,), jnp.int32),
            pltpu.VMEM((K,), jnp.int32),
            pltpu.VMEM((K,), jnp.int32),
            pltpu.VMEM((KT,), jnp.int32),
            pltpu.VMEM((2, K, D), jnp.float32),
            pltpu.VMEM((KT, D), jnp.float32),
            pltpu.VMEM_SHARED((NP, D), jnp.float32),
            pltpu.SemaphoreType.DMA,
            pltpu.SemaphoreType.DMA,
            pltpu.SemaphoreType.DMA,
            pltpu.SemaphoreType.DMA,
            pltpu.SemaphoreType.DMA,
        ],
    )
    def k(src_hbm, dst_hbm, table_hbm, zeros_hbm, out_hbm,
          srcall, d0, d1, dstt, rows, rowt, acc,
          isem0, isem1, gsem0, gsem1, ssem):
        c = lax.axis_index("c")
        s = lax.axis_index("s")
        r0 = s * _RPS
        sl = pl.ds(r0, _RPS)
        pltpu.sync_copy(zeros_hbm.at[sl], acc.at[sl])
        base0 = c * (E // NC) + s * _PER_TILE
        pltpu.sync_copy(src_hbm.at[pl.ds(base0, _PER_TILE)], srcall)
        plsc.subcore_barrier()
        _feature_phase(dst_hbm, table_hbm, srcall, (d0, d1), rows, acc,
                       (isem0, isem1), (gsem0, gsem1), ssem,
                       base0, K, _PER_TILE // K,
                       dstt=dstt, rowt=rowt)
        plsc.subcore_barrier()
        pltpu.sync_copy(acc.at[sl], out_hbm.at[c, sl])

    return k


def _agg_deg_kernel():

    @functools.partial(
        pl.kernel,
        mesh=_sc_mesh(),
        compiler_params=pltpu.CompilerParams(needs_layout_passes=False),
        out_type=[
            jax.ShapeDtypeStruct((NC, NP, D), jnp.float32),
            jax.ShapeDtypeStruct((NC, DH, D), jnp.float32),
        ],
        scratch_types=[
            pltpu.VMEM((_PER_TILE,), jnp.int32),
            pltpu.VMEM((K0,), jnp.int32),
            pltpu.VMEM((K0,), jnp.int32),
            pltpu.VMEM((2, K0, D), jnp.float32),
            pltpu.VMEM((DH, D), jnp.float32),
            pltpu.VMEM((DH,), jnp.int32),
            pltpu.VMEM_SHARED((NP, D), jnp.float32),
            pltpu.VMEM_SHARED((DH, D), jnp.float32),
            pltpu.SemaphoreType.DMA,
            pltpu.SemaphoreType.DMA,
            pltpu.SemaphoreType.DMA,
            pltpu.SemaphoreType.DMA,
            pltpu.SemaphoreType.DMA,
        ],
    )
    def k(src_hbm, dst_hbm, table_hbm, zeros_hbm, iota_hbm,
          out_hbm, outdeg_hbm,
          srcall, d0, d1, rows, deghist, iotav, acc, degacc,
          isem0, isem1, gsem0, gsem1, ssem):
        c = lax.axis_index("c")
        s = lax.axis_index("s")
        r0 = s * _RPS
        sl = pl.ds(r0, _RPS)
        pltpu.sync_copy(zeros_hbm.at[sl], acc.at[sl])
        pltpu.sync_copy(zeros_hbm.at[pl.ds(0, DH)], deghist)
        pltpu.sync_copy(iota_hbm, iotav)
        base0 = c * (E // NC) + s * _PER_TILE
        pltpu.sync_copy(src_hbm.at[pl.ds(base0, _PER_TILE)], srcall)

        @pl.when(s < DH // 8)
        def _():
            dsl = pl.ds(s * 8, 8)
            pltpu.sync_copy(zeros_hbm.at[dsl], degacc.at[dsl])

        plsc.subcore_barrier()
        _feature_phase(dst_hbm, table_hbm, srcall, (d0, d1), rows, acc,
                       (isem0, isem1), (gsem0, gsem1), ssem,
                       base0, K0, _PER_TILE // K0,
                       deghist=deghist)
        plsc.subcore_barrier()
        pltpu.sync_copy(acc.at[sl], out_hbm.at[c, sl])
        pltpu.sync_copy(deghist, degacc.at[iotav], add=True)
        plsc.subcore_barrier()

        @pl.when(s < DH // 8)
        def _():
            dsl = pl.ds(s * 8, 8)
            pltpu.sync_copy(degacc.at[dsl], outdeg_hbm.at[c, dsl])

    return k


def _dot(a, b):
    return jnp.dot(a, b, preferred_element_type=jnp.float32)


def _table0_body(x_ref, wnt_ref, out_ref):
    out_ref[...] = _dot(x_ref[...], wnt_ref[...])


def _table0(x, wnt):
    return pl.pallas_call(
        _table0_body,
        grid=(N // BR,),
        in_specs=[
            pl.BlockSpec((BR, D), lambda i: (i, 0)),
            pl.BlockSpec((D, D), lambda i: (0, 0)),
        ],
        out_specs=pl.BlockSpec((BR, D), lambda i: (i, 0)),
        out_shape=jax.ShapeDtypeStruct((N, D), jnp.float32),
    )(x, wnt)


def _deginv_body(dp_ref, out_ref):
    d = dp_ref[0] + dp_ref[1]
    out_ref[...] = 1.0 / jnp.maximum(d, 1.0)


def _deginv(deg_partials):
    out = pl.pallas_call(
        _deginv_body,
        grid=(1,),
        in_specs=[pl.BlockSpec((NC, DH, D), lambda i: (0, 0, 0))],
        out_specs=pl.BlockSpec((DH, D), lambda i: (0, 0)),
        out_shape=jax.ShapeDtypeStruct((DH, D), jnp.float32),
    )(deg_partials)
    return out.reshape(DH * D, 1)


def _combine_body(h_ref, p_ref, dinv_ref, wst_ref, b_ref, wnt_ref,
                  h_out_ref, t_out_ref):
    p = p_ref[0] + p_ref[1]
    z = _dot(h_ref[...], wst_ref[...]) + p * dinv_ref[...] + b_ref[...]
    h_next = jnp.maximum(z, 0.0)
    h_out_ref[...] = h_next
    t_out_ref[...] = _dot(h_next, wnt_ref[...])


def _combine(h, partials, dinv, wst, b, wnt_next):
    return pl.pallas_call(
        _combine_body,
        grid=(N // BR,),
        in_specs=[
            pl.BlockSpec((BR, D), lambda i: (i, 0)),
            pl.BlockSpec((NC, BR, D), lambda i: (0, i, 0)),
            pl.BlockSpec((BR, 1), lambda i: (i, 0)),
            pl.BlockSpec((D, D), lambda i: (0, 0)),
            pl.BlockSpec((1, D), lambda i: (0, 0)),
            pl.BlockSpec((D, D), lambda i: (0, 0)),
        ],
        out_specs=[
            pl.BlockSpec((BR, D), lambda i: (i, 0)),
            pl.BlockSpec((BR, D), lambda i: (i, 0)),
        ],
        out_shape=[
            jax.ShapeDtypeStruct((N, D), jnp.float32),
            jax.ShapeDtypeStruct((N, D), jnp.float32),
        ],
    )(h, partials, dinv, wst, b, wnt_next)


def _final_body(h_ref, p_ref, dinv_ref, wst_ref, b_ref, out_ref):
    p = p_ref[0] + p_ref[1]
    out_ref[...] = (_dot(h_ref[...], wst_ref[...]) + p * dinv_ref[...]
                    + b_ref[...])


def _final(h, partials, dinv, wst, b):
    return pl.pallas_call(
        _final_body,
        grid=(N // BR,),
        in_specs=[
            pl.BlockSpec((BR, D), lambda i: (i, 0)),
            pl.BlockSpec((NC, BR, D), lambda i: (0, i, 0)),
            pl.BlockSpec((BR, 1), lambda i: (i, 0)),
            pl.BlockSpec((D, D), lambda i: (0, 0)),
            pl.BlockSpec((1, D), lambda i: (0, 0)),
        ],
        out_specs=pl.BlockSpec((BR, D), lambda i: (i, 0)),
        out_shape=jax.ShapeDtypeStruct((N, D), jnp.float32),
    )(h, partials, dinv, wst, b)


def kernel(x, edge_index, W_self0, W_neigh0, b0,
           W_self1, W_neigh1, b1, W_self2, W_neigh2, b2):
    src = edge_index[0]
    dst = edge_index[1]
    zeros = jnp.zeros((NP, D), jnp.float32)
    iota = jnp.arange(DH, dtype=jnp.int32)
    src, dst, zeros, iota = lax.optimization_barrier((src, dst, zeros, iota))

    sc_agg = _agg_kernel()
    sc_agg_deg = _agg_deg_kernel()

    t0 = _table0(x, W_neigh0.T)
    p1, dp = sc_agg_deg(src, dst, t0, zeros, iota)
    dinv = _deginv(dp)
    h1, t1 = _combine(x, p1, dinv, W_self0.T, b0.reshape(1, D), W_neigh1.T)
    p2 = sc_agg(src, dst, t1, zeros)
    h2, t2 = _combine(h1, p2, dinv, W_self1.T, b1.reshape(1, D), W_neigh2.T)
    p3 = sc_agg(src, dst, t2, zeros)
    return _final(h2, p3, dinv, W_self2.T, b2.reshape(1, D))

# --- scband reference (transcript-rebuilt; emitter-appended) ---
"""Pipeline reference for scband-sage-13280038879903 (READ-ONLY COPY).

The authoritative reference and input builder live on the scoring server;
editing this copy changes nothing except your own understanding.
"""

import jax, jax.numpy as jnp
import numpy as np

N = 10000
E = 320000
D_IN = 128
D_H = 128
D_OUT = 128


def setup_inputs(seed: int = 0) -> dict:
    key = jax.random.key(seed)
    ks = jax.random.split(key, 12)
    x = jax.random.normal(ks[0], (N, D_IN), dtype=jnp.float32)
    edge_index = jax.random.randint(ks[1], (2, E), 0, N, dtype=jnp.int32)
    s = 0.05
    W_self0 = jax.random.normal(ks[2], (D_H, D_IN), dtype=jnp.float32) * s
    W_neigh0 = jax.random.normal(ks[3], (D_H, D_IN), dtype=jnp.float32) * s
    b0 = jnp.zeros((D_H,), dtype=jnp.float32)
    W_self1 = jax.random.normal(ks[4], (D_H, D_H), dtype=jnp.float32) * s
    W_neigh1 = jax.random.normal(ks[5], (D_H, D_H), dtype=jnp.float32) * s
    b1 = jnp.zeros((D_H,), dtype=jnp.float32)
    W_self2 = jax.random.normal(ks[6], (D_OUT, D_H), dtype=jnp.float32) * s
    W_neigh2 = jax.random.normal(ks[7], (D_OUT, D_H), dtype=jnp.float32) * s
    b2 = jnp.zeros((D_OUT,), dtype=jnp.float32)
    return {
        'x': x, 'edge_index': edge_index,
        'W_self0': W_self0, 'W_neigh0': W_neigh0, 'b0': b0,
        'W_self1': W_self1, 'W_neigh1': W_neigh1, 'b1': b1,
        'W_self2': W_self2, 'W_neigh2': W_neigh2, 'b2': b2,
    }


def _sage_conv(h, edge_index, W_self, W_neigh, b):
    # DGL SAGEConv with 'mean' aggregator:
    # h_neigh = mean over in-neighbors; rst = fc_self(h_dst) + fc_neigh(h_neigh) + bias
    src = edge_index[0]
    dst = edge_index[1]
    n = h.shape[0]
    msgs = jnp.take(h, src, axis=0)                      # gather [E, d]
    agg = jax.ops.segment_sum(msgs, dst, num_segments=n)  # scatter-add [N, d]
    deg = jax.ops.segment_sum(jnp.ones((src.shape[0],), dtype=h.dtype), dst, num_segments=n)
    deg = jnp.maximum(deg, 1.0)
    h_neigh = agg / deg[:, None]
    return h @ W_self.T + h_neigh @ W_neigh.T + b


def reference(x, edge_index, W_self0, W_neigh0, b0, W_self1, W_neigh1, b1, W_self2, W_neigh2, b2):
    h = _sage_conv(x, edge_index, W_self0, W_neigh0, b0)
    h = jax.nn.relu(h)  # dropout is identity in eval mode
    h = _sage_conv(h, edge_index, W_self1, W_neigh1, b1)
    h = jax.nn.relu(h)
    h = _sage_conv(h, edge_index, W_self2, W_neigh2, b2)
    return h

if __name__ == "__main__":
    import jax
    _d = setup_inputs()
    print(jax.jit(kernel)(*tuple(_d.values())))

</pallas_src>

<mosaic_0001>
#map = affine_map<(d0, d1) -> (0)>
#map1 = affine_map<(d0, d1) -> (0, 0)>
#map2 = affine_map<(d0, d1) -> (0, 0, 0)>
module attributes {stable_mosaic.version = 14 : i64} {
  func.func @k(%arg0: i32, %arg1: i32, %arg2: memref<320000xi32, #tpu.memory_space<hbm>>, %arg3: memref<320000xi32, #tpu.memory_space<hbm>>, %arg4: memref<10000x128xf32, #tpu.memory_space<hbm>>, %arg5: memref<10112x128xf32, #tpu.memory_space<hbm>>, %arg6: memref<2x10112x128xf32, #tpu.memory_space<hbm>>, %arg7: memref<10000xi32, #tpu.memory_space<vmem>>, %arg8: memref<128xi32, #tpu.memory_space<vmem>>, %arg9: memref<128xi32, #tpu.memory_space<vmem>>, %arg10: memref<16xi32, #tpu.memory_space<vmem>>, %arg11: memref<2x128x128xf32, #tpu.memory_space<vmem>>, %arg12: memref<16x128xf32, #tpu.memory_space<vmem>>, %arg13: memref<10112x128xf32, #tpu.memory_space<vmem_shared>>, %arg14: memref<!tpu.dma_semaphore, #tpu.memory_space<semaphore_mem>>, %arg15: memref<!tpu.dma_semaphore, #tpu.memory_space<semaphore_mem>>, %arg16: memref<!tpu.dma_semaphore, #tpu.memory_space<semaphore_mem>>, %arg17: memref<!tpu.dma_semaphore, #tpu.memory_space<semaphore_mem>>, %arg18: memref<!tpu.dma_semaphore, #tpu.memory_space<semaphore_mem>>) attributes {dimension_semantics = [#tpu.dimension_semantics<core_parallel>, #tpu.dimension_semantics<subcore_parallel>], iteration_bounds = array<i64: 2, 16>, scalar_prefetch = 0 : i64, scratch_operands = 12 : i64, tpu.core_type = #tpu.core_type<sc_vector_subcore>, window_params = [{transform_indices = #map}, {transform_indices = #map}, {transform_indices = #map1}, {transform_indices = #map1}, {transform_indices = #map2}]} {
    %mul3A = arith.constant 632 : i32
    %mul3A_0 = arith.muli %arg1, %mul3A : i32
    "tpu.region"() ({
      %run_scoped3A = tpu.sem_alloc : memref<!tpu.dma_semaphore, #tpu.memory_space<semaphore_mem>>
      %dma_start3A_109 = arith.constant 0 : i32
      %dma_start3A_110 = tpu.memref_slice %arg13[%mul3A_0, %dma_start3A_109] : memref<10112x128xf32, #tpu.memory_space<vmem_shared>> -> memref<632x128xf32, #tpu.memory_space<vmem_shared>>
      %dma_start3A_111 = arith.constant 0 : i32
      %dma_start3A_112 = tpu.memref_slice %arg5[%mul3A_0, %dma_start3A_111] : memref<10112x128xf32, #tpu.memory_space<hbm>> -> memref<632x128xf32, #tpu.memory_space<hbm>>
      tpu.enqueue_dma source(%dma_start3A_112 : memref<632x128xf32, #tpu.memory_space<hbm>>) target(%dma_start3A_110 : memref<632x128xf32, #tpu.memory_space<vmem_shared>>) target_semaphore(%run_scoped3A : memref<!tpu.dma_semaphore, #tpu.memory_space<semaphore_mem>>)
      %dma_wait3A_113 = arith.constant 0 : i32
      %dma_wait3A_114 = tpu.memref_slice %arg13[%mul3A_0, %dma_wait3A_113] : memref<10112x128xf32, #tpu.memory_space<vmem_shared>> -> memref<632x128xf32, #tpu.memory_space<vmem_shared>>
      %dma_wait3A_115 = arith.constant 0 : i32
      %dma_wait3A_116 = tpu.memref_slice %arg5[%mul3A_0, %dma_wait3A_115] : memref<10112x128xf32, #tpu.memory_space<hbm>> -> memref<632x128xf32, #tpu.memory_space<hbm>>
      tpu.wait_dma2 semaphore(%run_scoped3A : memref<!tpu.dma_semaphore, #tpu.memory_space<semaphore_mem>>) src(%dma_wait3A_116 : memref<632x128xf32, #tpu.memory_space<hbm>>) dst(%dma_wait3A_114 : memref<632x128xf32, #tpu.memory_space<vmem_shared>>)
      tpu.yield
    }) : () -> ()
    %mul3A_1 = arith.constant 160000 : i32
    %mul3A_2 = arith.muli %arg0, %mul3A_1 : i32
    %mul3A_3 = arith.constant 10000 : i32
    %mul3A_4 = arith.muli %arg1, %mul3A_3 : i32
    %add3A = arith.addi %mul3A_2, %mul3A_4 : i32
    "tpu.region"() ({
      %run_scoped3A = tpu.sem_alloc : memref<!tpu.dma_semaphore, #tpu.memory_space<semaphore_mem>>
      %dma_start3A_109 = tpu.memref_slice %arg2[%add3A] : memref<320000xi32, #tpu.memory_space<hbm>> -> memref<10000xi32, #tpu.memory_space<hbm>>
      %dma_start3A_110 = tpu.memref_slice %arg2[%add3A] : memref<320000xi32, #tpu.memory_space<hbm>> -> memref<10000xi32, #tpu.memory_space<hbm>>
      tpu.enqueue_dma source(%dma_start3A_110 : memref<10000xi32, #tpu.memory_space<hbm>>) target(%arg7 : memref<10000xi32, #tpu.memory_space<vmem>>) target_semaphore(%run_scoped3A : memref<!tpu.dma_semaphore, #tpu.memory_space<semaphore_mem>>)
      %dma_wait3A_111 = tpu.memref_slice %arg2[%add3A] : memref<320000xi32, #tpu.memory_space<hbm>> -> memref<10000xi32, #tpu.memory_space<hbm>>
      %dma_wait3A_112 = tpu.memref_slice %arg2[%add3A] : memref<320000xi32, #tpu.memory_space<hbm>> -> memref<10000xi32, #tpu.memory_space<hbm>>
      tpu.wait_dma2 semaphore(%run_scoped3A : memref<!tpu.dma_semaphore, #tpu.memory_space<semaphore_mem>>) src(%dma_wait3A_112 : memref<10000xi32, #tpu.memory_space<hbm>>) dst(%arg7 : memref<10000xi32, #tpu.memory_space<vmem>>)
      tpu.yield
    }) : () -> ()
    %barrier3A = arith.constant 0 : index
    tpu.barrier barrier_id(%barrier3A)
    %add3A_5 = arith.constant 0 : i32
    %add3A_6 = arith.addi %add3A, %add3A_5 : i32
    %dma_start3A = tpu.memref_slice %arg3[%add3A_6] : memref<320000xi32, #tpu.memory_space<hbm>> -> memref<128xi32, #tpu.memory_space<hbm>>
    %dma_start3A_7 = tpu.memref_slice %arg3[%add3A_6] : memref<320000xi32, #tpu.memory_space<hbm>> -> memref<128xi32, #tpu.memory_space<hbm>>
    tpu.enqueue_dma source(%dma_start3A_7 : memref<128xi32, #tpu.memory_space<hbm>>) target(%arg8 : memref<128xi32, #tpu.memory_space<vmem>>) target_semaphore(%arg14 : memref<!tpu.dma_semaphore, #tpu.memory_space<semaphore_mem>>)
    %dma_start3A_8 = arith.constant 0 : i32
    %dma_start3A_9 = arith.constant 0 : i32
    %dma_start3A_10 = arith.constant 0 : i32
    %dma_start3A_11 = tpu.memref_slice %arg11[%dma_start3A_8, %dma_start3A_9, %dma_start3A_10] : memref<2x128x128xf32, #tpu.memory_space<vmem>> -> memref<1x128x128xf32, #tpu.memory_space<vmem>>
    %dma_start3A_12 = tpu.memref_squeeze %dma_start3A_11 : memref<1x128x128xf32, #tpu.memory_space<vmem>> -> memref<128x128xf32, #tpu.memory_space<vmem>>
    %dma_start3A_13 = arith.constant 0 : i32
    %dma_start3A_14 = tpu.memref_slice %arg7[%dma_start3A_13] : memref<10000xi32, #tpu.memory_space<vmem>> -> memref<128xi32, #tpu.memory_space<vmem>>
    %dma_start3A_15 = arith.constant 0 : i32
    %dma_start3A_16 = arith.constant 0 : i32
    %dma_start3A_17 = tpu.memref_slice %arg4[%dma_start3A_15, %dma_start3A_16] : memref<10000x128xf32, #tpu.memory_space<hbm>> -> memref<10000x128xf32, #tpu.memory_space<hbm>>
    tpu.enqueue_indirect_dma source(%dma_start3A_17 : memref<10000x128xf32, #tpu.memory_space<hbm>>) target(%dma_start3A_12 : memref<128x128xf32, #tpu.memory_space<vmem>>) offsets(%dma_start3A_14 : memref<128xi32, #tpu.memory_space<vmem>>) semaphore(%arg16 : memref<!tpu.dma_semaphore, #tpu.memory_space<semaphore_mem>>)
    %add3A_18 = arith.constant 128 : i32
    %add3A_19 = arith.addi %add3A, %add3A_18 : i32
    %dma_start3A_20 = tpu.memref_slice %arg3[%add3A_19] : memref<320000xi32, #tpu.memory_space<hbm>> -> memref<128xi32, #tpu.memory_space<hbm>>
    %dma_start3A_21 = tpu.memref_slice %arg3[%add3A_19] : memref<320000xi32, #tpu.memory_space<hbm>> -> memref<128xi32, #tpu.memory_space<hbm>>
    tpu.enqueue_dma source(%dma_start3A_21 : memref<128xi32, #tpu.memory_space<hbm>>) target(%arg9 : memref<128xi32, #tpu.memory_space<vmem>>) target_semaphore(%arg15 : memref<!tpu.dma_semaphore, #tpu.memory_space<semaphore_mem>>)
    %dma_start3A_22 = arith.constant 1 : i32
    %dma_start3A_23 = arith.constant 0 : i32
    %dma_start3A_24 = arith.constant 0 : i32
    %dma_start3A_25 = tpu.memref_slice %arg11[%dma_start3A_22, %dma_start3A_23, %dma_start3A_24] : memref<2x128x128xf32, #tpu.memory_space<vmem>> -> memref<1x128x128xf32, #tpu.memory_space<vmem>>
    %dma_start3A_26 = tpu.memref_squeeze %dma_start3A_25 : memref<1x128x128xf32, #tpu.memory_space<vmem>> -> memref<128x128xf32, #tpu.memory_space<vmem>>
    %dma_start3A_27 = arith.constant 128 : i32
    %dma_start3A_28 = tpu.memref_slice %arg7[%dma_start3A_27] : memref<10000xi32, #tpu.memory_space<vmem>> -> memref<128xi32, #tpu.memory_space<vmem>>
    %dma_start3A_29 = arith.constant 0 : i32
    %dma_start3A_30 = arith.constant 0 : i32
    %dma_start3A_31 = tpu.memref_slice %arg4[%dma_start3A_29, %dma_start3A_30] : memref<10000x128xf32, #tpu.memory_space<hbm>> -> memref<10000x128xf32, #tpu.memory_space<hbm>>
    tpu.enqueue_indirect_dma source(%dma_start3A_31 : memref<10000x128xf32, #tpu.memory_space<hbm>>) target(%dma_start3A_26 : memref<128x128xf32, #tpu.memory_space<vmem>>) offsets(%dma_start3A_28 : memref<128xi32, #tpu.memory_space<vmem>>) semaphore(%arg17 : memref<!tpu.dma_semaphore, #tpu.memory_space<semaphore_mem>>)
    %dma_wait3A = arith.constant 0 : i32
    %dma_wait3A_32 = arith.constant 0 : i32
    %dma_wait3A_33 = arith.constant 0 : i32
    %dma_wait3A_34 = tpu.memref_slice %arg11[%dma_wait3A, %dma_wait3A_32, %dma_wait3A_33] : memref<2x128x128xf32, #tpu.memory_space<vmem>> -> memref<1x128x128xf32, #tpu.memory_space<vmem>>
    %dma_wait3A_35 = tpu.memref_squeeze %dma_wait3A_34 : memref<1x128x128xf32, #tpu.memory_space<vmem>> -> memref<128x128xf32, #tpu.memory_space<vmem>>
    %dma_wait3A_36 = arith.constant 0 : i32
    %dma_wait3A_37 = tpu.memref_slice %arg7[%dma_wait3A_36] : memref<10000xi32, #tpu.memory_space<vmem>> -> memref<128xi32, #tpu.memory_space<vmem>>
    %dma_wait3A_38 = arith.constant 0 : i32
    %dma_wait3A_39 = arith.constant 0 : i32
    %dma_wait3A_40 = tpu.memref_slice %arg4[%dma_wait3A_38, %dma_wait3A_39] : memref<10000x128xf32, #tpu.memory_space<hbm>> -> memref<10000x128xf32, #tpu.memory_space<hbm>>
    tpu.wait_indirect_dma semaphore(%arg16 : memref<!tpu.dma_semaphore, #tpu.memory_space<semaphore_mem>>) src(%dma_wait3A_40 : memref<10000x128xf32, #tpu.memory_space<hbm>>) dst(%dma_wait3A_35 : memref<128x128xf32, #tpu.memory_space<vmem>>)
    %add3A_41 = arith.constant 0 : i32
    %add3A_42 = arith.addi %add3A, %add3A_41 : i32
    %dma_wait3A_43 = tpu.memref_slice %arg3[%add3A_42] : memref<320000xi32, #tpu.memory_space<hbm>> -> memref<128xi32, #tpu.memory_space<hbm>>
    %dma_wait3A_44 = tpu.memref_slice %arg3[%add3A_42] : memref<320000xi32, #tpu.memory_space<hbm>> -> memref<128xi32, #tpu.memory_space<hbm>>
    tpu.wait_dma2 semaphore(%arg14 : memref<!tpu.dma_semaphore, #tpu.memory_space<semaphore_mem>>) src(%dma_wait3A_44 : memref<128xi32, #tpu.memory_space<hbm>>) dst(%arg8 : memref<128xi32, #tpu.memory_space<vmem>>)
    %dma_start3A_45 = arith.constant 0 : i32
    %dma_start3A_46 = arith.constant 0 : i32
    %dma_start3A_47 = arith.constant 0 : i32
    %dma_start3A_48 = tpu.memref_slice %arg11[%dma_start3A_45, %dma_start3A_46, %dma_start3A_47] : memref<2x128x128xf32, #tpu.memory_space<vmem>> -> memref<1x128x128xf32, #tpu.memory_space<vmem>>
    %dma_start3A_49 = tpu.memref_squeeze %dma_start3A_48 : memref<1x128x128xf32, #tpu.memory_space<vmem>> -> memref<128x128xf32, #tpu.memory_space<vmem>>
    %dma_start3A_50 = arith.constant 0 : i32
    %dma_start3A_51 = arith.constant 0 : i32
    %dma_start3A_52 = tpu.memref_slice %arg13[%dma_start3A_50, %dma_start3A_51] : memref<10112x128xf32, #tpu.memory_space<vmem_shared>> -> memref<10112x128xf32, #tpu.memory_space<vmem_shared>>
    tpu.enqueue_indirect_dma source(%dma_start3A_49 : memref<128x128xf32, #tpu.memory_space<vmem>>) target(%dma_start3A_52 : memref<10112x128xf32, #tpu.memory_space<vmem_shared>>) offsets(%arg8 : memref<128xi32, #tpu.memory_space<vmem>>) semaphore(%arg18 : memref<!tpu.dma_semaphore, #tpu.memory_space<semaphore_mem>>) {add = true}
    %scan3A = arith.constant 0 : i32
    %scan3A_53 = arith.constant 0 : i32
    %scan3A_54 = arith.constant 38 : i32
    %scan3A_55 = arith.addi %scan3A_53, %scan3A_54 : i32
    %scan3A_56 = arith.constant 1 : i32
    scf.for %scan3A_109 = %scan3A_53 to %scan3A_55 step %scan3A_56  : i32 {
      %mul3A_110 = arith.constant 2 : i32
      %mul3A_111 = arith.muli %mul3A_110, %scan3A_109 : i32
      %add3A_112 = arith.constant 2 : i32
      %add3A_113 = arith.addi %mul3A_111, %add3A_112 : i32
      %dma_wait3A_114 = arith.constant 0 : i32
      %dma_wait3A_115 = arith.constant 0 : i32
      %dma_wait3A_116 = arith.constant 0 : i32
      %dma_wait3A_117 = tpu.memref_slice %arg11[%dma_wait3A_114, %dma_wait3A_115, %dma_wait3A_116] : memref<2x128x128xf32, #tpu.memory_space<vmem>> -> memref<1x128x128xf32, #tpu.memory_space<vmem>>
      %dma_wait3A_118 = tpu.memref_squeeze %dma_wait3A_117 : memref<1x128x128xf32, #tpu.memory_space<vmem>> -> memref<128x128xf32, #tpu.memory_space<vmem>>
      %dma_wait3A_119 = arith.constant 0 : i32
      %dma_wait3A_120 = arith.constant 0 : i32
      %dma_wait3A_121 = tpu.memref_slice %arg13[%dma_wait3A_119, %dma_wait3A_120] : memref<10112x128xf32, #tpu.memory_space<vmem_shared>> -> memref<10112x128xf32, #tpu.memory_space<vmem_shared>>
      tpu.wait_indirect_dma semaphore(%arg18 : memref<!tpu.dma_semaphore, #tpu.memory_space<semaphore_mem>>) src(%dma_wait3A_118 : memref<128x128xf32, #tpu.memory_space<vmem>>) dst(%dma_wait3A_121 : memref<10112x128xf32, #tpu.memory_space<vmem_shared>>)
      %mul3A_122 = arith.constant 128 : i32
      %mul3A_123 = arith.muli %add3A_113, %mul3A_122 : i32
      %add3A_124 = arith.addi %add3A, %mul3A_123 : i32
      %dma_start3A_125 = tpu.memref_slice %arg3[%add3A_124] : memref<320000xi32, #tpu.memory_space<hbm>> -> memref<128xi32, #tpu.memory_space<hbm>>
      %dma_start3A_126 = tpu.memref_slice %arg3[%add3A_124] : memref<320000xi32, #tpu.memory_space<hbm>> -> memref<128xi32, #tpu.memory_space<hbm>>
      tpu.enqueue_dma source(%dma_start3A_126 : memref<128xi32, #tpu.memory_space<hbm>>) target(%arg8 : memref<128xi32, #tpu.memory_space<vmem>>) target_semaphore(%arg14 : memref<!tpu.dma_semaphore, #tpu.memory_space<semaphore_mem>>)
      %mul3A_127 = arith.constant 128 : i32
      %mul3A_128 = arith.muli %add3A_113, %mul3A_127 : i32
      %dma_start3A_129 = arith.constant 0 : i32
      %dma_start3A_130 = arith.constant 0 : i32
      %dma_start3A_131 = arith.constant 0 : i32
      %dma_start3A_132 = tpu.memref_slice %arg11[%dma_start3A_129, %dma_start3A_130, %dma_start3A_131] : memref<2x128x128xf32, #tpu.memory_space<vmem>> -> memref<1x128x128xf32, #tpu.memory_space<vmem>>
      %dma_start3A_133 = tpu.memref_squeeze %dma_start3A_132 : memref<1x128x128xf32, #tpu.memory_space<vmem>> -> memref<128x128xf32, #tpu.memory_space<vmem>>
      %dma_start3A_134 = tpu.memref_slice %arg7[%mul3A_128] : memref<10000xi32, #tpu.memory_space<vmem>> -> memref<128xi32, #tpu.memory_space<vmem>>
      %dma_start3A_135 = arith.constant 0 : i32
      %dma_start3A_136 = arith.constant 0 : i32
      %dma_start3A_137 = tpu.memref_slice %arg4[%dma_start3A_135, %dma_start3A_136] : memref<10000x128xf32, #tpu.memory_space<hbm>> -> memref<10000x128xf32, #tpu.memory_space<hbm>>
      tpu.enqueue_indirect_dma source(%dma_start3A_137 : memref<10000x128xf32, #tpu.memory_space<hbm>>) target(%dma_start3A_133 : memref<128x128xf32, #tpu.memory_space<vmem>>) offsets(%dma_start3A_134 : memref<128xi32, #tpu.memory_space<vmem>>) semaphore(%arg16 : memref<!tpu.dma_semaphore, #tpu.memory_space<semaphore_mem>>)
      %sub3A = arith.constant 1 : i32
      %sub3A_138 = arith.subi %add3A_113, %sub3A : i32
      %mul3A_139 = arith.constant 128 : i32
      %mul3A_140 = arith.muli %sub3A_138, %mul3A_139 : i32
      %dma_wait3A_141 = arith.constant 1 : i32
      %dma_wait3A_142 = arith.constant 0 : i32
      %dma_wait3A_143 = arith.constant 0 : i32
      %dma_wait3A_144 = tpu.memref_slice %arg11[%dma_wait3A_141, %dma_wait3A_142, %dma_wait3A_143] : memref<2x128x128xf32, #tpu.memory_space<vmem>> -> memref<1x128x128xf32, #tpu.memory_space<vmem>>
      %dma_wait3A_145 = tpu.memref_squeeze %dma_wait3A_144 : memref<1x128x128xf32, #tpu.memory_space<vmem>> -> memref<128x128xf32, #tpu.memory_space<vmem>>
      %dma_wait3A_146 = tpu.memref_slice %arg7[%mul3A_140] : memref<10000xi32, #tpu.memory_space<vmem>> -> memref<128xi32, #tpu.memory_space<vmem>>
      %dma_wait3A_147 = arith.constant 0 : i32
      %dma_wait3A_148 = arith.constant 0 : i32
      %dma_wait3A_149 = tpu.memref_slice %arg4[%dma_wait3A_147, %dma_wait3A_148] : memref<10000x128xf32, #tpu.memory_space<hbm>> -> memref<10000x128xf32, #tpu.memory_space<hbm>>
      tpu.wait_indirect_dma semaphore(%arg17 : memref<!tpu.dma_semaphore, #tpu.memory_space<semaphore_mem>>) src(%dma_wait3A_149 : memref<10000x128xf32, #tpu.memory_space<hbm>>) dst(%dma_wait3A_145 : memref<128x128xf32, #tpu.memory_space<vmem>>)
      %sub3A_150 = arith.constant 1 : i32
      %sub3A_151 = arith.subi %add3A_113, %sub3A_150 : i32
      %mul3A_152 = arith.constant 128 : i32
      %mul3A_153 = arith.muli %sub3A_151, %mul3A_152 : i32
      %add3A_154 = arith.addi %add3A, %mul3A_153 : i32
      %dma_wait3A_155 = tpu.memref_slice %arg3[%add3A_154] : memref<320000xi32, #tpu.memory_space<hbm>> -> memref<128xi32, #tpu.memory_space<hbm>>
      %dma_wait3A_156 = tpu.memref_slice %arg3[%add3A_154] : memref<320000xi32, #tpu.memory_space<hbm>> -> memref<128xi32, #tpu.memory_space<hbm>>
      tpu.wait_dma2 semaphore(%arg15 : memref<!tpu.dma_semaphore, #tpu.memory_space<semaphore_mem>>) src(%dma_wait3A_156 : memref<128xi32, #tpu.memory_space<hbm>>) dst(%arg9 : memref<128xi32, #tpu.memory_space<vmem>>)
      %dma_start3A_157 = arith.constant 1 : i32
      %dma_start3A_158 = arith.constant 0 : i32
      %dma_start3A_159 = arith.constant 0 : i32
      %dma_start3A_160 = tpu.memref_slice %arg11[%dma_start3A_157, %dma_start3A_158, %dma_start3A_159] : memref<2x128x128xf32, #tpu.memory_space<vmem>> -> memref<1x128x128xf32, #tpu.memory_space<vmem>>
      %dma_start3A_161 = tpu.memref_squeeze %dma_start3A_160 : memref<1x128x128xf32, #tpu.memory_space<vmem>> -> memref<128x128xf32, #tpu.memory_space<vmem>>
      %dma_start3A_162 = arith.constant 0 : i32
      %dma_start3A_163 = arith.constant 0 : i32
      %dma_start3A_164 = tpu.memref_slice %arg13[%dma_start3A_162, %dma_start3A_163] : memref<10112x128xf32, #tpu.memory_space<vmem_shared>> -> memref<10112x128xf32, #tpu.memory_space<vmem_shared>>
      tpu.enqueue_indirect_dma source(%dma_start3A_161 : memref<128x128xf32, #tpu.memory_space<vmem>>) target(%dma_start3A_164 : memref<10112x128xf32, #tpu.memory_space<vmem_shared>>) offsets(%arg9 : memref<128xi32, #tpu.memory_space<vmem>>) semaphore(%arg18 : memref<!tpu.dma_semaphore, #tpu.memory_space<semaphore_mem>>) {add = true}
      %mul3A_165 = arith.constant 2 : i32
      %mul3A_166 = arith.muli %mul3A_165, %scan3A_109 : i32
      %add3A_167 = arith.constant 3 : i32
      %add3A_168 = arith.addi %mul3A_166, %add3A_167 : i32
      %dma_wait3A_169 = arith.constant 1 : i32
      %dma_wait3A_170 = arith.constant 0 : i32
      %dma_wait3A_171 = arith.constant 0 : i32
      %dma_wait3A_172 = tpu.memref_slice %arg11[%dma_wait3A_169, %dma_wait3A_170, %dma_wait3A_171] : memref<2x128x128xf32, #tpu.memory_space<vmem>> -> memref<1x128x128xf32, #tpu.memory_space<vmem>>
      %dma_wait3A_173 = tpu.memref_squeeze %dma_wait3A_172 : memref<1x128x128xf32, #tpu.memory_space<vmem>> -> memref<128x128xf32, #tpu.memory_space<vmem>>
      %dma_wait3A_174 = arith.constant 0 : i32
      %dma_wait3A_175 = arith.constant 0 : i32
      %dma_wait3A_176 = tpu.memref_slice %arg13[%dma_wait3A_174, %dma_wait3A_175] : memref<10112x128xf32, #tpu.memory_space<vmem_shared>> -> memref<10112x128xf32, #tpu.memory_space<vmem_shared>>
      tpu.wait_indirect_dma semaphore(%arg18 : memref<!tpu.dma_semaphore, #tpu.memory_space<semaphore_mem>>) src(%dma_wait3A_173 : memref<128x128xf32, #tpu.memory_space<vmem>>) dst(%dma_wait3A_176 : memref<10112x128xf32, #tpu.memory_space<vmem_shared>>)
      %mul3A_177 = arith.constant 128 : i32
      %mul3A_178 = arith.muli %add3A_168, %mul3A_177 : i32
      %add3A_179 = arith.addi %add3A, %mul3A_178 : i32
      %dma_start3A_180 = tpu.memref_slice %arg3[%add3A_179] : memref<320000xi32, #tpu.memory_space<hbm>> -> memref<128xi32, #tpu.memory_space<hbm>>
      %dma_start3A_181 = tpu.memref_slice %arg3[%add3A_179] : memref<320000xi32, #tpu.memory_space<hbm>> -> memref<128xi32, #tpu.memory_space<hbm>>
      tpu.enqueue_dma source(%dma_start3A_181 : memref<128xi32, #tpu.memory_space<hbm>>) target(%arg9 : memref<128xi32, #tpu.memory_space<vmem>>) target_semaphore(%arg15 : memref<!tpu.dma_semaphore, #tpu.memory_space<semaphore_mem>>)
      %mul3A_182 = arith.constant 128 : i32
      %mul3A_183 = arith.muli %add3A_168, %mul3A_182 : i32
      %dma_start3A_184 = arith.constant 1 : i32
      %dma_start3A_185 = arith.constant 0 : i32
      %dma_start3A_186 = arith.constant 0 : i32
      %dma_start3A_187 = tpu.memref_slice %arg11[%dma_start3A_184, %dma_start3A_185, %dma_start3A_186] : memref<2x128x128xf32, #tpu.memory_space<vmem>> -> memref<1x128x128xf32, #tpu.memory_space<vmem>>
      %dma_start3A_188 = tpu.memref_squeeze %dma_start3A_187 : memref<1x128x128xf32, #tpu.memory_space<vmem>> -> memref<128x128xf32, #tpu.memory_space<vmem>>
      %dma_start3A_189 = tpu.memref_slice %arg7[%mul3A_183] : memref<10000xi32, #tpu.memory_space<vmem>> -> memref<128xi32, #tpu.memory_space<vmem>>
      %dma_start3A_190 = arith.constant 0 : i32
      %dma_start3A_191 = arith.constant 0 : i32
      %dma_start3A_192 = tpu.memref_slice %arg4[%dma_start3A_190, %dma_start3A_191] : memref<10000x128xf32, #tpu.memory_space<hbm>> -> memref<10000x128xf32, #tpu.memory_space<hbm>>
      tpu.enqueue_indirect_dma source(%dma_start3A_192 : memref<10000x128xf32, #tpu.memory_space<hbm>>) target(%dma_start3A_188 : memref<128x128xf32, #tpu.memory_space<vmem>>) offsets(%dma_start3A_189 : memref<128xi32, #tpu.memory_space<vmem>>) semaphore(%arg17 : memref<!tpu.dma_semaphore, #tpu.memory_space<semaphore_mem>>)
      %sub3A_193 = arith.constant 1 : i32
      %sub3A_194 = arith.subi %add3A_168, %sub3A_193 : i32
      %mul3A_195 = arith.constant 128 : i32
      %mul3A_196 = arith.muli %sub3A_194, %mul3A_195 : i32
      %dma_wait3A_197 = arith.constant 0 : i32
      %dma_wait3A_198 = arith.constant 0 : i32
      %dma_wait3A_199 = arith.constant 0 : i32
      %dma_wait3A_200 = tpu.memref_slice %arg11[%dma_wait3A_197, %dma_wait3A_198, %dma_wait3A_199] : memref<2x128x128xf32, #tpu.memory_space<vmem>> -> memref<1x128x128xf32, #tpu.memory_space<vmem>>
      %dma_wait3A_201 = tpu.memref_squeeze %dma_wait3A_200 : memref<1x128x128xf32, #tpu.memory_space<vmem>> -> memref<128x128xf32, #tpu.memory_space<vmem>>
      %dma_wait3A_202 = tpu.memref_slice %arg7[%mul3A_196] : memref<10000xi32, #tpu.memory_space<vmem>> -> memref<128xi32, #tpu.memory_space<vmem>>
      %dma_wait3A_203 = arith.constant 0 : i32
      %dma_wait3A_204 = arith.constant 0 : i32
      %dma_wait3A_205 = tpu.memref_slice %arg4[%dma_wait3A_203, %dma_wait3A_204] : memref<10000x128xf32, #tpu.memory_space<hbm>> -> memref<10000x128xf32, #tpu.memory_space<hbm>>
      tpu.wait_indirect_dma semaphore(%arg16 : memref<!tpu.dma_semaphore, #tpu.memory_space<semaphore_mem>>) src(%dma_wait3A_205 : memref<10000x128xf32, #tpu.memory_space<hbm>>) dst(%dma_wait3A_201 : memref<128x128xf32, #tpu.memory_space<vmem>>)
      %sub3A_206 = arith.constant 1 : i32
      %sub3A_207 = arith.subi %add3A_168, %sub3A_206 : i32
      %mul3A_208 = arith.constant 128 : i32
      %mul3A_209 = arith.muli %sub3A_207, %mul3A_208 : i32
      %add3A_210 = arith.addi %add3A, %mul3A_209 : i32
      %dma_wait3A_211 = tpu.memref_slice %arg3[%add3A_210] : memref<320000xi32, #tpu.memory_space<hbm>> -> memref<128xi32, #tpu.memory_space<hbm>>
      %dma_wait3A_212 = tpu.memref_slice %arg3[%add3A_210] : memref<320000xi32, #tpu.memory_space<hbm>> -> memref<128xi32, #tpu.memory_space<hbm>>
      tpu.wait_dma2 semaphore(%arg14 : memref<!tpu.dma_semaphore, #tpu.memory_space<semaphore_mem>>) src(%dma_wait3A_212 : memref<128xi32, #tpu.memory_space<hbm>>) dst(%arg8 : memref<128xi32, #tpu.memory_space<vmem>>)
      %dma_start3A_213 = arith.constant 0 : i32
      %dma_start3A_214 = arith.constant 0 : i32
      %dma_start3A_215 = arith.constant 0 : i32
      %dma_start3A_216 = tpu.memref_slice %arg11[%dma_start3A_213, %dma_start3A_214, %dma_start3A_215] : memref<2x128x128xf32, #tpu.memory_space<vmem>> -> memref<1x128x128xf32, #tpu.memory_space<vmem>>
      %dma_start3A_217 = tpu.memref_squeeze %dma_start3A_216 : memref<1x128x128xf32, #tpu.memory_space<vmem>> -> memref<128x128xf32, #tpu.memory_space<vmem>>
      %dma_start3A_218 = arith.constant 0 : i32
      %dma_start3A_219 = arith.constant 0 : i32
      %dma_start3A_220 = tpu.memref_slice %arg13[%dma_start3A_218, %dma_start3A_219] : memref<10112x128xf32, #tpu.memory_space<vmem_shared>> -> memref<10112x128xf32, #tpu.memory_space<vmem_shared>>
      tpu.enqueue_indirect_dma source(%dma_start3A_217 : memref<128x128xf32, #tpu.memory_space<vmem>>) target(%dma_start3A_220 : memref<10112x128xf32, #tpu.memory_space<vmem_shared>>) offsets(%arg8 : memref<128xi32, #tpu.memory_space<vmem>>) semaphore(%arg18 : memref<!tpu.dma_semaphore, #tpu.memory_space<semaphore_mem>>) {add = true}
    }
    %scan3A_57 = arith.constant 38 : i32
    %dma_wait3A_58 = arith.constant 1 : i32
    %dma_wait3A_59 = arith.constant 0 : i32
    %dma_wait3A_60 = arith.constant 0 : i32
    %dma_wait3A_61 = tpu.memref_slice %arg11[%dma_wait3A_58, %dma_wait3A_59, %dma_wait3A_60] : memref<2x128x128xf32, #tpu.memory_space<vmem>> -> memref<1x128x128xf32, #tpu.memory_space<vmem>>
    %dma_wait3A_62 = tpu.memref_squeeze %dma_wait3A_61 : memref<1x128x128xf32, #tpu.memory_space<vmem>> -> memref<128x128xf32, #tpu.memory_space<vmem>>
    %dma_wait3A_63 = arith.constant 9856 : i32
    %dma_wait3A_64 = tpu.memref_slice %arg7[%dma_wait3A_63] : memref<10000xi32, #tpu.memory_space<vmem>> -> memref<128xi32, #tpu.memory_space<vmem>>
    %dma_wait3A_65 = arith.constant 0 : i32
    %dma_wait3A_66 = arith.constant 0 : i32
    %dma_wait3A_67 = tpu.memref_slice %arg4[%dma_wait3A_65, %dma_wait3A_66] : memref<10000x128xf32, #tpu.memory_space<hbm>> -> memref<10000x128xf32, #tpu.memory_space<hbm>>
    tpu.wait_indirect_dma semaphore(%arg17 : memref<!tpu.dma_semaphore, #tpu.memory_space<semaphore_mem>>) src(%dma_wait3A_67 : memref<10000x128xf32, #tpu.memory_space<hbm>>) dst(%dma_wait3A_62 : memref<128x128xf32, #tpu.memory_space<vmem>>)
    %add3A_68 = arith.constant 9856 : i32
    %add3A_69 = arith.addi %add3A, %add3A_68 : i32
    %dma_wait3A_70 = tpu.memref_slice %arg3[%add3A_69] : memref<320000xi32, #tpu.memory_space<hbm>> -> memref<128xi32, #tpu.memory_space<hbm>>
    %dma_wait3A_71 = tpu.memref_slice %arg3[%add3A_69] : memref<320000xi32, #tpu.memory_space<hbm>> -> memref<128xi32, #tpu.memory_space<hbm>>
    tpu.wait_dma2 semaphore(%arg15 : memref<!tpu.dma_semaphore, #tpu.memory_space<semaphore_mem>>) src(%dma_wait3A_71 : memref<128xi32, #tpu.memory_space<hbm>>) dst(%arg9 : memref<128xi32, #tpu.memory_space<vmem>>)
    %dma_start3A_72 = arith.constant 1 : i32
    %dma_start3A_73 = arith.constant 0 : i32
    %dma_start3A_74 = arith.constant 0 : i32
    %dma_start3A_75 = tpu.memref_slice %arg11[%dma_start3A_72, %dma_start3A_73, %dma_start3A_74] : memref<2x128x128xf32, #tpu.memory_space<vmem>> -> memref<1x128x128xf32, #tpu.memory_space<vmem>>
    %dma_start3A_76 = tpu.memref_squeeze %dma_start3A_75 : memref<1x128x128xf32, #tpu.memory_space<vmem>> -> memref<128x128xf32, #tpu.memory_space<vmem>>
    %dma_start3A_77 = arith.constant 0 : i32
    %dma_start3A_78 = arith.constant 0 : i32
    %dma_start3A_79 = tpu.memref_slice %arg13[%dma_start3A_77, %dma_start3A_78] : memref<10112x128xf32, #tpu.memory_space<vmem_shared>> -> memref<10112x128xf32, #tpu.memory_space<vmem_shared>>
    tpu.enqueue_indirect_dma source(%dma_start3A_76 : memref<128x128xf32, #tpu.memory_space<vmem>>) target(%dma_start3A_79 : memref<10112x128xf32, #tpu.memory_space<vmem_shared>>) offsets(%arg9 : memref<128xi32, #tpu.memory_space<vmem>>) semaphore(%arg18 : memref<!tpu.dma_semaphore, #tpu.memory_space<semaphore_mem>>) {add = true}
    %dma_wait3A_80 = arith.constant 0 : i32
    %dma_wait3A_81 = arith.constant 0 : i32
    %dma_wait3A_82 = arith.constant 0 : i32
    %dma_wait3A_83 = tpu.memref_slice %arg11[%dma_wait3A_80, %dma_wait3A_81, %dma_wait3A_82] : memref<2x128x128xf32, #tpu.memory_space<vmem>> -> memref<1x128x128xf32, #tpu.memory_space<vmem>>
    %dma_wait3A_84 = tpu.memref_squeeze %dma_wait3A_83 : memref<1x128x128xf32, #tpu.memory_space<vmem>> -> memref<128x128xf32, #tpu.memory_space<vmem>>
    %dma_wait3A_85 = arith.constant 0 : i32
    %dma_wait3A_86 = arith.constant 0 : i32
    %dma_wait3A_87 = tpu.memref_slice %arg13[%dma_wait3A_85, %dma_wait3A_86] : memref<10112x128xf32, #tpu.memory_space<vmem_shared>> -> memref<10112x128xf32, #tpu.memory_space<vmem_shared>>
    tpu.wait_indirect_dma semaphore(%arg18 : memref<!tpu.dma_semaphore, #tpu.memory_space<semaphore_mem>>) src(%dma_wait3A_84 : memref<128x128xf32, #tpu.memory_space<vmem>>) dst(%dma_wait3A_87 : memref<10112x128xf32, #tpu.memory_space<vmem_shared>>)
    %dma_wait3A_88 = arith.constant 1 : i32
    %dma_wait3A_89 = arith.constant 0 : i32
    %dma_wait3A_90 = arith.constant 0 : i32
    %dma_wait3A_91 = tpu.memref_slice %arg11[%dma_wait3A_88, %dma_wait3A_89, %dma_wait3A_90] : memref<2x128x128xf32, #tpu.memory_space<vmem>> -> memref<1x128x128xf32, #tpu.memory_space<vmem>>
    %dma_wait3A_92 = tpu.memref_squeeze %dma_wait3A_91 : memref<1x128x128xf32, #tpu.memory_space<vmem>> -> memref<128x128xf32, #tpu.memory_space<vmem>>
    %dma_wait3A_93 = arith.constant 0 : i32
    %dma_wait3A_94 = arith.constant 0 : i32
    %dma_wait3A_95 = tpu.memref_slice %arg13[%dma_wait3A_93, %dma_wait3A_94] : memref<10112x128xf32, #tpu.memory_space<vmem_shared>> -> memref<10112x128xf32, #tpu.memory_space<vmem_shared>>
    tpu.wait_indirect_dma semaphore(%arg18 : memref<!tpu.dma_semaphore, #tpu.memory_space<semaphore_mem>>) src(%dma_wait3A_92 : memref<128x128xf32, #tpu.memory_space<vmem>>) dst(%dma_wait3A_95 : memref<10112x128xf32, #tpu.memory_space<vmem_shared>>)
    %add3A_96 = arith.constant 9984 : i32
    %add3A_97 = arith.addi %add3A, %add3A_96 : i32
    "tpu.region"() ({
      %run_scoped3A = tpu.sem_alloc : memref<!tpu.dma_semaphore, #tpu.memory_space<semaphore_mem>>
      %dma_start3A_109 = tpu.memref_slice %arg3[%add3A_97] : memref<320000xi32, #tpu.memory_space<hbm>> -> memref<16xi32, #tpu.memory_space<hbm>>
      %dma_start3A_110 = tpu.memref_slice %arg3[%add3A_97] : memref<320000xi32, #tpu.memory_space<hbm>> -> memref<16xi32, #tpu.memory_space<hbm>>
      tpu.enqueue_dma source(%dma_start3A_110 : memref<16xi32, #tpu.memory_space<hbm>>) target(%arg10 : memref<16xi32, #tpu.memory_space<vmem>>) target_semaphore(%run_scoped3A : memref<!tpu.dma_semaphore, #tpu.memory_space<semaphore_mem>>)
      %dma_wait3A_111 = tpu.memref_slice %arg3[%add3A_97] : memref<320000xi32, #tpu.memory_space<hbm>> -> memref<16xi32, #tpu.memory_space<hbm>>
      %dma_wait3A_112 = tpu.memref_slice %arg3[%add3A_97] : memref<320000xi32, #tpu.memory_space<hbm>> -> memref<16xi32, #tpu.memory_space<hbm>>
      tpu.wait_dma2 semaphore(%run_scoped3A : memref<!tpu.dma_semaphore, #tpu.memory_space<semaphore_mem>>) src(%dma_wait3A_112 : memref<16xi32, #tpu.memory_space<hbm>>) dst(%arg10 : memref<16xi32, #tpu.memory_space<vmem>>)
      tpu.yield
    }) : () -> ()
    %dma_start3A_98 = arith.constant 9984 : i32
    %dma_start3A_99 = tpu.memref_slice %arg7[%dma_start3A_98] : memref<10000xi32, #tpu.memory_space<vmem>> -> memref<16xi32, #tpu.memory_space<vmem>>
    %dma_start3A_100 = arith.constant 0 : i32
    %dma_start3A_101 = arith.constant 0 : i32
    %dma_start3A_102 = tpu.memref_slice %arg4[%dma_start3A_100, %dma_start3A_101] : memref<10000x128xf32, #tpu.memory_space<hbm>> -> memref<10000x128xf32, #tpu.memory_space<hbm>>
    tpu.enqueue_indirect_dma source(%dma_start3A_102 : memref<10000x128xf32, #tpu.memory_space<hbm>>) target(%arg12 : memref<16x128xf32, #tpu.memory_space<vmem>>) offsets(%dma_start3A_99 : memref<16xi32, #tpu.memory_space<vmem>>) semaphore(%arg16 : memref<!tpu.dma_semaphore, #tpu.memory_space<semaphore_mem>>)
    %dma_wait3A_103 = arith.constant 9984 : i32
    %dma_wait3A_104 = tpu.memref_slice %arg7[%dma_wait3A_103] : memref<10000xi32, #tpu.memory_space<vmem>> -> memref<16xi32, #tpu.memory_space<vmem>>
    %dma_wait3A_105 = arith.constant 0 : i32
    %dma_wait3A_106 = arith.constant 0 : i32
    %dma_wait3A_107 = tpu.memref_slice %arg4[%dma_wait3A_105, %dma_wait3A_106] : memref<10000x128xf32, #tpu.memory_space<hbm>> -> memref<10000x128xf32, #tpu.memory_space<hbm>>
    tpu.wait_indirect_dma semaphore(%arg16 : memref<!tpu.dma_semaphore, #tpu.memory_space<semaphore_mem>>) src(%dma_wait3A_107 : memref<10000x128xf32, #tpu.memory_space<hbm>>) dst(%arg12 : memref<16x128xf32, #tpu.memory_space<vmem>>)
    "tpu.region"() ({
      %run_scoped3A = tpu.sem_alloc : memref<!tpu.dma_semaphore, #tpu.memory_space<semaphore_mem>>
      %dma_start3A_109 = arith.constant 0 : i32
      %dma_start3A_110 = arith.constant 0 : i32
      %dma_start3A_111 = tpu.memref_slice %arg13[%dma_start3A_109, %dma_start3A_110] : memref<10112x128xf32, #tpu.memory_space<vmem_shared>> -> memref<10112x128xf32, #tpu.memory_space<vmem_shared>>
      tpu.enqueue_indirect_dma source(%arg12 : memref<16x128xf32, #tpu.memory_space<vmem>>) target(%dma_start3A_111 : memref<10112x128xf32, #tpu.memory_space<vmem_shared>>) offsets(%arg10 : memref<16xi32, #tpu.memory_space<vmem>>) semaphore(%run_scoped3A : memref<!tpu.dma_semaphore, #tpu.memory_space<semaphore_mem>>) {add = true}
      %dma_wait3A_112 = arith.constant 0 : i32
      %dma_wait3A_113 = arith.constant 0 : i32
      %dma_wait3A_114 = tpu.memref_slice %arg13[%dma_wait3A_112, %dma_wait3A_113] : memref<10112x128xf32, #tpu.memory_space<vmem_shared>> -> memref<10112x128xf32, #tpu.memory_space<vmem_shared>>
      tpu.wait_indirect_dma semaphore(%run_scoped3A : memref<!tpu.dma_semaphore, #tpu.memory_space<semaphore_mem>>) src(%arg12 : memref<16x128xf32, #tpu.memory_space<vmem>>) dst(%dma_wait3A_114 : memref<10112x128xf32, #tpu.memory_space<vmem_shared>>)
      tpu.yield
    }) : () -> ()
    %barrier3A_108 = arith.constant 0 : index
    tpu.barrier barrier_id(%barrier3A_108)
    "tpu.region"() ({
      %run_scoped3A = tpu.sem_alloc : memref<!tpu.dma_semaphore, #tpu.memory_space<semaphore_mem>>
      %dma_start3A_109 = arith.constant 0 : i32
      %dma_start3A_110 = tpu.memref_slice %arg6[%arg0, %mul3A_0, %dma_start3A_109] : memref<2x10112x128xf32, #tpu.memory_space<hbm>> -> memref<1x632x128xf32, #tpu.memory_space<hbm>>
      %dma_start3A_111 = tpu.memref_squeeze %dma_start3A_110 : memref<1x632x128xf32, #tpu.memory_space<hbm>> -> memref<632x128xf32, #tpu.memory_space<hbm>>
      %dma_start3A_112 = arith.constant 0 : i32
      %dma_start3A_113 = tpu.memref_slice %arg13[%mul3A_0, %dma_start3A_112] : memref<10112x128xf32, #tpu.memory_space<vmem_shared>> -> memref<632x128xf32, #tpu.memory_space<vmem_shared>>
      tpu.enqueue_dma source(%dma_start3A_113 : memref<632x128xf32, #tpu.memory_space<vmem_shared>>) target(%dma_start3A_111 : memref<632x128xf32, #tpu.memory_space<hbm>>) target_semaphore(%run_scoped3A : memref<!tpu.dma_semaphore, #tpu.memory_space<semaphore_mem>>)
      %dma_wait3A_114 = arith.constant 0 : i32
      %dma_wait3A_115 = tpu.memref_slice %arg6[%arg0, %mul3A_0, %dma_wait3A_114] : memref<2x10112x128xf32, #tpu.memory_space<hbm>> -> memref<1x632x128xf32, #tpu.memory_space<hbm>>
      %dma_wait3A_116 = tpu.memref_squeeze %dma_wait3A_115 : memref<1x632x128xf32, #tpu.memory_space<hbm>> -> memref<632x128xf32, #tpu.memory_space<hbm>>
      %dma_wait3A_117 = arith.constant 0 : i32
      %dma_wait3A_118 = tpu.memref_slice %arg13[%mul3A_0, %dma_wait3A_117] : memref<10112x128xf32, #tpu.memory_space<vmem_shared>> -> memref<632x128xf32, #tpu.memory_space<vmem_shared>>
      tpu.wait_dma2 semaphore(%run_scoped3A : memref<!tpu.dma_semaphore, #tpu.memory_space<semaphore_mem>>) src(%dma_wait3A_118 : memref<632x128xf32, #tpu.memory_space<vmem_shared>>) dst(%dma_wait3A_116 : memref<632x128xf32, #tpu.memory_space<hbm>>)
      tpu.yield
    }) : () -> ()
    return
  }
}

#map = affine_map<(d0, d1) -> (0)>
#map1 = affine_map<(d0, d1) -> (0, 0)>
#map2 = affine_map<(d0, d1) -> (0, 0, 0)>
module attributes {stable_mosaic.version = 14 : i64} {
  func.func @k(%arg0: i32, %arg1: i32, %arg2: memref<320000xi32, #tpu.memory_space<hbm>>, %arg3: memref<320000xi32, #tpu.memory_space<hbm>>, %arg4: memref<10000x128xf32, #tpu.memory_space<hbm>>, %arg5: memref<10112x128xf32, #tpu.memory_space<hbm>>, %arg6: memref<80xi32, #tpu.memory_space<hbm>>, %arg7: memref<2x10112x128xf32, #tpu.memory_space<hbm>>, %arg8: memref<2x80x128xf32, #tpu.memory_space<hbm>>, %arg9: memref<10000xi32, #tpu.memory_space<vmem>>, %arg10: memref<80xi32, #tpu.memory_space<vmem>>, %arg11: memref<80xi32, #tpu.memory_space<vmem>>, %arg12: memref<2x80x128xf32, #tpu.memory_space<vmem>>, %arg13: memref<80x128xf32, #tpu.memory_space<vmem>>, %arg14: memref<80xi32, #tpu.memory_space<vmem>>, %arg15: memref<10112x128xf32, #tpu.memory_space<vmem_shared>>, %arg16: memref<80x128xf32, #tpu.memory_space<vmem_shared>>, %arg17: memref<!tpu.dma_semaphore, #tpu.memory_space<semaphore_mem>>, %arg18: memref<!tpu.dma_semaphore, #tpu.memory_space<semaphore_mem>>, %arg19: memref<!tpu.dma_semaphore, #tpu.memory_space<semaphore_mem>>, %arg20: memref<!tpu.dma_semaphore, #tpu.memory_space<semaphore_mem>>, %arg21: memref<!tpu.dma_semaphore, #tpu.memory_space<semaphore_mem>>) attributes {dimension_semantics = [#tpu.dimension_semantics<core_parallel>, #tpu.dimension_semantics<subcore_parallel>], iteration_bounds = array<i64: 2, 16>, scalar_prefetch = 0 : i64, scratch_operands = 13 : i64, tpu.core_type = #tpu.core_type<sc_vector_subcore>, window_params = [{transform_indices = #map}, {transform_indices = #map}, {transform_indices = #map1}, {transform_indices = #map1}, {transform_indices = #map}, {transform_indices = #map2}, {transform_indices = #map2}]} {
    %mul3A = arith.constant 632 : i32
    %mul3A_0 = arith.muli %arg1, %mul3A : i32
    "tpu.region"() ({
      %run_scoped3A = tpu.sem_alloc : memref<!tpu.dma_semaphore, #tpu.memory_space<semaphore_mem>>
      %dma_start3A_271 = arith.constant 0 : i32
      %dma_start3A_272 = tpu.memref_slice %arg15[%mul3A_0, %dma_start3A_271] : memref<10112x128xf32, #tpu.memory_space<vmem_shared>> -> memref<632x128xf32, #tpu.memory_space<vmem_shared>>
      %dma_start3A_273 = arith.constant 0 : i32
      %dma_start3A_274 = tpu.memref_slice %arg5[%mul3A_0, %dma_start3A_273] : memref<10112x128xf32, #tpu.memory_space<hbm>> -> memref<632x128xf32, #tpu.memory_space<hbm>>
      tpu.enqueue_dma source(%dma_start3A_274 : memref<632x128xf32, #tpu.memory_space<hbm>>) target(%dma_start3A_272 : memref<632x128xf32, #tpu.memory_space<vmem_shared>>) target_semaphore(%run_scoped3A : memref<!tpu.dma_semaphore, #tpu.memory_space<semaphore_mem>>)
      %dma_wait3A_275 = arith.constant 0 : i32
      %dma_wait3A_276 = tpu.memref_slice %arg15[%mul3A_0, %dma_wait3A_275] : memref<10112x128xf32, #tpu.memory_space<vmem_shared>> -> memref<632x128xf32, #tpu.memory_space<vmem_shared>>
      %dma_wait3A_277 = arith.constant 0 : i32
      %dma_wait3A_278 = tpu.memref_slice %arg5[%mul3A_0, %dma_wait3A_277] : memref<10112x128xf32, #tpu.memory_space<hbm>> -> memref<632x128xf32, #tpu.memory_space<hbm>>
      tpu.wait_dma2 semaphore(%run_scoped3A : memref<!tpu.dma_semaphore, #tpu.memory_space<semaphore_mem>>) src(%dma_wait3A_278 : memref<632x128xf32, #tpu.memory_space<hbm>>) dst(%dma_wait3A_276 : memref<632x128xf32, #tpu.memory_space<vmem_shared>>)
      tpu.yield
    }) : () -> ()
    "tpu.region"() ({
      %run_scoped3A = tpu.sem_alloc : memref<!tpu.dma_semaphore, #tpu.memory_space<semaphore_mem>>
      %dma_start3A_271 = arith.constant 0 : i32
      %dma_start3A_272 = arith.constant 0 : i32
      %dma_start3A_273 = tpu.memref_slice %arg5[%dma_start3A_271, %dma_start3A_272] : memref<10112x128xf32, #tpu.memory_space<hbm>> -> memref<80x128xf32, #tpu.memory_space<hbm>>
      %dma_start3A_274 = arith.constant 0 : i32
      %dma_start3A_275 = arith.constant 0 : i32
      %dma_start3A_276 = tpu.memref_slice %arg5[%dma_start3A_274, %dma_start3A_275] : memref<10112x128xf32, #tpu.memory_space<hbm>> -> memref<80x128xf32, #tpu.memory_space<hbm>>
      tpu.enqueue_dma source(%dma_start3A_276 : memref<80x128xf32, #tpu.memory_space<hbm>>) target(%arg13 : memref<80x128xf32, #tpu.memory_space<vmem>>) target_semaphore(%run_scoped3A : memref<!tpu.dma_semaphore, #tpu.memory_space<semaphore_mem>>)
      %dma_wait3A_277 = arith.constant 0 : i32
      %dma_wait3A_278 = arith.constant 0 : i32
      %dma_wait3A_279 = tpu.memref_slice %arg5[%dma_wait3A_277, %dma_wait3A_278] : memref<10112x128xf32, #tpu.memory_space<hbm>> -> memref<80x128xf32, #tpu.memory_space<hbm>>
      %dma_wait3A_280 = arith.constant 0 : i32
      %dma_wait3A_281 = arith.constant 0 : i32
      %dma_wait3A_282 = tpu.memref_slice %arg5[%dma_wait3A_280, %dma_wait3A_281] : memref<10112x128xf32, #tpu.memory_space<hbm>> -> memref<80x128xf32, #tpu.memory_space<hbm>>
      tpu.wait_dma2 semaphore(%run_scoped3A : memref<!tpu.dma_semaphore, #tpu.memory_space<semaphore_mem>>) src(%dma_wait3A_282 : memref<80x128xf32, #tpu.memory_space<hbm>>) dst(%arg13 : memref<80x128xf32, #tpu.memory_space<vmem>>)
      tpu.yield
    }) : () -> ()
    "tpu.region"() ({
      %run_scoped3A = tpu.sem_alloc : memref<!tpu.dma_semaphore, #tpu.memory_space<semaphore_mem>>
      tpu.enqueue_dma source(%arg6 : memref<80xi32, #tpu.memory_space<hbm>>) target(%arg14 : memref<80xi32, #tpu.memory_space<vmem>>) target_semaphore(%run_scoped3A : memref<!tpu.dma_semaphore, #tpu.memory_space<semaphore_mem>>)
      tpu.wait_dma2 semaphore(%run_scoped3A : memref<!tpu.dma_semaphore, #tpu.memory_space<semaphore_mem>>) src(%arg6 : memref<80xi32, #tpu.memory_space<hbm>>) dst(%arg14 : memref<80xi32, #tpu.memory_space<vmem>>)
      tpu.yield
    }) : () -> ()
    %mul3A_1 = arith.constant 160000 : i32
    %mul3A_2 = arith.muli %arg0, %mul3A_1 : i32
    %mul3A_3 = arith.constant 10000 : i32
    %mul3A_4 = arith.muli %arg1, %mul3A_3 : i32
    %add3A = arith.addi %mul3A_2, %mul3A_4 : i32
    "tpu.region"() ({
      %run_scoped3A = tpu.sem_alloc : memref<!tpu.dma_semaphore, #tpu.memory_space<semaphore_mem>>
      %dma_start3A_271 = tpu.memref_slice %arg2[%add3A] : memref<320000xi32, #tpu.memory_space<hbm>> -> memref<10000xi32, #tpu.memory_space<hbm>>
      %dma_start3A_272 = tpu.memref_slice %arg2[%add3A] : memref<320000xi32, #tpu.memory_space<hbm>> -> memref<10000xi32, #tpu.memory_space<hbm>>
      tpu.enqueue_dma source(%dma_start3A_272 : memref<10000xi32, #tpu.memory_space<hbm>>) target(%arg9 : memref<10000xi32, #tpu.memory_space<vmem>>) target_semaphore(%run_scoped3A : memref<!tpu.dma_semaphore, #tpu.memory_space<semaphore_mem>>)
      %dma_wait3A_273 = tpu.memref_slice %arg2[%add3A] : memref<320000xi32, #tpu.memory_space<hbm>> -> memref<10000xi32, #tpu.memory_space<hbm>>
      %dma_wait3A_274 = tpu.memref_slice %arg2[%add3A] : memref<320000xi32, #tpu.memory_space<hbm>> -> memref<10000xi32, #tpu.memory_space<hbm>>
      tpu.wait_dma2 semaphore(%run_scoped3A : memref<!tpu.dma_semaphore, #tpu.memory_space<semaphore_mem>>) src(%dma_wait3A_274 : memref<10000xi32, #tpu.memory_space<hbm>>) dst(%arg9 : memref<10000xi32, #tpu.memory_space<vmem>>)
      tpu.yield
    }) : () -> ()
    %lt3A = arith.constant 10 : i32
    %lt3A_5 = arith.cmpi slt, %arg1, %lt3A : i32
    %convert_element_type3A = arith.extui %lt3A_5 : i1 to i32
    %cond3A = arith.constant 0 : i32
    %cond3A_6 = arith.cmpi ne, %convert_element_type3A, %cond3A : i32
    scf.if %cond3A_6 {
      %mul3A_271 = arith.constant 8 : i32
      %mul3A_272 = arith.muli %arg1, %mul3A_271 : i32
      "tpu.region"() ({
        %run_scoped3A = tpu.sem_alloc : memref<!tpu.dma_semaphore, #tpu.memory_space<semaphore_mem>>
        %dma_start3A_273 = arith.constant 0 : i32
        %dma_start3A_274 = tpu.memref_slice %arg16[%mul3A_272, %dma_start3A_273] : memref<80x128xf32, #tpu.memory_space<vmem_shared>> -> memref<8x128xf32, #tpu.memory_space<vmem_shared>>
        %dma_start3A_275 = arith.constant 0 : i32
        %dma_start3A_276 = tpu.memref_slice %arg5[%mul3A_272, %dma_start3A_275] : memref<10112x128xf32, #tpu.memory_space<hbm>> -> memref<8x128xf32, #tpu.memory_space<hbm>>
        tpu.enqueue_dma source(%dma_start3A_276 : memref<8x128xf32, #tpu.memory_space<hbm>>) target(%dma_start3A_274 : memref<8x128xf32, #tpu.memory_space<vmem_shared>>) target_semaphore(%run_scoped3A : memref<!tpu.dma_semaphore, #tpu.memory_space<semaphore_mem>>)
        %dma_wait3A_277 = arith.constant 0 : i32
        %dma_wait3A_278 = tpu.memref_slice %arg16[%mul3A_272, %dma_wait3A_277] : memref<80x128xf32, #tpu.memory_space<vmem_shared>> -> memref<8x128xf32, #tpu.memory_space<vmem_shared>>
        %dma_wait3A_279 = arith.constant 0 : i32
        %dma_wait3A_280 = tpu.memref_slice %arg5[%mul3A_272, %dma_wait3A_279] : memref<10112x128xf32, #tpu.memory_space<hbm>> -> memref<8x128xf32, #tpu.memory_space<hbm>>
        tpu.wait_dma2 semaphore(%run_scoped3A : memref<!tpu.dma_semaphore, #tpu.memory_space<semaphore_mem>>) src(%dma_wait3A_280 : memref<8x128xf32, #tpu.memory_space<hbm>>) dst(%dma_wait3A_278 : memref<8x128xf32, #tpu.memory_space<vmem_shared>>)
        tpu.yield
      }) : () -> ()
    } else {
    }
    %barrier3A = arith.constant 0 : index
    tpu.barrier barrier_id(%barrier3A)
    %add3A_7 = arith.constant 0 : i32
    %add3A_8 = arith.addi %add3A, %add3A_7 : i32
    %dma_start3A = tpu.memref_slice %arg3[%add3A_8] : memref<320000xi32, #tpu.memory_space<hbm>> -> memref<80xi32, #tpu.memory_space<hbm>>
    %dma_start3A_9 = tpu.memref_slice %arg3[%add3A_8] : memref<320000xi32, #tpu.memory_space<hbm>> -> memref<80xi32, #tpu.memory_space<hbm>>
    tpu.enqueue_dma source(%dma_start3A_9 : memref<80xi32, #tpu.memory_space<hbm>>) target(%arg10 : memref<80xi32, #tpu.memory_space<vmem>>) target_semaphore(%arg17 : memref<!tpu.dma_semaphore, #tpu.memory_space<semaphore_mem>>)
    %dma_start3A_10 = arith.constant 0 : i32
    %dma_start3A_11 = arith.constant 0 : i32
    %dma_start3A_12 = arith.constant 0 : i32
    %dma_start3A_13 = tpu.memref_slice %arg12[%dma_start3A_10, %dma_start3A_11, %dma_start3A_12] : memref<2x80x128xf32, #tpu.memory_space<vmem>> -> memref<1x80x128xf32, #tpu.memory_space<vmem>>
    %dma_start3A_14 = tpu.memref_squeeze %dma_start3A_13 : memref<1x80x128xf32, #tpu.memory_space<vmem>> -> memref<80x128xf32, #tpu.memory_space<vmem>>
    %dma_start3A_15 = arith.constant 0 : i32
    %dma_start3A_16 = tpu.memref_slice %arg9[%dma_start3A_15] : memref<10000xi32, #tpu.memory_space<vmem>> -> memref<80xi32, #tpu.memory_space<vmem>>
    %dma_start3A_17 = arith.constant 0 : i32
    %dma_start3A_18 = arith.constant 0 : i32
    %dma_start3A_19 = tpu.memref_slice %arg4[%dma_start3A_17, %dma_start3A_18] : memref<10000x128xf32, #tpu.memory_space<hbm>> -> memref<10000x128xf32, #tpu.memory_space<hbm>>
    tpu.enqueue_indirect_dma source(%dma_start3A_19 : memref<10000x128xf32, #tpu.memory_space<hbm>>) target(%dma_start3A_14 : memref<80x128xf32, #tpu.memory_space<vmem>>) offsets(%dma_start3A_16 : memref<80xi32, #tpu.memory_space<vmem>>) semaphore(%arg19 : memref<!tpu.dma_semaphore, #tpu.memory_space<semaphore_mem>>)
    %add3A_20 = arith.constant 80 : i32
    %add3A_21 = arith.addi %add3A, %add3A_20 : i32
    %dma_start3A_22 = tpu.memref_slice %arg3[%add3A_21] : memref<320000xi32, #tpu.memory_space<hbm>> -> memref<80xi32, #tpu.memory_space<hbm>>
    %dma_start3A_23 = tpu.memref_slice %arg3[%add3A_21] : memref<320000xi32, #tpu.memory_space<hbm>> -> memref<80xi32, #tpu.memory_space<hbm>>
    tpu.enqueue_dma source(%dma_start3A_23 : memref<80xi32, #tpu.memory_space<hbm>>) target(%arg11 : memref<80xi32, #tpu.memory_space<vmem>>) target_semaphore(%arg18 : memref<!tpu.dma_semaphore, #tpu.memory_space<semaphore_mem>>)
    %dma_start3A_24 = arith.constant 1 : i32
    %dma_start3A_25 = arith.constant 0 : i32
    %dma_start3A_26 = arith.constant 0 : i32
    %dma_start3A_27 = tpu.memref_slice %arg12[%dma_start3A_24, %dma_start3A_25, %dma_start3A_26] : memref<2x80x128xf32, #tpu.memory_space<vmem>> -> memref<1x80x128xf32, #tpu.memory_space<vmem>>
    %dma_start3A_28 = tpu.memref_squeeze %dma_start3A_27 : memref<1x80x128xf32, #tpu.memory_space<vmem>> -> memref<80x128xf32, #tpu.memory_space<vmem>>
    %dma_start3A_29 = arith.constant 80 : i32
    %dma_start3A_30 = tpu.memref_slice %arg9[%dma_start3A_29] : memref<10000xi32, #tpu.memory_space<vmem>> -> memref<80xi32, #tpu.memory_space<vmem>>
    %dma_start3A_31 = arith.constant 0 : i32
    %dma_start3A_32 = arith.constant 0 : i32
    %dma_start3A_33 = tpu.memref_slice %arg4[%dma_start3A_31, %dma_start3A_32] : memref<10000x128xf32, #tpu.memory_space<hbm>> -> memref<10000x128xf32, #tpu.memory_space<hbm>>
    tpu.enqueue_indirect_dma source(%dma_start3A_33 : memref<10000x128xf32, #tpu.memory_space<hbm>>) target(%dma_start3A_28 : memref<80x128xf32, #tpu.memory_space<vmem>>) offsets(%dma_start3A_30 : memref<80xi32, #tpu.memory_space<vmem>>) semaphore(%arg20 : memref<!tpu.dma_semaphore, #tpu.memory_space<semaphore_mem>>)
    %dma_wait3A = arith.constant 0 : i32
    %dma_wait3A_34 = arith.constant 0 : i32
    %dma_wait3A_35 = arith.constant 0 : i32
    %dma_wait3A_36 = tpu.memref_slice %arg12[%dma_wait3A, %dma_wait3A_34, %dma_wait3A_35] : memref<2x80x128xf32, #tpu.memory_space<vmem>> -> memref<1x80x128xf32, #tpu.memory_space<vmem>>
    %dma_wait3A_37 = tpu.memref_squeeze %dma_wait3A_36 : memref<1x80x128xf32, #tpu.memory_space<vmem>> -> memref<80x128xf32, #tpu.memory_space<vmem>>
    %dma_wait3A_38 = arith.constant 0 : i32
    %dma_wait3A_39 = tpu.memref_slice %arg9[%dma_wait3A_38] : memref<10000xi32, #tpu.memory_space<vmem>> -> memref<80xi32, #tpu.memory_space<vmem>>
    %dma_wait3A_40 = arith.constant 0 : i32
    %dma_wait3A_41 = arith.constant 0 : i32
    %dma_wait3A_42 = tpu.memref_slice %arg4[%dma_wait3A_40, %dma_wait3A_41] : memref<10000x128xf32, #tpu.memory_space<hbm>> -> memref<10000x128xf32, #tpu.memory_space<hbm>>
    tpu.wait_indirect_dma semaphore(%arg19 : memref<!tpu.dma_semaphore, #tpu.memory_space<semaphore_mem>>) src(%dma_wait3A_42 : memref<10000x128xf32, #tpu.memory_space<hbm>>) dst(%dma_wait3A_37 : memref<80x128xf32, #tpu.memory_space<vmem>>)
    %add3A_43 = arith.constant 0 : i32
    %add3A_44 = arith.addi %add3A, %add3A_43 : i32
    %dma_wait3A_45 = tpu.memref_slice %arg3[%add3A_44] : memref<320000xi32, #tpu.memory_space<hbm>> -> memref<80xi32, #tpu.memory_space<hbm>>
    %dma_wait3A_46 = tpu.memref_slice %arg3[%add3A_44] : memref<320000xi32, #tpu.memory_space<hbm>> -> memref<80xi32, #tpu.memory_space<hbm>>
    tpu.wait_dma2 semaphore(%arg17 : memref<!tpu.dma_semaphore, #tpu.memory_space<semaphore_mem>>) src(%dma_wait3A_46 : memref<80xi32, #tpu.memory_space<hbm>>) dst(%arg10 : memref<80xi32, #tpu.memory_space<vmem>>)
    %broadcast_in_dim3A = arith.constant 1.000000e+00 : f32
    %broadcast_in_dim3A_47 = vector.broadcast %broadcast_in_dim3A : f32 to vector<16xf32>
    %get3A = arith.constant 0 : index
    %get3A_48 = tpu.vector_load %arg10[%get3A] {strides = array<i32>} : memref<80xi32, #tpu.memory_space<vmem>>, vector<16xi32>,
    %shift_right_logical3A = arith.constant 7 : i32
    %shift_right_logical3A_49 = vector.broadcast %shift_right_logical3A : i32 to vector<16xi32>
    %shift_right_logical3A_50 = arith.shrui %get3A_48, %shift_right_logical3A_49 : vector<16xi32>
    %and3A = arith.constant 127 : i32
    %and3A_51 = vector.broadcast %and3A : i32 to vector<16xi32>
    %and3A_52 = arith.andi %get3A_48, %and3A_51 : vector<16xi32>
    tpu.vector_store_idx %arg13[%shift_right_logical3A_50, %and3A_52], %broadcast_in_dim3A_47 {add = true} : memref<80x128xf32, #tpu.memory_space<vmem>>[vector<16xi32>, vector<16xi32>], vector<16xf32>,
    %get3A_53 = arith.constant 16 : index
    %get3A_54 = tpu.vector_load %arg10[%get3A_53] {strides = array<i32>} : memref<80xi32, #tpu.memory_space<vmem>>, vector<16xi32>,
    %shift_right_logical3A_55 = arith.constant 7 : i32
    %shift_right_logical3A_56 = vector.broadcast %shift_right_logical3A_55 : i32 to vector<16xi32>
    %shift_right_logical3A_57 = arith.shrui %get3A_54, %shift_right_logical3A_56 : vector<16xi32>
    %and3A_58 = arith.constant 127 : i32
    %and3A_59 = vector.broadcast %and3A_58 : i32 to vector<16xi32>
    %and3A_60 = arith.andi %get3A_54, %and3A_59 : vector<16xi32>
    tpu.vector_store_idx %arg13[%shift_right_logical3A_57, %and3A_60], %broadcast_in_dim3A_47 {add = true} : memref<80x128xf32, #tpu.memory_space<vmem>>[vector<16xi32>, vector<16xi32>], vector<16xf32>,
    %get3A_61 = arith.constant 32 : index
    %get3A_62 = tpu.vector_load %arg10[%get3A_61] {strides = array<i32>} : memref<80xi32, #tpu.memory_space<vmem>>, vector<16xi32>,
    %shift_right_logical3A_63 = arith.constant 7 : i32
    %shift_right_logical3A_64 = vector.broadcast %shift_right_logical3A_63 : i32 to vector<16xi32>
    %shift_right_logical3A_65 = arith.shrui %get3A_62, %shift_right_logical3A_64 : vector<16xi32>
    %and3A_66 = arith.constant 127 : i32
    %and3A_67 = vector.broadcast %and3A_66 : i32 to vector<16xi32>
    %and3A_68 = arith.andi %get3A_62, %and3A_67 : vector<16xi32>
    tpu.vector_store_idx %arg13[%shift_right_logical3A_65, %and3A_68], %broadcast_in_dim3A_47 {add = true} : memref<80x128xf32, #tpu.memory_space<vmem>>[vector<16xi32>, vector<16xi32>], vector<16xf32>,
    %get3A_69 = arith.constant 48 : index
    %get3A_70 = tpu.vector_load %arg10[%get3A_69] {strides = array<i32>} : memref<80xi32, #tpu.memory_space<vmem>>, vector<16xi32>,
    %shift_right_logical3A_71 = arith.constant 7 : i32
    %shift_right_logical3A_72 = vector.broadcast %shift_right_logical3A_71 : i32 to vector<16xi32>
    %shift_right_logical3A_73 = arith.shrui %get3A_70, %shift_right_logical3A_72 : vector<16xi32>
    %and3A_74 = arith.constant 127 : i32
    %and3A_75 = vector.broadcast %and3A_74 : i32 to vector<16xi32>
    %and3A_76 = arith.andi %get3A_70, %and3A_75 : vector<16xi32>
    tpu.vector_store_idx %arg13[%shift_right_logical3A_73, %and3A_76], %broadcast_in_dim3A_47 {add = true} : memref<80x128xf32, #tpu.memory_space<vmem>>[vector<16xi32>, vector<16xi32>], vector<16xf32>,
    %get3A_77 = arith.constant 64 : index
    %get3A_78 = tpu.vector_load %arg10[%get3A_77] {strides = array<i32>} : memref<80xi32, #tpu.memory_space<vmem>>, vector<16xi32>,
    %shift_right_logical3A_79 = arith.constant 7 : i32
    %shift_right_logical3A_80 = vector.broadcast %shift_right_logical3A_79 : i32 to vector<16xi32>
    %shift_right_logical3A_81 = arith.shrui %get3A_78, %shift_right_logical3A_80 : vector<16xi32>
    %and3A_82 = arith.constant 127 : i32
    %and3A_83 = vector.broadcast %and3A_82 : i32 to vector<16xi32>
    %and3A_84 = arith.andi %get3A_78, %and3A_83 : vector<16xi32>
    tpu.vector_store_idx %arg13[%shift_right_logical3A_81, %and3A_84], %broadcast_in_dim3A_47 {add = true} : memref<80x128xf32, #tpu.memory_space<vmem>>[vector<16xi32>, vector<16xi32>], vector<16xf32>,
    %dma_start3A_85 = arith.constant 0 : i32
    %dma_start3A_86 = arith.constant 0 : i32
    %dma_start3A_87 = arith.constant 0 : i32
    %dma_start3A_88 = tpu.memref_slice %arg12[%dma_start3A_85, %dma_start3A_86, %dma_start3A_87] : memref<2x80x128xf32, #tpu.memory_space<vmem>> -> memref<1x80x128xf32, #tpu.memory_space<vmem>>
    %dma_start3A_89 = tpu.memref_squeeze %dma_start3A_88 : memref<1x80x128xf32, #tpu.memory_space<vmem>> -> memref<80x128xf32, #tpu.memory_space<vmem>>
    %dma_start3A_90 = arith.constant 0 : i32
    %dma_start3A_91 = arith.constant 0 : i32
    %dma_start3A_92 = tpu.memref_slice %arg15[%dma_start3A_90, %dma_start3A_91] : memref<10112x128xf32, #tpu.memory_space<vmem_shared>> -> memref<10112x128xf32, #tpu.memory_space<vmem_shared>>
    tpu.enqueue_indirect_dma source(%dma_start3A_89 : memref<80x128xf32, #tpu.memory_space<vmem>>) target(%dma_start3A_92 : memref<10112x128xf32, #tpu.memory_space<vmem_shared>>) offsets(%arg10 : memref<80xi32, #tpu.memory_space<vmem>>) semaphore(%arg21 : memref<!tpu.dma_semaphore, #tpu.memory_space<semaphore_mem>>) {add = true}
    %scan3A = arith.constant 0 : i32
    %scan3A_93 = arith.constant 0 : i32
    %scan3A_94 = arith.constant 61 : i32
    %scan3A_95 = arith.addi %scan3A_93, %scan3A_94 : i32
    %scan3A_96 = arith.constant 1 : i32
    scf.for %scan3A_271 = %scan3A_93 to %scan3A_95 step %scan3A_96  : i32 {
      %mul3A_272 = arith.constant 2 : i32
      %mul3A_273 = arith.muli %mul3A_272, %scan3A_271 : i32
      %add3A_274 = arith.constant 2 : i32
      %add3A_275 = arith.addi %mul3A_273, %add3A_274 : i32
      %dma_wait3A_276 = arith.constant 0 : i32
      %dma_wait3A_277 = arith.constant 0 : i32
      %dma_wait3A_278 = arith.constant 0 : i32
      %dma_wait3A_279 = tpu.memref_slice %arg12[%dma_wait3A_276, %dma_wait3A_277, %dma_wait3A_278] : memref<2x80x128xf32, #tpu.memory_space<vmem>> -> memref<1x80x128xf32, #tpu.memory_space<vmem>>
      %dma_wait3A_280 = tpu.memref_squeeze %dma_wait3A_279 : memref<1x80x128xf32, #tpu.memory_space<vmem>> -> memref<80x128xf32, #tpu.memory_space<vmem>>
      %dma_wait3A_281 = arith.constant 0 : i32
      %dma_wait3A_282 = arith.constant 0 : i32
      %dma_wait3A_283 = tpu.memref_slice %arg15[%dma_wait3A_281, %dma_wait3A_282] : memref<10112x128xf32, #tpu.memory_space<vmem_shared>> -> memref<10112x128xf32, #tpu.memory_space<vmem_shared>>
      tpu.wait_indirect_dma semaphore(%arg21 : memref<!tpu.dma_semaphore, #tpu.memory_space<semaphore_mem>>) src(%dma_wait3A_280 : memref<80x128xf32, #tpu.memory_space<vmem>>) dst(%dma_wait3A_283 : memref<10112x128xf32, #tpu.memory_space<vmem_shared>>)
      %mul3A_284 = arith.constant 80 : i32
      %mul3A_285 = arith.muli %add3A_275, %mul3A_284 : i32
      %add3A_286 = arith.addi %add3A, %mul3A_285 : i32
      %dma_start3A_287 = tpu.memref_slice %arg3[%add3A_286] : memref<320000xi32, #tpu.memory_space<hbm>> -> memref<80xi32, #tpu.memory_space<hbm>>
      %dma_start3A_288 = tpu.memref_slice %arg3[%add3A_286] : memref<320000xi32, #tpu.memory_space<hbm>> -> memref<80xi32, #tpu.memory_space<hbm>>
      tpu.enqueue_dma source(%dma_start3A_288 : memref<80xi32, #tpu.memory_space<hbm>>) target(%arg10 : memref<80xi32, #tpu.memory_space<vmem>>) target_semaphore(%arg17 : memref<!tpu.dma_semaphore, #tpu.memory_space<semaphore_mem>>)
      %mul3A_289 = arith.constant 80 : i32
      %mul3A_290 = arith.muli %add3A_275, %mul3A_289 : i32
      %dma_start3A_291 = arith.constant 0 : i32
      %dma_start3A_292 = arith.constant 0 : i32
      %dma_start3A_293 = arith.constant 0 : i32
      %dma_start3A_294 = tpu.memref_slice %arg12[%dma_start3A_291, %dma_start3A_292, %dma_start3A_293] : memref<2x80x128xf32, #tpu.memory_space<vmem>> -> memref<1x80x128xf32, #tpu.memory_space<vmem>>
      %dma_start3A_295 = tpu.memref_squeeze %dma_start3A_294 : memref<1x80x128xf32, #tpu.memory_space<vmem>> -> memref<80x128xf32, #tpu.memory_space<vmem>>
      %dma_start3A_296 = tpu.memref_slice %arg9[%mul3A_290] : memref<10000xi32, #tpu.memory_space<vmem>> -> memref<80xi32, #tpu.memory_space<vmem>>
      %dma_start3A_297 = arith.constant 0 : i32
      %dma_start3A_298 = arith.constant 0 : i32
      %dma_start3A_299 = tpu.memref_slice %arg4[%dma_start3A_297, %dma_start3A_298] : memref<10000x128xf32, #tpu.memory_space<hbm>> -> memref<10000x128xf32, #tpu.memory_space<hbm>>
      tpu.enqueue_indirect_dma source(%dma_start3A_299 : memref<10000x128xf32, #tpu.memory_space<hbm>>) target(%dma_start3A_295 : memref<80x128xf32, #tpu.memory_space<vmem>>) offsets(%dma_start3A_296 : memref<80xi32, #tpu.memory_space<vmem>>) semaphore(%arg19 : memref<!tpu.dma_semaphore, #tpu.memory_space<semaphore_mem>>)
      %sub3A = arith.constant 1 : i32
      %sub3A_300 = arith.subi %add3A_275, %sub3A : i32
      %mul3A_301 = arith.constant 80 : i32
      %mul3A_302 = arith.muli %sub3A_300, %mul3A_301 : i32
      %dma_wait3A_303 = arith.constant 1 : i32
      %dma_wait3A_304 = arith.constant 0 : i32
      %dma_wait3A_305 = arith.constant 0 : i32
      %dma_wait3A_306 = tpu.memref_slice %arg12[%dma_wait3A_303, %dma_wait3A_304, %dma_wait3A_305] : memref<2x80x128xf32, #tpu.memory_space<vmem>> -> memref<1x80x128xf32, #tpu.memory_space<vmem>>
      %dma_wait3A_307 = tpu.memref_squeeze %dma_wait3A_306 : memref<1x80x128xf32, #tpu.memory_space<vmem>> -> memref<80x128xf32, #tpu.memory_space<vmem>>
      %dma_wait3A_308 = tpu.memref_slice %arg9[%mul3A_302] : memref<10000xi32, #tpu.memory_space<vmem>> -> memref<80xi32, #tpu.memory_space<vmem>>
      %dma_wait3A_309 = arith.constant 0 : i32
      %dma_wait3A_310 = arith.constant 0 : i32
      %dma_wait3A_311 = tpu.memref_slice %arg4[%dma_wait3A_309, %dma_wait3A_310] : memref<10000x128xf32, #tpu.memory_space<hbm>> -> memref<10000x128xf32, #tpu.memory_space<hbm>>
      tpu.wait_indirect_dma semaphore(%arg20 : memref<!tpu.dma_semaphore, #tpu.memory_space<semaphore_mem>>) src(%dma_wait3A_311 : memref<10000x128xf32, #tpu.memory_space<hbm>>) dst(%dma_wait3A_307 : memref<80x128xf32, #tpu.memory_space<vmem>>)
      %sub3A_312 = arith.constant 1 : i32
      %sub3A_313 = arith.subi %add3A_275, %sub3A_312 : i32
      %mul3A_314 = arith.constant 80 : i32
      %mul3A_315 = arith.muli %sub3A_313, %mul3A_314 : i32
      %add3A_316 = arith.addi %add3A, %mul3A_315 : i32
      %dma_wait3A_317 = tpu.memref_slice %arg3[%add3A_316] : memref<320000xi32, #tpu.memory_space<hbm>> -> memref<80xi32, #tpu.memory_space<hbm>>
      %dma_wait3A_318 = tpu.memref_slice %arg3[%add3A_316] : memref<320000xi32, #tpu.memory_space<hbm>> -> memref<80xi32, #tpu.memory_space<hbm>>
      tpu.wait_dma2 semaphore(%arg18 : memref<!tpu.dma_semaphore, #tpu.memory_space<semaphore_mem>>) src(%dma_wait3A_318 : memref<80xi32, #tpu.memory_space<hbm>>) dst(%arg11 : memref<80xi32, #tpu.memory_space<vmem>>)
      %broadcast_in_dim3A_319 = arith.constant 1.000000e+00 : f32
      %broadcast_in_dim3A_320 = vector.broadcast %broadcast_in_dim3A_319 : f32 to vector<16xf32>
      %get3A_321 = arith.constant 0 : index
      %get3A_322 = tpu.vector_load %arg11[%get3A_321] {strides = array<i32>} : memref<80xi32, #tpu.memory_space<vmem>>, vector<16xi32>,
      %shift_right_logical3A_323 = arith.constant 7 : i32
      %shift_right_logical3A_324 = vector.broadcast %shift_right_logical3A_323 : i32 to vector<16xi32>
      %shift_right_logical3A_325 = arith.shrui %get3A_322, %shift_right_logical3A_324 : vector<16xi32>
      %and3A_326 = arith.constant 127 : i32
      %and3A_327 = vector.broadcast %and3A_326 : i32 to vector<16xi32>
      %and3A_328 = arith.andi %get3A_322, %and3A_327 : vector<16xi32>
      tpu.vector_store_idx %arg13[%shift_right_logical3A_325, %and3A_328], %broadcast_in_dim3A_320 {add = true} : memref<80x128xf32, #tpu.memory_space<vmem>>[vector<16xi32>, vector<16xi32>], vector<16xf32>,
      %get3A_329 = arith.constant 16 : index
      %get3A_330 = tpu.vector_load %arg11[%get3A_329] {strides = array<i32>} : memref<80xi32, #tpu.memory_space<vmem>>, vector<16xi32>,
      %shift_right_logical3A_331 = arith.constant 7 : i32
      %shift_right_logical3A_332 = vector.broadcast %shift_right_logical3A_331 : i32 to vector<16xi32>
      %shift_right_logical3A_333 = arith.shrui %get3A_330, %shift_right_logical3A_332 : vector<16xi32>
      %and3A_334 = arith.constant 127 : i32
      %and3A_335 = vector.broadcast %and3A_334 : i32 to vector<16xi32>
      %and3A_336 = arith.andi %get3A_330, %and3A_335 : vector<16xi32>
      tpu.vector_store_idx %arg13[%shift_right_logical3A_333, %and3A_336], %broadcast_in_dim3A_320 {add = true} : memref<80x128xf32, #tpu.memory_space<vmem>>[vector<16xi32>, vector<16xi32>], vector<16xf32>,
      %get3A_337 = arith.constant 32 : index
      %get3A_338 = tpu.vector_load %arg11[%get3A_337] {strides = array<i32>} : memref<80xi32, #tpu.memory_space<vmem>>, vector<16xi32>,
      %shift_right_logical3A_339 = arith.constant 7 : i32
      %shift_right_logical3A_340 = vector.broadcast %shift_right_logical3A_339 : i32 to vector<16xi32>
      %shift_right_logical3A_341 = arith.shrui %get3A_338, %shift_right_logical3A_340 : vector<16xi32>
      %and3A_342 = arith.constant 127 : i32
      %and3A_343 = vector.broadcast %and3A_342 : i32 to vector<16xi32>
      %and3A_344 = arith.andi %get3A_338, %and3A_343 : vector<16xi32>
      tpu.vector_store_idx %arg13[%shift_right_logical3A_341, %and3A_344], %broadcast_in_dim3A_320 {add = true} : memref<80x128xf32, #tpu.memory_space<vmem>>[vector<16xi32>, vector<16xi32>], vector<16xf32>,
      %get3A_345 = arith.constant 48 : index
      %get3A_346 = tpu.vector_load %arg11[%get3A_345] {strides = array<i32>} : memref<80xi32, #tpu.memory_space<vmem>>, vector<16xi32>,
      %shift_right_logical3A_347 = arith.constant 7 : i32
      %shift_right_logical3A_348 = vector.broadcast %shift_right_logical3A_347 : i32 to vector<16xi32>
      %shift_right_logical3A_349 = arith.shrui %get3A_346, %shift_right_logical3A_348 : vector<16xi32>
      %and3A_350 = arith.constant 127 : i32
      %and3A_351 = vector.broadcast %and3A_350 : i32 to vector<16xi32>
      %and3A_352 = arith.andi %get3A_346, %and3A_351 : vector<16xi32>
      tpu.vector_store_idx %arg13[%shift_right_logical3A_349, %and3A_352], %broadcast_in_dim3A_320 {add = true} : memref<80x128xf32, #tpu.memory_space<vmem>>[vector<16xi32>, vector<16xi32>], vector<16xf32>,
      %get3A_353 = arith.constant 64 : index
      %get3A_354 = tpu.vector_load %arg11[%get3A_353] {strides = array<i32>} : memref<80xi32, #tpu.memory_space<vmem>>, vector<16xi32>,
      %shift_right_logical3A_355 = arith.constant 7 : i32
      %shift_right_logical3A_356 = vector.broadcast %shift_right_logical3A_355 : i32 to vector<16xi32>
      %shift_right_logical3A_357 = arith.shrui %get3A_354, %shift_right_logical3A_356 : vector<16xi32>
      %and3A_358 = arith.constant 127 : i32
      %and3A_359 = vector.broadcast %and3A_358 : i32 to vector<16xi32>
      %and3A_360 = arith.andi %get3A_354, %and3A_359 : vector<16xi32>
      tpu.vector_store_idx %arg13[%shift_right_logical3A_357, %and3A_360], %broadcast_in_dim3A_320 {add = true} : memref<80x128xf32, #tpu.memory_space<vmem>>[vector<16xi32>, vector<16xi32>], vector<16xf32>,
      %dma_start3A_361 = arith.constant 1 : i32
      %dma_start3A_362 = arith.constant 0 : i32
      %dma_start3A_363 = arith.constant 0 : i32
      %dma_start3A_364 = tpu.memref_slice %arg12[%dma_start3A_361, %dma_start3A_362, %dma_start3A_363] : memref<2x80x128xf32, #tpu.memory_space<vmem>> -> memref<1x80x128xf32, #tpu.memory_space<vmem>>
      %dma_start3A_365 = tpu.memref_squeeze %dma_start3A_364 : memref<1x80x128xf32, #tpu.memory_space<vmem>> -> memref<80x128xf32, #tpu.memory_space<vmem>>
      %dma_start3A_366 = arith.constant 0 : i32
      %dma_start3A_367 = arith.constant 0 : i32
      %dma_start3A_368 = tpu.memref_slice %arg15[%dma_start3A_366, %dma_start3A_367] : memref<10112x128xf32, #tpu.memory_space<vmem_shared>> -> memref<10112x128xf32, #tpu.memory_space<vmem_shared>>
      tpu.enqueue_indirect_dma source(%dma_start3A_365 : memref<80x128xf32, #tpu.memory_space<vmem>>) target(%dma_start3A_368 : memref<10112x128xf32, #tpu.memory_space<vmem_shared>>) offsets(%arg11 : memref<80xi32, #tpu.memory_space<vmem>>) semaphore(%arg21 : memref<!tpu.dma_semaphore, #tpu.memory_space<semaphore_mem>>) {add = true}
      %mul3A_369 = arith.constant 2 : i32
      %mul3A_370 = arith.muli %mul3A_369, %scan3A_271 : i32
      %add3A_371 = arith.constant 3 : i32
      %add3A_372 = arith.addi %mul3A_370, %add3A_371 : i32
      %dma_wait3A_373 = arith.constant 1 : i32
      %dma_wait3A_374 = arith.constant 0 : i32
      %dma_wait3A_375 = arith.constant 0 : i32
      %dma_wait3A_376 = tpu.memref_slice %arg12[%dma_wait3A_373, %dma_wait3A_374, %dma_wait3A_375] : memref<2x80x128xf32, #tpu.memory_space<vmem>> -> memref<1x80x128xf32, #tpu.memory_space<vmem>>
      %dma_wait3A_377 = tpu.memref_squeeze %dma_wait3A_376 : memref<1x80x128xf32, #tpu.memory_space<vmem>> -> memref<80x128xf32, #tpu.memory_space<vmem>>
      %dma_wait3A_378 = arith.constant 0 : i32
      %dma_wait3A_379 = arith.constant 0 : i32
      %dma_wait3A_380 = tpu.memref_slice %arg15[%dma_wait3A_378, %dma_wait3A_379] : memref<10112x128xf32, #tpu.memory_space<vmem_shared>> -> memref<10112x128xf32, #tpu.memory_space<vmem_shared>>
      tpu.wait_indirect_dma semaphore(%arg21 : memref<!tpu.dma_semaphore, #tpu.memory_space<semaphore_mem>>) src(%dma_wait3A_377 : memref<80x128xf32, #tpu.memory_space<vmem>>) dst(%dma_wait3A_380 : memref<10112x128xf32, #tpu.memory_space<vmem_shared>>)
      %mul3A_381 = arith.constant 80 : i32
      %mul3A_382 = arith.muli %add3A_372, %mul3A_381 : i32
      %add3A_383 = arith.addi %add3A, %mul3A_382 : i32
      %dma_start3A_384 = tpu.memref_slice %arg3[%add3A_383] : memref<320000xi32, #tpu.memory_space<hbm>> -> memref<80xi32, #tpu.memory_space<hbm>>
      %dma_start3A_385 = tpu.memref_slice %arg3[%add3A_383] : memref<320000xi32, #tpu.memory_space<hbm>> -> memref<80xi32, #tpu.memory_space<hbm>>
      tpu.enqueue_dma source(%dma_start3A_385 : memref<80xi32, #tpu.memory_space<hbm>>) target(%arg11 : memref<80xi32, #tpu.memory_space<vmem>>) target_semaphore(%arg18 : memref<!tpu.dma_semaphore, #tpu.memory_space<semaphore_mem>>)
      %mul3A_386 = arith.constant 80 : i32
      %mul3A_387 = arith.muli %add3A_372, %mul3A_386 : i32
      %dma_start3A_388 = arith.constant 1 : i32
      %dma_start3A_389 = arith.constant 0 : i32
      %dma_start3A_390 = arith.constant 0 : i32
      %dma_start3A_391 = tpu.memref_slice %arg12[%dma_start3A_388, %dma_start3A_389, %dma_start3A_390] : memref<2x80x128xf32, #tpu.memory_space<vmem>> -> memref<1x80x128xf32, #tpu.memory_space<vmem>>
      %dma_start3A_392 = tpu.memref_squeeze %dma_start3A_391 : memref<1x80x128xf32, #tpu.memory_space<vmem>> -> memref<80x128xf32, #tpu.memory_space<vmem>>
      %dma_start3A_393 = tpu.memref_slice %arg9[%mul3A_387] : memref<10000xi32, #tpu.memory_space<vmem>> -> memref<80xi32, #tpu.memory_space<vmem>>
      %dma_start3A_394 = arith.constant 0 : i32
      %dma_start3A_395 = arith.constant 0 : i32
      %dma_start3A_396 = tpu.memref_slice %arg4[%dma_start3A_394, %dma_start3A_395] : memref<10000x128xf32, #tpu.memory_space<hbm>> -> memref<10000x128xf32, #tpu.memory_space<hbm>>
      tpu.enqueue_indirect_dma source(%dma_start3A_396 : memref<10000x128xf32, #tpu.memory_space<hbm>>) target(%dma_start3A_392 : memref<80x128xf32, #tpu.memory_space<vmem>>) offsets(%dma_start3A_393 : memref<80xi32, #tpu.memory_space<vmem>>) semaphore(%arg20 : memref<!tpu.dma_semaphore, #tpu.memory_space<semaphore_mem>>)
      %sub3A_397 = arith.constant 1 : i32
      %sub3A_398 = arith.subi %add3A_372, %sub3A_397 : i32
      %mul3A_399 = arith.constant 80 : i32
      %mul3A_400 = arith.muli %sub3A_398, %mul3A_399 : i32
      %dma_wait3A_401 = arith.constant 0 : i32
      %dma_wait3A_402 = arith.constant 0 : i32
      %dma_wait3A_403 = arith.constant 0 : i32
      %dma_wait3A_404 = tpu.memref_slice %arg12[%dma_wait3A_401, %dma_wait3A_402, %dma_wait3A_403] : memref<2x80x128xf32, #tpu.memory_space<vmem>> -> memref<1x80x128xf32, #tpu.memory_space<vmem>>
      %dma_wait3A_405 = tpu.memref_squeeze %dma_wait3A_404 : memref<1x80x128xf32, #tpu.memory_space<vmem>> -> memref<80x128xf32, #tpu.memory_space<vmem>>
      %dma_wait3A_406 = tpu.memref_slice %arg9[%mul3A_400] : memref<10000xi32, #tpu.memory_space<vmem>> -> memref<80xi32, #tpu.memory_space<vmem>>
      %dma_wait3A_407 = arith.constant 0 : i32
      %dma_wait3A_408 = arith.constant 0 : i32
      %dma_wait3A_409 = tpu.memref_slice %arg4[%dma_wait3A_407, %dma_wait3A_408] : memref<10000x128xf32, #tpu.memory_space<hbm>> -> memref<10000x128xf32, #tpu.memory_space<hbm>>
      tpu.wait_indirect_dma semaphore(%arg19 : memref<!tpu.dma_semaphore, #tpu.memory_space<semaphore_mem>>) src(%dma_wait3A_409 : memref<10000x128xf32, #tpu.memory_space<hbm>>) dst(%dma_wait3A_405 : memref<80x128xf32, #tpu.memory_space<vmem>>)
      %sub3A_410 = arith.constant 1 : i32
      %sub3A_411 = arith.subi %add3A_372, %sub3A_410 : i32
      %mul3A_412 = arith.constant 80 : i32
      %mul3A_413 = arith.muli %sub3A_411, %mul3A_412 : i32
      %add3A_414 = arith.addi %add3A, %mul3A_413 : i32
      %dma_wait3A_415 = tpu.memref_slice %arg3[%add3A_414] : memref<320000xi32, #tpu.memory_space<hbm>> -> memref<80xi32, #tpu.memory_space<hbm>>
      %dma_wait3A_416 = tpu.memref_slice %arg3[%add3A_414] : memref<320000xi32, #tpu.memory_space<hbm>> -> memref<80xi32, #tpu.memory_space<hbm>>
      tpu.wait_dma2 semaphore(%arg17 : memref<!tpu.dma_semaphore, #tpu.memory_space<semaphore_mem>>) src(%dma_wait3A_416 : memref<80xi32, #tpu.memory_space<hbm>>) dst(%arg10 : memref<80xi32, #tpu.memory_space<vmem>>)
      %broadcast_in_dim3A_417 = arith.constant 1.000000e+00 : f32
      %broadcast_in_dim3A_418 = vector.broadcast %broadcast_in_dim3A_417 : f32 to vector<16xf32>
      %get3A_419 = arith.constant 0 : index
      %get3A_420 = tpu.vector_load %arg10[%get3A_419] {strides = array<i32>} : memref<80xi32, #tpu.memory_space<vmem>>, vector<16xi32>,
      %shift_right_logical3A_421 = arith.constant 7 : i32
      %shift_right_logical3A_422 = vector.broadcast %shift_right_logical3A_421 : i32 to vector<16xi32>
      %shift_right_logical3A_423 = arith.shrui %get3A_420, %shift_right_logical3A_422 : vector<16xi32>
      %and3A_424 = arith.constant 127 : i32
      %and3A_425 = vector.broadcast %and3A_424 : i32 to vector<16xi32>
      %and3A_426 = arith.andi %get3A_420, %and3A_425 : vector<16xi32>
      tpu.vector_store_idx %arg13[%shift_right_logical3A_423, %and3A_426], %broadcast_in_dim3A_418 {add = true} : memref<80x128xf32, #tpu.memory_space<vmem>>[vector<16xi32>, vector<16xi32>], vector<16xf32>,
      %get3A_427 = arith.constant 16 : index
      %get3A_428 = tpu.vector_load %arg10[%get3A_427] {strides = array<i32>} : memref<80xi32, #tpu.memory_space<vmem>>, vector<16xi32>,
      %shift_right_logical3A_429 = arith.constant 7 : i32
      %shift_right_logical3A_430 = vector.broadcast %shift_right_logical3A_429 : i32 to vector<16xi32>
      %shift_right_logical3A_431 = arith.shrui %get3A_428, %shift_right_logical3A_430 : vector<16xi32>
      %and3A_432 = arith.constant 127 : i32
      %and3A_433 = vector.broadcast %and3A_432 : i32 to vector<16xi32>
      %and3A_434 = arith.andi %get3A_428, %and3A_433 : vector<16xi32>
      tpu.vector_store_idx %arg13[%shift_right_logical3A_431, %and3A_434], %broadcast_in_dim3A_418 {add = true} : memref<80x128xf32, #tpu.memory_space<vmem>>[vector<16xi32>, vector<16xi32>], vector<16xf32>,
      %get3A_435 = arith.constant 32 : index
      %get3A_436 = tpu.vector_load %arg10[%get3A_435] {strides = array<i32>} : memref<80xi32, #tpu.memory_space<vmem>>, vector<16xi32>,
      %shift_right_logical3A_437 = arith.constant 7 : i32
      %shift_right_logical3A_438 = vector.broadcast %shift_right_logical3A_437 : i32 to vector<16xi32>
      %shift_right_logical3A_439 = arith.shrui %get3A_436, %shift_right_logical3A_438 : vector<16xi32>
      %and3A_440 = arith.constant 127 : i32
      %and3A_441 = vector.broadcast %and3A_440 : i32 to vector<16xi32>
      %and3A_442 = arith.andi %get3A_436, %and3A_441 : vector<16xi32>
      tpu.vector_store_idx %arg13[%shift_right_logical3A_439, %and3A_442], %broadcast_in_dim3A_418 {add = true} : memref<80x128xf32, #tpu.memory_space<vmem>>[vector<16xi32>, vector<16xi32>], vector<16xf32>,
      %get3A_443 = arith.constant 48 : index
      %get3A_444 = tpu.vector_load %arg10[%get3A_443] {strides = array<i32>} : memref<80xi32, #tpu.memory_space<vmem>>, vector<16xi32>,
      %shift_right_logical3A_445 = arith.constant 7 : i32
      %shift_right_logical3A_446 = vector.broadcast %shift_right_logical3A_445 : i32 to vector<16xi32>
      %shift_right_logical3A_447 = arith.shrui %get3A_444, %shift_right_logical3A_446 : vector<16xi32>
      %and3A_448 = arith.constant 127 : i32
      %and3A_449 = vector.broadcast %and3A_448 : i32 to vector<16xi32>
      %and3A_450 = arith.andi %get3A_444, %and3A_449 : vector<16xi32>
      tpu.vector_store_idx %arg13[%shift_right_logical3A_447, %and3A_450], %broadcast_in_dim3A_418 {add = true} : memref<80x128xf32, #tpu.memory_space<vmem>>[vector<16xi32>, vector<16xi32>], vector<16xf32>,
      %get3A_451 = arith.constant 64 : index
      %get3A_452 = tpu.vector_load %arg10[%get3A_451] {strides = array<i32>} : memref<80xi32, #tpu.memory_space<vmem>>, vector<16xi32>,
      %shift_right_logical3A_453 = arith.constant 7 : i32
      %shift_right_logical3A_454 = vector.broadcast %shift_right_logical3A_453 : i32 to vector<16xi32>
      %shift_right_logical3A_455 = arith.shrui %get3A_452, %shift_right_logical3A_454 : vector<16xi32>
      %and3A_456 = arith.constant 127 : i32
      %and3A_457 = vector.broadcast %and3A_456 : i32 to vector<16xi32>
      %and3A_458 = arith.andi %get3A_452, %and3A_457 : vector<16xi32>
      tpu.vector_store_idx %arg13[%shift_right_logical3A_455, %and3A_458], %broadcast_in_dim3A_418 {add = true} : memref<80x128xf32, #tpu.memory_space<vmem>>[vector<16xi32>, vector<16xi32>], vector<16xf32>,
      %dma_start3A_459 = arith.constant 0 : i32
      %dma_start3A_460 = arith.constant 0 : i32
      %dma_start3A_461 = arith.constant 0 : i32
      %dma_start3A_462 = tpu.memref_slice %arg12[%dma_start3A_459, %dma_start3A_460, %dma_start3A_461] : memref<2x80x128xf32, #tpu.memory_space<vmem>> -> memref<1x80x128xf32, #tpu.memory_space<vmem>>
      %dma_start3A_463 = tpu.memref_squeeze %dma_start3A_462 : memref<1x80x128xf32, #tpu.memory_space<vmem>> -> memref<80x128xf32, #tpu.memory_space<vmem>>
      %dma_start3A_464 = arith.constant 0 : i32
      %dma_start3A_465 = arith.constant 0 : i32
      %dma_start3A_466 = tpu.memref_slice %arg15[%dma_start3A_464, %dma_start3A_465] : memref<10112x128xf32, #tpu.memory_space<vmem_shared>> -> memref<10112x128xf32, #tpu.memory_space<vmem_shared>>
      tpu.enqueue_indirect_dma source(%dma_start3A_463 : memref<80x128xf32, #tpu.memory_space<vmem>>) target(%dma_start3A_466 : memref<10112x128xf32, #tpu.memory_space<vmem_shared>>) offsets(%arg10 : memref<80xi32, #tpu.memory_space<vmem>>) semaphore(%arg21 : memref<!tpu.dma_semaphore, #tpu.memory_space<semaphore_mem>>) {add = true}
    }
    %scan3A_97 = arith.constant 61 : i32
    %dma_wait3A_98 = arith.constant 0 : i32
    %dma_wait3A_99 = arith.constant 0 : i32
    %dma_wait3A_100 = arith.constant 0 : i32
    %dma_wait3A_101 = tpu.memref_slice %arg12[%dma_wait3A_98, %dma_wait3A_99, %dma_wait3A_100] : memref<2x80x128xf32, #tpu.memory_space<vmem>> -> memref<1x80x128xf32, #tpu.memory_space<vmem>>
    %dma_wait3A_102 = tpu.memref_squeeze %dma_wait3A_101 : memref<1x80x128xf32, #tpu.memory_space<vmem>> -> memref<80x128xf32, #tpu.memory_space<vmem>>
    %dma_wait3A_103 = arith.constant 0 : i32
    %dma_wait3A_104 = arith.constant 0 : i32
    %dma_wait3A_105 = tpu.memref_slice %arg15[%dma_wait3A_103, %dma_wait3A_104] : memref<10112x128xf32, #tpu.memory_space<vmem_shared>> -> memref<10112x128xf32, #tpu.memory_space<vmem_shared>>
    tpu.wait_indirect_dma semaphore(%arg21 : memref<!tpu.dma_semaphore, #tpu.memory_space<semaphore_mem>>) src(%dma_wait3A_102 : memref<80x128xf32, #tpu.memory_space<vmem>>) dst(%dma_wait3A_105 : memref<10112x128xf32, #tpu.memory_space<vmem_shared>>)
    %add3A_106 = arith.constant 9920 : i32
    %add3A_107 = arith.addi %add3A, %add3A_106 : i32
    %dma_start3A_108 = tpu.memref_slice %arg3[%add3A_107] : memref<320000xi32, #tpu.memory_space<hbm>> -> memref<80xi32, #tpu.memory_space<hbm>>
    %dma_start3A_109 = tpu.memref_slice %arg3[%add3A_107] : memref<320000xi32, #tpu.memory_space<hbm>> -> memref<80xi32, #tpu.memory_space<hbm>>
    tpu.enqueue_dma source(%dma_start3A_109 : memref<80xi32, #tpu.memory_space<hbm>>) target(%arg10 : memref<80xi32, #tpu.memory_space<vmem>>) target_semaphore(%arg17 : memref<!tpu.dma_semaphore, #tpu.memory_space<semaphore_mem>>)
    %dma_start3A_110 = arith.constant 0 : i32
    %dma_start3A_111 = arith.constant 0 : i32
    %dma_start3A_112 = arith.constant 0 : i32
    %dma_start3A_113 = tpu.memref_slice %arg12[%dma_start3A_110, %dma_start3A_111, %dma_start3A_112] : memref<2x80x128xf32, #tpu.memory_space<vmem>> -> memref<1x80x128xf32, #tpu.memory_space<vmem>>
    %dma_start3A_114 = tpu.memref_squeeze %dma_start3A_113 : memref<1x80x128xf32, #tpu.memory_space<vmem>> -> memref<80x128xf32, #tpu.memory_space<vmem>>
    %dma_start3A_115 = arith.constant 9920 : i32
    %dma_start3A_116 = tpu.memref_slice %arg9[%dma_start3A_115] : memref<10000xi32, #tpu.memory_space<vmem>> -> memref<80xi32, #tpu.memory_space<vmem>>
    %dma_start3A_117 = arith.constant 0 : i32
    %dma_start3A_118 = arith.constant 0 : i32
    %dma_start3A_119 = tpu.memref_slice %arg4[%dma_start3A_117, %dma_start3A_118] : memref<10000x128xf32, #tpu.memory_space<hbm>> -> memref<10000x128xf32, #tpu.memory_space<hbm>>
    tpu.enqueue_indirect_dma source(%dma_start3A_119 : memref<10000x128xf32, #tpu.memory_space<hbm>>) target(%dma_start3A_114 : memref<80x128xf32, #tpu.memory_space<vmem>>) offsets(%dma_start3A_116 : memref<80xi32, #tpu.memory_space<vmem>>) semaphore(%arg19 : memref<!tpu.dma_semaphore, #tpu.memory_space<semaphore_mem>>)
    %dma_wait3A_120 = arith.constant 1 : i32
    %dma_wait3A_121 = arith.constant 0 : i32
    %dma_wait3A_122 = arith.constant 0 : i32
    %dma_wait3A_123 = tpu.memref_slice %arg12[%dma_wait3A_120, %dma_wait3A_121, %dma_wait3A_122] : memref<2x80x128xf32, #tpu.memory_space<vmem>> -> memref<1x80x128xf32, #tpu.memory_space<vmem>>
    %dma_wait3A_124 = tpu.memref_squeeze %dma_wait3A_123 : memref<1x80x128xf32, #tpu.memory_space<vmem>> -> memref<80x128xf32, #tpu.memory_space<vmem>>
    %dma_wait3A_125 = arith.constant 9840 : i32
    %dma_wait3A_126 = tpu.memref_slice %arg9[%dma_wait3A_125] : memref<10000xi32, #tpu.memory_space<vmem>> -> memref<80xi32, #tpu.memory_space<vmem>>
    %dma_wait3A_127 = arith.constant 0 : i32
    %dma_wait3A_128 = arith.constant 0 : i32
    %dma_wait3A_129 = tpu.memref_slice %arg4[%dma_wait3A_127, %dma_wait3A_128] : memref<10000x128xf32, #tpu.memory_space<hbm>> -> memref<10000x128xf32, #tpu.memory_space<hbm>>
    tpu.wait_indirect_dma semaphore(%arg20 : memref<!tpu.dma_semaphore, #tpu.memory_space<semaphore_mem>>) src(%dma_wait3A_129 : memref<10000x128xf32, #tpu.memory_space<hbm>>) dst(%dma_wait3A_124 : memref<80x128xf32, #tpu.memory_space<vmem>>)
    %add3A_130 = arith.constant 9840 : i32
    %add3A_131 = arith.addi %add3A, %add3A_130 : i32
    %dma_wait3A_132 = tpu.memref_slice %arg3[%add3A_131] : memref<320000xi32, #tpu.memory_space<hbm>> -> memref<80xi32, #tpu.memory_space<hbm>>
    %dma_wait3A_133 = tpu.memref_slice %arg3[%add3A_131] : memref<320000xi32, #tpu.memory_space<hbm>> -> memref<80xi32, #tpu.memory_space<hbm>>
    tpu.wait_dma2 semaphore(%arg18 : memref<!tpu.dma_semaphore, #tpu.memory_space<semaphore_mem>>) src(%dma_wait3A_133 : memref<80xi32, #tpu.memory_space<hbm>>) dst(%arg11 : memref<80xi32, #tpu.memory_space<vmem>>)
    %broadcast_in_dim3A_134 = arith.constant 1.000000e+00 : f32
    %broadcast_in_dim3A_135 = vector.broadcast %broadcast_in_dim3A_134 : f32 to vector<16xf32>
    %get3A_136 = arith.constant 0 : index
    %get3A_137 = tpu.vector_load %arg11[%get3A_136] {strides = array<i32>} : memref<80xi32, #tpu.memory_space<vmem>>, vector<16xi32>,
    %shift_right_logical3A_138 = arith.constant 7 : i32
    %shift_right_logical3A_139 = vector.broadcast %shift_right_logical3A_138 : i32 to vector<16xi32>
    %shift_right_logical3A_140 = arith.shrui %get3A_137, %shift_right_logical3A_139 : vector<16xi32>
    %and3A_141 = arith.constant 127 : i32
    %and3A_142 = vector.broadcast %and3A_141 : i32 to vector<16xi32>
    %and3A_143 = arith.andi %get3A_137, %and3A_142 : vector<16xi32>
    tpu.vector_store_idx %arg13[%shift_right_logical3A_140, %and3A_143], %broadcast_in_dim3A_135 {add = true} : memref<80x128xf32, #tpu.memory_space<vmem>>[vector<16xi32>, vector<16xi32>], vector<16xf32>,
    %get3A_144 = arith.constant 16 : index
    %get3A_145 = tpu.vector_load %arg11[%get3A_144] {strides = array<i32>} : memref<80xi32, #tpu.memory_space<vmem>>, vector<16xi32>,
    %shift_right_logical3A_146 = arith.constant 7 : i32
    %shift_right_logical3A_147 = vector.broadcast %shift_right_logical3A_146 : i32 to vector<16xi32>
    %shift_right_logical3A_148 = arith.shrui %get3A_145, %shift_right_logical3A_147 : vector<16xi32>
    %and3A_149 = arith.constant 127 : i32
    %and3A_150 = vector.broadcast %and3A_149 : i32 to vector<16xi32>
    %and3A_151 = arith.andi %get3A_145, %and3A_150 : vector<16xi32>
    tpu.vector_store_idx %arg13[%shift_right_logical3A_148, %and3A_151], %broadcast_in_dim3A_135 {add = true} : memref<80x128xf32, #tpu.memory_space<vmem>>[vector<16xi32>, vector<16xi32>], vector<16xf32>,
    %get3A_152 = arith.constant 32 : index
    %get3A_153 = tpu.vector_load %arg11[%get3A_152] {strides = array<i32>} : memref<80xi32, #tpu.memory_space<vmem>>, vector<16xi32>,
    %shift_right_logical3A_154 = arith.constant 7 : i32
    %shift_right_logical3A_155 = vector.broadcast %shift_right_logical3A_154 : i32 to vector<16xi32>
    %shift_right_logical3A_156 = arith.shrui %get3A_153, %shift_right_logical3A_155 : vector<16xi32>
    %and3A_157 = arith.constant 127 : i32
    %and3A_158 = vector.broadcast %and3A_157 : i32 to vector<16xi32>
    %and3A_159 = arith.andi %get3A_153, %and3A_158 : vector<16xi32>
    tpu.vector_store_idx %arg13[%shift_right_logical3A_156, %and3A_159], %broadcast_in_dim3A_135 {add = true} : memref<80x128xf32, #tpu.memory_space<vmem>>[vector<16xi32>, vector<16xi32>], vector<16xf32>,
    %get3A_160 = arith.constant 48 : index
    %get3A_161 = tpu.vector_load %arg11[%get3A_160] {strides = array<i32>} : memref<80xi32, #tpu.memory_space<vmem>>, vector<16xi32>,
    %shift_right_logical3A_162 = arith.constant 7 : i32
    %shift_right_logical3A_163 = vector.broadcast %shift_right_logical3A_162 : i32 to vector<16xi32>
    %shift_right_logical3A_164 = arith.shrui %get3A_161, %shift_right_logical3A_163 : vector<16xi32>
    %and3A_165 = arith.constant 127 : i32
    %and3A_166 = vector.broadcast %and3A_165 : i32 to vector<16xi32>
    %and3A_167 = arith.andi %get3A_161, %and3A_166 : vector<16xi32>
    tpu.vector_store_idx %arg13[%shift_right_logical3A_164, %and3A_167], %broadcast_in_dim3A_135 {add = true} : memref<80x128xf32, #tpu.memory_space<vmem>>[vector<16xi32>, vector<16xi32>], vector<16xf32>,
    %get3A_168 = arith.constant 64 : index
    %get3A_169 = tpu.vector_load %arg11[%get3A_168] {strides = array<i32>} : memref<80xi32, #tpu.memory_space<vmem>>, vector<16xi32>,
    %shift_right_logical3A_170 = arith.constant 7 : i32
    %shift_right_logical3A_171 = vector.broadcast %shift_right_logical3A_170 : i32 to vector<16xi32>
    %shift_right_logical3A_172 = arith.shrui %get3A_169, %shift_right_logical3A_171 : vector<16xi32>
    %and3A_173 = arith.constant 127 : i32
    %and3A_174 = vector.broadcast %and3A_173 : i32 to vector<16xi32>
    %and3A_175 = arith.andi %get3A_169, %and3A_174 : vector<16xi32>
    tpu.vector_store_idx %arg13[%shift_right_logical3A_172, %and3A_175], %broadcast_in_dim3A_135 {add = true} : memref<80x128xf32, #tpu.memory_space<vmem>>[vector<16xi32>, vector<16xi32>], vector<16xf32>,
    %dma_start3A_176 = arith.constant 1 : i32
    %dma_start3A_177 = arith.constant 0 : i32
    %dma_start3A_178 = arith.constant 0 : i32
    %dma_start3A_179 = tpu.memref_slice %arg12[%dma_start3A_176, %dma_start3A_177, %dma_start3A_178] : memref<2x80x128xf32, #tpu.memory_space<vmem>> -> memref<1x80x128xf32, #tpu.memory_space<vmem>>
    %dma_start3A_180 = tpu.memref_squeeze %dma_start3A_179 : memref<1x80x128xf32, #tpu.memory_space<vmem>> -> memref<80x128xf32, #tpu.memory_space<vmem>>
    %dma_start3A_181 = arith.constant 0 : i32
    %dma_start3A_182 = arith.constant 0 : i32
    %dma_start3A_183 = tpu.memref_slice %arg15[%dma_start3A_181, %dma_start3A_182] : memref<10112x128xf32, #tpu.memory_space<vmem_shared>> -> memref<10112x128xf32, #tpu.memory_space<vmem_shared>>
    tpu.enqueue_indirect_dma source(%dma_start3A_180 : memref<80x128xf32, #tpu.memory_space<vmem>>) target(%dma_start3A_183 : memref<10112x128xf32, #tpu.memory_space<vmem_shared>>) offsets(%arg11 : memref<80xi32, #tpu.memory_space<vmem>>) semaphore(%arg21 : memref<!tpu.dma_semaphore, #tpu.memory_space<semaphore_mem>>) {add = true}
    %dma_wait3A_184 = arith.constant 0 : i32
    %dma_wait3A_185 = arith.constant 0 : i32
    %dma_wait3A_186 = arith.constant 0 : i32
    %dma_wait3A_187 = tpu.memref_slice %arg12[%dma_wait3A_184, %dma_wait3A_185, %dma_wait3A_186] : memref<2x80x128xf32, #tpu.memory_space<vmem>> -> memref<1x80x128xf32, #tpu.memory_space<vmem>>
    %dma_wait3A_188 = tpu.memref_squeeze %dma_wait3A_187 : memref<1x80x128xf32, #tpu.memory_space<vmem>> -> memref<80x128xf32, #tpu.memory_space<vmem>>
    %dma_wait3A_189 = arith.constant 9920 : i32
    %dma_wait3A_190 = tpu.memref_slice %arg9[%dma_wait3A_189] : memref<10000xi32, #tpu.memory_space<vmem>> -> memref<80xi32, #tpu.memory_space<vmem>>
    %dma_wait3A_191 = arith.constant 0 : i32
    %dma_wait3A_192 = arith.constant 0 : i32
    %dma_wait3A_193 = tpu.memref_slice %arg4[%dma_wait3A_191, %dma_wait3A_192] : memref<10000x128xf32, #tpu.memory_space<hbm>> -> memref<10000x128xf32, #tpu.memory_space<hbm>>
    tpu.wait_indirect_dma semaphore(%arg19 : memref<!tpu.dma_semaphore, #tpu.memory_space<semaphore_mem>>) src(%dma_wait3A_193 : memref<10000x128xf32, #tpu.memory_space<hbm>>) dst(%dma_wait3A_188 : memref<80x128xf32, #tpu.memory_space<vmem>>)
    %add3A_194 = arith.constant 9920 : i32
    %add3A_195 = arith.addi %add3A, %add3A_194 : i32
    %dma_wait3A_196 = tpu.memref_slice %arg3[%add3A_195] : memref<320000xi32, #tpu.memory_space<hbm>> -> memref<80xi32, #tpu.memory_space<hbm>>
    %dma_wait3A_197 = tpu.memref_slice %arg3[%add3A_195] : memref<320000xi32, #tpu.memory_space<hbm>> -> memref<80xi32, #tpu.memory_space<hbm>>
    tpu.wait_dma2 semaphore(%arg17 : memref<!tpu.dma_semaphore, #tpu.memory_space<semaphore_mem>>) src(%dma_wait3A_197 : memref<80xi32, #tpu.memory_space<hbm>>) dst(%arg10 : memref<80xi32, #tpu.memory_space<vmem>>)
    %broadcast_in_dim3A_198 = arith.constant 1.000000e+00 : f32
    %broadcast_in_dim3A_199 = vector.broadcast %broadcast_in_dim3A_198 : f32 to vector<16xf32>
    %get3A_200 = arith.constant 0 : index
    %get3A_201 = tpu.vector_load %arg10[%get3A_200] {strides = array<i32>} : memref<80xi32, #tpu.memory_space<vmem>>, vector<16xi32>,
    %shift_right_logical3A_202 = arith.constant 7 : i32
    %shift_right_logical3A_203 = vector.broadcast %shift_right_logical3A_202 : i32 to vector<16xi32>
    %shift_right_logical3A_204 = arith.shrui %get3A_201, %shift_right_logical3A_203 : vector<16xi32>
    %and3A_205 = arith.constant 127 : i32
    %and3A_206 = vector.broadcast %and3A_205 : i32 to vector<16xi32>
    %and3A_207 = arith.andi %get3A_201, %and3A_206 : vector<16xi32>
    tpu.vector_store_idx %arg13[%shift_right_logical3A_204, %and3A_207], %broadcast_in_dim3A_199 {add = true} : memref<80x128xf32, #tpu.memory_space<vmem>>[vector<16xi32>, vector<16xi32>], vector<16xf32>,
    %get3A_208 = arith.constant 16 : index
    %get3A_209 = tpu.vector_load %arg10[%get3A_208] {strides = array<i32>} : memref<80xi32, #tpu.memory_space<vmem>>, vector<16xi32>,
    %shift_right_logical3A_210 = arith.constant 7 : i32
    %shift_right_logical3A_211 = vector.broadcast %shift_right_logical3A_210 : i32 to vector<16xi32>
    %shift_right_logical3A_212 = arith.shrui %get3A_209, %shift_right_logical3A_211 : vector<16xi32>
    %and3A_213 = arith.constant 127 : i32
    %and3A_214 = vector.broadcast %and3A_213 : i32 to vector<16xi32>
    %and3A_215 = arith.andi %get3A_209, %and3A_214 : vector<16xi32>
    tpu.vector_store_idx %arg13[%shift_right_logical3A_212, %and3A_215], %broadcast_in_dim3A_199 {add = true} : memref<80x128xf32, #tpu.memory_space<vmem>>[vector<16xi32>, vector<16xi32>], vector<16xf32>,
    %get3A_216 = arith.constant 32 : index
    %get3A_217 = tpu.vector_load %arg10[%get3A_216] {strides = array<i32>} : memref<80xi32, #tpu.memory_space<vmem>>, vector<16xi32>,
    %shift_right_logical3A_218 = arith.constant 7 : i32
    %shift_right_logical3A_219 = vector.broadcast %shift_right_logical3A_218 : i32 to vector<16xi32>
    %shift_right_logical3A_220 = arith.shrui %get3A_217, %shift_right_logical3A_219 : vector<16xi32>
    %and3A_221 = arith.constant 127 : i32
    %and3A_222 = vector.broadcast %and3A_221 : i32 to vector<16xi32>
    %and3A_223 = arith.andi %get3A_217, %and3A_222 : vector<16xi32>
    tpu.vector_store_idx %arg13[%shift_right_logical3A_220, %and3A_223], %broadcast_in_dim3A_199 {add = true} : memref<80x128xf32, #tpu.memory_space<vmem>>[vector<16xi32>, vector<16xi32>], vector<16xf32>,
    %get3A_224 = arith.constant 48 : index
    %get3A_225 = tpu.vector_load %arg10[%get3A_224] {strides = array<i32>} : memref<80xi32, #tpu.memory_space<vmem>>, vector<16xi32>,
    %shift_right_logical3A_226 = arith.constant 7 : i32
    %shift_right_logical3A_227 = vector.broadcast %shift_right_logical3A_226 : i32 to vector<16xi32>
    %shift_right_logical3A_228 = arith.shrui %get3A_225, %shift_right_logical3A_227 : vector<16xi32>
    %and3A_229 = arith.constant 127 : i32
    %and3A_230 = vector.broadcast %and3A_229 : i32 to vector<16xi32>
    %and3A_231 = arith.andi %get3A_225, %and3A_230 : vector<16xi32>
    tpu.vector_store_idx %arg13[%shift_right_logical3A_228, %and3A_231], %broadcast_in_dim3A_199 {add = true} : memref<80x128xf32, #tpu.memory_space<vmem>>[vector<16xi32>, vector<16xi32>], vector<16xf32>,
    %get3A_232 = arith.constant 64 : index
    %get3A_233 = tpu.vector_load %arg10[%get3A_232] {strides = array<i32>} : memref<80xi32, #tpu.memory_space<vmem>>, vector<16xi32>,
    %shift_right_logical3A_234 = arith.constant 7 : i32
    %shift_right_logical3A_235 = vector.broadcast %shift_right_logical3A_234 : i32 to vector<16xi32>
    %shift_right_logical3A_236 = arith.shrui %get3A_233, %shift_right_logical3A_235 : vector<16xi32>
    %and3A_237 = arith.constant 127 : i32
    %and3A_238 = vector.broadcast %and3A_237 : i32 to vector<16xi32>
    %and3A_239 = arith.andi %get3A_233, %and3A_238 : vector<16xi32>
    tpu.vector_store_idx %arg13[%shift_right_logical3A_236, %and3A_239], %broadcast_in_dim3A_199 {add = true} : memref<80x128xf32, #tpu.memory_space<vmem>>[vector<16xi32>, vector<16xi32>], vector<16xf32>,
    %dma_start3A_240 = arith.constant 0 : i32
    %dma_start3A_241 = arith.constant 0 : i32
    %dma_start3A_242 = arith.constant 0 : i32
    %dma_start3A_243 = tpu.memref_slice %arg12[%dma_start3A_240, %dma_start3A_241, %dma_start3A_242] : memref<2x80x128xf32, #tpu.memory_space<vmem>> -> memref<1x80x128xf32, #tpu.memory_space<vmem>>
    %dma_start3A_244 = tpu.memref_squeeze %dma_start3A_243 : memref<1x80x128xf32, #tpu.memory_space<vmem>> -> memref<80x128xf32, #tpu.memory_space<vmem>>
    %dma_start3A_245 = arith.constant 0 : i32
    %dma_start3A_246 = arith.constant 0 : i32
    %dma_start3A_247 = tpu.memref_slice %arg15[%dma_start3A_245, %dma_start3A_246] : memref<10112x128xf32, #tpu.memory_space<vmem_shared>> -> memref<10112x128xf32, #tpu.memory_space<vmem_shared>>
    tpu.enqueue_indirect_dma source(%dma_start3A_244 : memref<80x128xf32, #tpu.memory_space<vmem>>) target(%dma_start3A_247 : memref<10112x128xf32, #tpu.memory_space<vmem_shared>>) offsets(%arg10 : memref<80xi32, #tpu.memory_space<vmem>>) semaphore(%arg21 : memref<!tpu.dma_semaphore, #tpu.memory_space<semaphore_mem>>) {add = true}
    %dma_wait3A_248 = arith.constant 1 : i32
    %dma_wait3A_249 = arith.constant 0 : i32
    %dma_wait3A_250 = arith.constant 0 : i32
    %dma_wait3A_251 = tpu.memref_slice %arg12[%dma_wait3A_248, %dma_wait3A_249, %dma_wait3A_250] : memref<2x80x128xf32, #tpu.memory_space<vmem>> -> memref<1x80x128xf32, #tpu.memory_space<vmem>>
    %dma_wait3A_252 = tpu.memref_squeeze %dma_wait3A_251 : memref<1x80x128xf32, #tpu.memory_space<vmem>> -> memref<80x128xf32, #tpu.memory_space<vmem>>
    %dma_wait3A_253 = arith.constant 0 : i32
    %dma_wait3A_254 = arith.constant 0 : i32
    %dma_wait3A_255 = tpu.memref_slice %arg15[%dma_wait3A_253, %dma_wait3A_254] : memref<10112x128xf32, #tpu.memory_space<vmem_shared>> -> memref<10112x128xf32, #tpu.memory_space<vmem_shared>>
    tpu.wait_indirect_dma semaphore(%arg21 : memref<!tpu.dma_semaphore, #tpu.memory_space<semaphore_mem>>) src(%dma_wait3A_252 : memref<80x128xf32, #tpu.memory_space<vmem>>) dst(%dma_wait3A_255 : memref<10112x128xf32, #tpu.memory_space<vmem_shared>>)
    %dma_wait3A_256 = arith.constant 0 : i32
    %dma_wait3A_257 = arith.constant 0 : i32
    %dma_wait3A_258 = arith.constant 0 : i32
    %dma_wait3A_259 = tpu.memref_slice %arg12[%dma_wait3A_256, %dma_wait3A_257, %dma_wait3A_258] : memref<2x80x128xf32, #tpu.memory_space<vmem>> -> memref<1x80x128xf32, #tpu.memory_space<vmem>>
    %dma_wait3A_260 = tpu.memref_squeeze %dma_wait3A_259 : memref<1x80x128xf32, #tpu.memory_space<vmem>> -> memref<80x128xf32, #tpu.memory_space<vmem>>
    %dma_wait3A_261 = arith.constant 0 : i32
    %dma_wait3A_262 = arith.constant 0 : i32
    %dma_wait3A_263 = tpu.memref_slice %arg15[%dma_wait3A_261, %dma_wait3A_262] : memref<10112x128xf32, #tpu.memory_space<vmem_shared>> -> memref<10112x128xf32, #tpu.memory_space<vmem_shared>>
    tpu.wait_indirect_dma semaphore(%arg21 : memref<!tpu.dma_semaphore, #tpu.memory_space<semaphore_mem>>) src(%dma_wait3A_260 : memref<80x128xf32, #tpu.memory_space<vmem>>) dst(%dma_wait3A_263 : memref<10112x128xf32, #tpu.memory_space<vmem_shared>>)
    %barrier3A_264 = arith.constant 0 : index
    tpu.barrier barrier_id(%barrier3A_264)
    "tpu.region"() ({
      %run_scoped3A = tpu.sem_alloc : memref<!tpu.dma_semaphore, #tpu.memory_space<semaphore_mem>>
      %dma_start3A_271 = arith.constant 0 : i32
      %dma_start3A_272 = tpu.memref_slice %arg7[%arg0, %mul3A_0, %dma_start3A_271] : memref<2x10112x128xf32, #tpu.memory_space<hbm>> -> memref<1x632x128xf32, #tpu.memory_space<hbm>>
      %dma_start3A_273 = tpu.memref_squeeze %dma_start3A_272 : memref<1x632x128xf32, #tpu.memory_space<hbm>> -> memref<632x128xf32, #tpu.memory_space<hbm>>
      %dma_start3A_274 = arith.constant 0 : i32
      %dma_start3A_275 = tpu.memref_slice %arg15[%mul3A_0, %dma_start3A_274] : memref<10112x128xf32, #tpu.memory_space<vmem_shared>> -> memref<632x128xf32, #tpu.memory_space<vmem_shared>>
      tpu.enqueue_dma source(%dma_start3A_275 : memref<632x128xf32, #tpu.memory_space<vmem_shared>>) target(%dma_start3A_273 : memref<632x128xf32, #tpu.memory_space<hbm>>) target_semaphore(%run_scoped3A : memref<!tpu.dma_semaphore, #tpu.memory_space<semaphore_mem>>)
      %dma_wait3A_276 = arith.constant 0 : i32
      %dma_wait3A_277 = tpu.memref_slice %arg7[%arg0, %mul3A_0, %dma_wait3A_276] : memref<2x10112x128xf32, #tpu.memory_space<hbm>> -> memref<1x632x128xf32, #tpu.memory_space<hbm>>
      %dma_wait3A_278 = tpu.memref_squeeze %dma_wait3A_277 : memref<1x632x128xf32, #tpu.memory_space<hbm>> -> memref<632x128xf32, #tpu.memory_space<hbm>>
      %dma_wait3A_279 = arith.constant 0 : i32
      %dma_wait3A_280 = tpu.memref_slice %arg15[%mul3A_0, %dma_wait3A_279] : memref<10112x128xf32, #tpu.memory_space<vmem_shared>> -> memref<632x128xf32, #tpu.memory_space<vmem_shared>>
      tpu.wait_dma2 semaphore(%run_scoped3A : memref<!tpu.dma_semaphore, #tpu.memory_space<semaphore_mem>>) src(%dma_wait3A_280 : memref<632x128xf32, #tpu.memory_space<vmem_shared>>) dst(%dma_wait3A_278 : memref<632x128xf32, #tpu.memory_space<hbm>>)
      tpu.yield
    }) : () -> ()
    "tpu.region"() ({
      %run_scoped3A = tpu.sem_alloc : memref<!tpu.dma_semaphore, #tpu.memory_space<semaphore_mem>>
      %dma_start3A_271 = arith.constant 0 : i32
      %dma_start3A_272 = arith.constant 0 : i32
      %dma_start3A_273 = tpu.memref_slice %arg16[%dma_start3A_271, %dma_start3A_272] : memref<80x128xf32, #tpu.memory_space<vmem_shared>> -> memref<80x128xf32, #tpu.memory_space<vmem_shared>>
      tpu.enqueue_indirect_dma source(%arg13 : memref<80x128xf32, #tpu.memory_space<vmem>>) target(%dma_start3A_273 : memref<80x128xf32, #tpu.memory_space<vmem_shared>>) offsets(%arg14 : memref<80xi32, #tpu.memory_space<vmem>>) semaphore(%run_scoped3A : memref<!tpu.dma_semaphore, #tpu.memory_space<semaphore_mem>>) {add = true}
      %dma_wait3A_274 = arith.constant 0 : i32
      %dma_wait3A_275 = arith.constant 0 : i32
      %dma_wait3A_276 = tpu.memref_slice %arg16[%dma_wait3A_274, %dma_wait3A_275] : memref<80x128xf32, #tpu.memory_space<vmem_shared>> -> memref<80x128xf32, #tpu.memory_space<vmem_shared>>
      tpu.wait_indirect_dma semaphore(%run_scoped3A : memref<!tpu.dma_semaphore, #tpu.memory_space<semaphore_mem>>) src(%arg13 : memref<80x128xf32, #tpu.memory_space<vmem>>) dst(%dma_wait3A_276 : memref<80x128xf32, #tpu.memory_space<vmem_shared>>)
      tpu.yield
    }) : () -> ()
    %barrier3A_265 = arith.constant 0 : index
    tpu.barrier barrier_id(%barrier3A_265)
    %lt3A_266 = arith.constant 10 : i32
    %lt3A_267 = arith.cmpi slt, %arg1, %lt3A_266 : i32
    %convert_element_type3A_268 = arith.extui %lt3A_267 : i1 to i32
    %cond3A_269 = arith.constant 0 : i32
    %cond3A_270 = arith.cmpi ne, %convert_element_type3A_268, %cond3A_269 : i32
    scf.if %cond3A_270 {
      %mul3A_271 = arith.constant 8 : i32
      %mul3A_272 = arith.muli %arg1, %mul3A_271 : i32
      "tpu.region"() ({
        %run_scoped3A = tpu.sem_alloc : memref<!tpu.dma_semaphore, #tpu.memory_space<semaphore_mem>>
        %dma_start3A_273 = arith.constant 0 : i32
        %dma_start3A_274 = tpu.memref_slice %arg8[%arg0, %mul3A_272, %dma_start3A_273] : memref<2x80x128xf32, #tpu.memory_space<hbm>> -> memref<1x8x128xf32, #tpu.memory_space<hbm>>
        %dma_start3A_275 = tpu.memref_squeeze %dma_start3A_274 : memref<1x8x128xf32, #tpu.memory_space<hbm>> -> memref<8x128xf32, #tpu.memory_space<hbm>>
        %dma_start3A_276 = arith.constant 0 : i32
        %dma_start3A_277 = tpu.memref_slice %arg16[%mul3A_272, %dma_start3A_276] : memref<80x128xf32, #tpu.memory_space<vmem_shared>> -> memref<8x128xf32, #tpu.memory_space<vmem_shared>>
        tpu.enqueue_dma source(%dma_start3A_277 : memref<8x128xf32, #tpu.memory_space<vmem_shared>>) target(%dma_start3A_275 : memref<8x128xf32, #tpu.memory_space<hbm>>) target_semaphore(%run_scoped3A : memref<!tpu.dma_semaphore, #tpu.memory_space<semaphore_mem>>)
        %dma_wait3A_278 = arith.constant 0 : i32
        %dma_wait3A_279 = tpu.memref_slice %arg8[%arg0, %mul3A_272, %dma_wait3A_278] : memref<2x80x128xf32, #tpu.memory_space<hbm>> -> memref<1x8x128xf32, #tpu.memory_space<hbm>>
        %dma_wait3A_280 = tpu.memref_squeeze %dma_wait3A_279 : memref<1x8x128xf32, #tpu.memory_space<hbm>> -> memref<8x128xf32, #tpu.memory_space<hbm>>
        %dma_wait3A_281 = arith.constant 0 : i32
        %dma_wait3A_282 = tpu.memref_slice %arg16[%mul3A_272, %dma_wait3A_281] : memref<80x128xf32, #tpu.memory_space<vmem_shared>> -> memref<8x128xf32, #tpu.memory_space<vmem_shared>>
        tpu.wait_dma2 semaphore(%run_scoped3A : memref<!tpu.dma_semaphore, #tpu.memory_space<semaphore_mem>>) src(%dma_wait3A_282 : memref<8x128xf32, #tpu.memory_space<vmem_shared>>) dst(%dma_wait3A_280 : memref<8x128xf32, #tpu.memory_space<hbm>>)
        tpu.yield
      }) : () -> ()
    } else {
    }
    return
  }
}

#map = affine_map<(d0, d1) -> (0)>
#map1 = affine_map<(d0, d1) -> (0, 0)>
#map2 = affine_map<(d0, d1) -> (0, 0, 0)>
module attributes {stable_mosaic.version = 14 : i64} {
  func.func @k(%arg0: i32, %arg1: i32, %arg2: memref<320000xi32, #tpu.memory_space<hbm>>, %arg3: memref<320000xi32, #tpu.memory_space<hbm>>, %arg4: memref<10000x128xf32, #tpu.memory_space<hbm>>, %arg5: memref<10112x128xf32, #tpu.memory_space<hbm>>, %arg6: memref<2x10112x128xf32, #tpu.memory_space<hbm>>, %arg7: memref<10000xi32, #tpu.memory_space<vmem>>, %arg8: memref<128xi32, #tpu.memory_space<vmem>>, %arg9: memref<128xi32, #tpu.memory_space<vmem>>, %arg10: memref<16xi32, #tpu.memory_space<vmem>>, %arg11: memref<2x128x128xf32, #tpu.memory_space<vmem>>, %arg12: memref<16x128xf32, #tpu.memory_space<vmem>>, %arg13: memref<10112x128xf32, #tpu.memory_space<vmem_shared>>, %arg14: memref<!tpu.dma_semaphore, #tpu.memory_space<semaphore_mem>>, %arg15: memref<!tpu.dma_semaphore, #tpu.memory_space<semaphore_mem>>, %arg16: memref<!tpu.dma_semaphore, #tpu.memory_space<semaphore_mem>>, %arg17: memref<!tpu.dma_semaphore, #tpu.memory_space<semaphore_mem>>, %arg18: memref<!tpu.dma_semaphore, #tpu.memory_space<semaphore_mem>>) attributes {dimension_semantics = [#tpu.dimension_semantics<core_parallel>, #tpu.dimension_semantics<subcore_parallel>], iteration_bounds = array<i64: 2, 16>, scalar_prefetch = 0 : i64, scratch_operands = 12 : i64, tpu.core_type = #tpu.core_type<sc_vector_subcore>, window_params = [{transform_indices = #map}, {transform_indices = #map}, {transform_indices = #map1}, {transform_indices = #map1}, {transform_indices = #map2}]} {
    %mul3A = arith.constant 632 : i32
    %mul3A_0 = arith.muli %arg1, %mul3A : i32
    "tpu.region"() ({
      %run_scoped3A = tpu.sem_alloc : memref<!tpu.dma_semaphore, #tpu.memory_space<semaphore_mem>>
      %dma_start3A_109 = arith.constant 0 : i32
      %dma_start3A_110 = tpu.memref_slice %arg13[%mul3A_0, %dma_start3A_109] : memref<10112x128xf32, #tpu.memory_space<vmem_shared>> -> memref<632x128xf32, #tpu.memory_space<vmem_shared>>
      %dma_start3A_111 = arith.constant 0 : i32
      %dma_start3A_112 = tpu.memref_slice %arg5[%mul3A_0, %dma_start3A_111] : memref<10112x128xf32, #tpu.memory_space<hbm>> -> memref<632x128xf32, #tpu.memory_space<hbm>>
      tpu.enqueue_dma source(%dma_start3A_112 : memref<632x128xf32, #tpu.memory_space<hbm>>) target(%dma_start3A_110 : memref<632x128xf32, #tpu.memory_space<vmem_shared>>) target_semaphore(%run_scoped3A : memref<!tpu.dma_semaphore, #tpu.memory_space<semaphore_mem>>)
      %dma_wait3A_113 = arith.constant 0 : i32
      %dma_wait3A_114 = tpu.memref_slice %arg13[%mul3A_0, %dma_wait3A_113] : memref<10112x128xf32, #tpu.memory_space<vmem_shared>> -> memref<632x128xf32, #tpu.memory_space<vmem_shared>>
      %dma_wait3A_115 = arith.constant 0 : i32
      %dma_wait3A_116 = tpu.memref_slice %arg5[%mul3A_0, %dma_wait3A_115] : memref<10112x128xf32, #tpu.memory_space<hbm>> -> memref<632x128xf32, #tpu.memory_space<hbm>>
      tpu.wait_dma2 semaphore(%run_scoped3A : memref<!tpu.dma_semaphore, #tpu.memory_space<semaphore_mem>>) src(%dma_wait3A_116 : memref<632x128xf32, #tpu.memory_space<hbm>>) dst(%dma_wait3A_114 : memref<632x128xf32, #tpu.memory_space<vmem_shared>>)
      tpu.yield
    }) : () -> ()
    %mul3A_1 = arith.constant 160000 : i32
    %mul3A_2 = arith.muli %arg0, %mul3A_1 : i32
    %mul3A_3 = arith.constant 10000 : i32
    %mul3A_4 = arith.muli %arg1, %mul3A_3 : i32
    %add3A = arith.addi %mul3A_2, %mul3A_4 : i32
    "tpu.region"() ({
      %run_scoped3A = tpu.sem_alloc : memref<!tpu.dma_semaphore, #tpu.memory_space<semaphore_mem>>
      %dma_start3A_109 = tpu.memref_slice %arg2[%add3A] : memref<320000xi32, #tpu.memory_space<hbm>> -> memref<10000xi32, #tpu.memory_space<hbm>>
      %dma_start3A_110 = tpu.memref_slice %arg2[%add3A] : memref<320000xi32, #tpu.memory_space<hbm>> -> memref<10000xi32, #tpu.memory_space<hbm>>
      tpu.enqueue_dma source(%dma_start3A_110 : memref<10000xi32, #tpu.memory_space<hbm>>) target(%arg7 : memref<10000xi32, #tpu.memory_space<vmem>>) target_semaphore(%run_scoped3A : memref<!tpu.dma_semaphore, #tpu.memory_space<semaphore_mem>>)
      %dma_wait3A_111 = tpu.memref_slice %arg2[%add3A] : memref<320000xi32, #tpu.memory_space<hbm>> -> memref<10000xi32, #tpu.memory_space<hbm>>
      %dma_wait3A_112 = tpu.memref_slice %arg2[%add3A] : memref<320000xi32, #tpu.memory_space<hbm>> -> memref<10000xi32, #tpu.memory_space<hbm>>
      tpu.wait_dma2 semaphore(%run_scoped3A : memref<!tpu.dma_semaphore, #tpu.memory_space<semaphore_mem>>) src(%dma_wait3A_112 : memref<10000xi32, #tpu.memory_space<hbm>>) dst(%arg7 : memref<10000xi32, #tpu.memory_space<vmem>>)
      tpu.yield
    }) : () -> ()
    %barrier3A = arith.constant 0 : index
    tpu.barrier barrier_id(%barrier3A)
    %add3A_5 = arith.constant 0 : i32
    %add3A_6 = arith.addi %add3A, %add3A_5 : i32
    %dma_start3A = tpu.memref_slice %arg3[%add3A_6] : memref<320000xi32, #tpu.memory_space<hbm>> -> memref<128xi32, #tpu.memory_space<hbm>>
    %dma_start3A_7 = tpu.memref_slice %arg3[%add3A_6] : memref<320000xi32, #tpu.memory_space<hbm>> -> memref<128xi32, #tpu.memory_space<hbm>>
    tpu.enqueue_dma source(%dma_start3A_7 : memref<128xi32, #tpu.memory_space<hbm>>) target(%arg8 : memref<128xi32, #tpu.memory_space<vmem>>) target_semaphore(%arg14 : memref<!tpu.dma_semaphore, #tpu.memory_space<semaphore_mem>>)
    %dma_start3A_8 = arith.constant 0 : i32
    %dma_start3A_9 = arith.constant 0 : i32
    %dma_start3A_10 = arith.constant 0 : i32
    %dma_start3A_11 = tpu.memref_slice %arg11[%dma_start3A_8, %dma_start3A_9, %dma_start3A_10] : memref<2x128x128xf32, #tpu.memory_space<vmem>> -> memref<1x128x128xf32, #tpu.memory_space<vmem>>
    %dma_start3A_12 = tpu.memref_squeeze %dma_start3A_11 : memref<1x128x128xf32, #tpu.memory_space<vmem>> -> memref<128x128xf32, #tpu.memory_space<vmem>>
    %dma_start3A_13 = arith.constant 0 : i32
    %dma_start3A_14 = tpu.memref_slice %arg7[%dma_start3A_13] : memref<10000xi32, #tpu.memory_space<vmem>> -> memref<128xi32, #tpu.memory_space<vmem>>
    %dma_start3A_15 = arith.constant 0 : i32
    %dma_start3A_16 = arith.constant 0 : i32
    %dma_start3A_17 = tpu.memref_slice %arg4[%dma_start3A_15, %dma_start3A_16] : memref<10000x128xf32, #tpu.memory_space<hbm>> -> memref<10000x128xf32, #tpu.memory_space<hbm>>
    tpu.enqueue_indirect_dma source(%dma_start3A_17 : memref<10000x128xf32, #tpu.memory_space<hbm>>) target(%dma_start3A_12 : memref<128x128xf32, #tpu.memory_space<vmem>>) offsets(%dma_start3A_14 : memref<128xi32, #tpu.memory_space<vmem>>) semaphore(%arg16 : memref<!tpu.dma_semaphore, #tpu.memory_space<semaphore_mem>>)
    %add3A_18 = arith.constant 128 : i32
    %add3A_19 = arith.addi %add3A, %add3A_18 : i32
    %dma_start3A_20 = tpu.memref_slice %arg3[%add3A_19] : memref<320000xi32, #tpu.memory_space<hbm>> -> memref<128xi32, #tpu.memory_space<hbm>>
    %dma_start3A_21 = tpu.memref_slice %arg3[%add3A_19] : memref<320000xi32, #tpu.memory_space<hbm>> -> memref<128xi32, #tpu.memory_space<hbm>>
    tpu.enqueue_dma source(%dma_start3A_21 : memref<128xi32, #tpu.memory_space<hbm>>) target(%arg9 : memref<128xi32, #tpu.memory_space<vmem>>) target_semaphore(%arg15 : memref<!tpu.dma_semaphore, #tpu.memory_space<semaphore_mem>>)
    %dma_start3A_22 = arith.constant 1 : i32
    %dma_start3A_23 = arith.constant 0 : i32
    %dma_start3A_24 = arith.constant 0 : i32
    %dma_start3A_25 = tpu.memref_slice %arg11[%dma_start3A_22, %dma_start3A_23, %dma_start3A_24] : memref<2x128x128xf32, #tpu.memory_space<vmem>> -> memref<1x128x128xf32, #tpu.memory_space<vmem>>
    %dma_start3A_26 = tpu.memref_squeeze %dma_start3A_25 : memref<1x128x128xf32, #tpu.memory_space<vmem>> -> memref<128x128xf32, #tpu.memory_space<vmem>>
    %dma_start3A_27 = arith.constant 128 : i32
    %dma_start3A_28 = tpu.memref_slice %arg7[%dma_start3A_27] : memref<10000xi32, #tpu.memory_space<vmem>> -> memref<128xi32, #tpu.memory_space<vmem>>
    %dma_start3A_29 = arith.constant 0 : i32
    %dma_start3A_30 = arith.constant 0 : i32
    %dma_start3A_31 = tpu.memref_slice %arg4[%dma_start3A_29, %dma_start3A_30] : memref<10000x128xf32, #tpu.memory_space<hbm>> -> memref<10000x128xf32, #tpu.memory_space<hbm>>
    tpu.enqueue_indirect_dma source(%dma_start3A_31 : memref<10000x128xf32, #tpu.memory_space<hbm>>) target(%dma_start3A_26 : memref<128x128xf32, #tpu.memory_space<vmem>>) offsets(%dma_start3A_28 : memref<128xi32, #tpu.memory_space<vmem>>) semaphore(%arg17 : memref<!tpu.dma_semaphore, #tpu.memory_space<semaphore_mem>>)
    %dma_wait3A = arith.constant 0 : i32
    %dma_wait3A_32 = arith.constant 0 : i32
    %dma_wait3A_33 = arith.constant 0 : i32
    %dma_wait3A_34 = tpu.memref_slice %arg11[%dma_wait3A, %dma_wait3A_32, %dma_wait3A_33] : memref<2x128x128xf32, #tpu.memory_space<vmem>> -> memref<1x128x128xf32, #tpu.memory_space<vmem>>
    %dma_wait3A_35 = tpu.memref_squeeze %dma_wait3A_34 : memref<1x128x128xf32, #tpu.memory_space<vmem>> -> memref<128x128xf32, #tpu.memory_space<vmem>>
    %dma_wait3A_36 = arith.constant 0 : i32
    %dma_wait3A_37 = tpu.memref_slice %arg7[%dma_wait3A_36] : memref<10000xi32, #tpu.memory_space<vmem>> -> memref<128xi32, #tpu.memory_space<vmem>>
    %dma_wait3A_38 = arith.constant 0 : i32
    %dma_wait3A_39 = arith.constant 0 : i32
    %dma_wait3A_40 = tpu.memref_slice %arg4[%dma_wait3A_38, %dma_wait3A_39] : memref<10000x128xf32, #tpu.memory_space<hbm>> -> memref<10000x128xf32, #tpu.memory_space<hbm>>
    tpu.wait_indirect_dma semaphore(%arg16 : memref<!tpu.dma_semaphore, #tpu.memory_space<semaphore_mem>>) src(%dma_wait3A_40 : memref<10000x128xf32, #tpu.memory_space<hbm>>) dst(%dma_wait3A_35 : memref<128x128xf32, #tpu.memory_space<vmem>>)
    %add3A_41 = arith.constant 0 : i32
    %add3A_42 = arith.addi %add3A, %add3A_41 : i32
    %dma_wait3A_43 = tpu.memref_slice %arg3[%add3A_42] : memref<320000xi32, #tpu.memory_space<hbm>> -> memref<128xi32, #tpu.memory_space<hbm>>
    %dma_wait3A_44 = tpu.memref_slice %arg3[%add3A_42] : memref<320000xi32, #tpu.memory_space<hbm>> -> memref<128xi32, #tpu.memory_space<hbm>>
    tpu.wait_dma2 semaphore(%arg14 : memref<!tpu.dma_semaphore, #tpu.memory_space<semaphore_mem>>) src(%dma_wait3A_44 : memref<128xi32, #tpu.memory_space<hbm>>) dst(%arg8 : memref<128xi32, #tpu.memory_space<vmem>>)
    %dma_start3A_45 = arith.constant 0 : i32
    %dma_start3A_46 = arith.constant 0 : i32
    %dma_start3A_47 = arith.constant 0 : i32
    %dma_start3A_48 = tpu.memref_slice %arg11[%dma_start3A_45, %dma_start3A_46, %dma_start3A_47] : memref<2x128x128xf32, #tpu.memory_space<vmem>> -> memref<1x128x128xf32, #tpu.memory_space<vmem>>
    %dma_start3A_49 = tpu.memref_squeeze %dma_start3A_48 : memref<1x128x128xf32, #tpu.memory_space<vmem>> -> memref<128x128xf32, #tpu.memory_space<vmem>>
    %dma_start3A_50 = arith.constant 0 : i32
    %dma_start3A_51 = arith.constant 0 : i32
    %dma_start3A_52 = tpu.memref_slice %arg13[%dma_start3A_50, %dma_start3A_51] : memref<10112x128xf32, #tpu.memory_space<vmem_shared>> -> memref<10112x128xf32, #tpu.memory_space<vmem_shared>>
    tpu.enqueue_indirect_dma source(%dma_start3A_49 : memref<128x128xf32, #tpu.memory_space<vmem>>) target(%dma_start3A_52 : memref<10112x128xf32, #tpu.memory_space<vmem_shared>>) offsets(%arg8 : memref<128xi32, #tpu.memory_space<vmem>>) semaphore(%arg18 : memref<!tpu.dma_semaphore, #tpu.memory_space<semaphore_mem>>) {add = true}
    %scan3A = arith.constant 0 : i32
    %scan3A_53 = arith.constant 0 : i32
    %scan3A_54 = arith.constant 38 : i32
    %scan3A_55 = arith.addi %scan3A_53, %scan3A_54 : i32
    %scan3A_56 = arith.constant 1 : i32
    scf.for %scan3A_109 = %scan3A_53 to %scan3A_55 step %scan3A_56  : i32 {
      %mul3A_110 = arith.constant 2 : i32
      %mul3A_111 = arith.muli %mul3A_110, %scan3A_109 : i32
      %add3A_112 = arith.constant 2 : i32
      %add3A_113 = arith.addi %mul3A_111, %add3A_112 : i32
      %dma_wait3A_114 = arith.constant 0 : i32
      %dma_wait3A_115 = arith.constant 0 : i32
      %dma_wait3A_116 = arith.constant 0 : i32
      %dma_wait3A_117 = tpu.memref_slice %arg11[%dma_wait3A_114, %dma_wait3A_115, %dma_wait3A_116] : memref<2x128x128xf32, #tpu.memory_space<vmem>> -> memref<1x128x128xf32, #tpu.memory_space<vmem>>
      %dma_wait3A_118 = tpu.memref_squeeze %dma_wait3A_117 : memref<1x128x128xf32, #tpu.memory_space<vmem>> -> memref<128x128xf32, #tpu.memory_space<vmem>>
      %dma_wait3A_119 = arith.constant 0 : i32
      %dma_wait3A_120 = arith.constant 0 : i32
      %dma_wait3A_121 = tpu.memref_slice %arg13[%dma_wait3A_119, %dma_wait3A_120] : memref<10112x128xf32, #tpu.memory_space<vmem_shared>> -> memref<10112x128xf32, #tpu.memory_space<vmem_shared>>
      tpu.wait_indirect_dma semaphore(%arg18 : memref<!tpu.dma_semaphore, #tpu.memory_space<semaphore_mem>>) src(%dma_wait3A_118 : memref<128x128xf32, #tpu.memory_space<vmem>>) dst(%dma_wait3A_121 : memref<10112x128xf32, #tpu.memory_space<vmem_shared>>)
      %mul3A_122 = arith.constant 128 : i32
      %mul3A_123 = arith.muli %add3A_113, %mul3A_122 : i32
      %add3A_124 = arith.addi %add3A, %mul3A_123 : i32
      %dma_start3A_125 = tpu.memref_slice %arg3[%add3A_124] : memref<320000xi32, #tpu.memory_space<hbm>> -> memref<128xi32, #tpu.memory_space<hbm>>
      %dma_start3A_126 = tpu.memref_slice %arg3[%add3A_124] : memref<320000xi32, #tpu.memory_space<hbm>> -> memref<128xi32, #tpu.memory_space<hbm>>
      tpu.enqueue_dma source(%dma_start3A_126 : memref<128xi32, #tpu.memory_space<hbm>>) target(%arg8 : memref<128xi32, #tpu.memory_space<vmem>>) target_semaphore(%arg14 : memref<!tpu.dma_semaphore, #tpu.memory_space<semaphore_mem>>)
      %mul3A_127 = arith.constant 128 : i32
      %mul3A_128 = arith.muli %add3A_113, %mul3A_127 : i32
      %dma_start3A_129 = arith.constant 0 : i32
      %dma_start3A_130 = arith.constant 0 : i32
      %dma_start3A_131 = arith.constant 0 : i32
      %dma_start3A_132 = tpu.memref_slice %arg11[%dma_start3A_129, %dma_start3A_130, %dma_start3A_131] : memref<2x128x128xf32, #tpu.memory_space<vmem>> -> memref<1x128x128xf32, #tpu.memory_space<vmem>>
      %dma_start3A_133 = tpu.memref_squeeze %dma_start3A_132 : memref<1x128x128xf32, #tpu.memory_space<vmem>> -> memref<128x128xf32, #tpu.memory_space<vmem>>
      %dma_start3A_134 = tpu.memref_slice %arg7[%mul3A_128] : memref<10000xi32, #tpu.memory_space<vmem>> -> memref<128xi32, #tpu.memory_space<vmem>>
      %dma_start3A_135 = arith.constant 0 : i32
      %dma_start3A_136 = arith.constant 0 : i32
      %dma_start3A_137 = tpu.memref_slice %arg4[%dma_start3A_135, %dma_start3A_136] : memref<10000x128xf32, #tpu.memory_space<hbm>> -> memref<10000x128xf32, #tpu.memory_space<hbm>>
      tpu.enqueue_indirect_dma source(%dma_start3A_137 : memref<10000x128xf32, #tpu.memory_space<hbm>>) target(%dma_start3A_133 : memref<128x128xf32, #tpu.memory_space<vmem>>) offsets(%dma_start3A_134 : memref<128xi32, #tpu.memory_space<vmem>>) semaphore(%arg16 : memref<!tpu.dma_semaphore, #tpu.memory_space<semaphore_mem>>)
      %sub3A = arith.constant 1 : i32
      %sub3A_138 = arith.subi %add3A_113, %sub3A : i32
      %mul3A_139 = arith.constant 128 : i32
      %mul3A_140 = arith.muli %sub3A_138, %mul3A_139 : i32
      %dma_wait3A_141 = arith.constant 1 : i32
      %dma_wait3A_142 = arith.constant 0 : i32
      %dma_wait3A_143 = arith.constant 0 : i32
      %dma_wait3A_144 = tpu.memref_slice %arg11[%dma_wait3A_141, %dma_wait3A_142, %dma_wait3A_143] : memref<2x128x128xf32, #tpu.memory_space<vmem>> -> memref<1x128x128xf32, #tpu.memory_space<vmem>>
      %dma_wait3A_145 = tpu.memref_squeeze %dma_wait3A_144 : memref<1x128x128xf32, #tpu.memory_space<vmem>> -> memref<128x128xf32, #tpu.memory_space<vmem>>
      %dma_wait3A_146 = tpu.memref_slice %arg7[%mul3A_140] : memref<10000xi32, #tpu.memory_space<vmem>> -> memref<128xi32, #tpu.memory_space<vmem>>
      %dma_wait3A_147 = arith.constant 0 : i32
      %dma_wait3A_148 = arith.constant 0 : i32
      %dma_wait3A_149 = tpu.memref_slice %arg4[%dma_wait3A_147, %dma_wait3A_148] : memref<10000x128xf32, #tpu.memory_space<hbm>> -> memref<10000x128xf32, #tpu.memory_space<hbm>>
      tpu.wait_indirect_dma semaphore(%arg17 : memref<!tpu.dma_semaphore, #tpu.memory_space<semaphore_mem>>) src(%dma_wait3A_149 : memref<10000x128xf32, #tpu.memory_space<hbm>>) dst(%dma_wait3A_145 : memref<128x128xf32, #tpu.memory_space<vmem>>)
      %sub3A_150 = arith.constant 1 : i32
      %sub3A_151 = arith.subi %add3A_113, %sub3A_150 : i32
      %mul3A_152 = arith.constant 128 : i32
      %mul3A_153 = arith.muli %sub3A_151, %mul3A_152 : i32
      %add3A_154 = arith.addi %add3A, %mul3A_153 : i32
      %dma_wait3A_155 = tpu.memref_slice %arg3[%add3A_154] : memref<320000xi32, #tpu.memory_space<hbm>> -> memref<128xi32, #tpu.memory_space<hbm>>
      %dma_wait3A_156 = tpu.memref_slice %arg3[%add3A_154] : memref<320000xi32, #tpu.memory_space<hbm>> -> memref<128xi32, #tpu.memory_space<hbm>>
      tpu.wait_dma2 semaphore(%arg15 : memref<!tpu.dma_semaphore, #tpu.memory_space<semaphore_mem>>) src(%dma_wait3A_156 : memref<128xi32, #tpu.memory_space<hbm>>) dst(%arg9 : memref<128xi32, #tpu.memory_space<vmem>>)
      %dma_start3A_157 = arith.constant 1 : i32
      %dma_start3A_158 = arith.constant 0 : i32
      %dma_start3A_159 = arith.constant 0 : i32
      %dma_start3A_160 = tpu.memref_slice %arg11[%dma_start3A_157, %dma_start3A_158, %dma_start3A_159] : memref<2x128x128xf32, #tpu.memory_space<vmem>> -> memref<1x128x128xf32, #tpu.memory_space<vmem>>
      %dma_start3A_161 = tpu.memref_squeeze %dma_start3A_160 : memref<1x128x128xf32, #tpu.memory_space<vmem>> -> memref<128x128xf32, #tpu.memory_space<vmem>>
      %dma_start3A_162 = arith.constant 0 : i32
      %dma_start3A_163 = arith.constant 0 : i32
      %dma_start3A_164 = tpu.memref_slice %arg13[%dma_start3A_162, %dma_start3A_163] : memref<10112x128xf32, #tpu.memory_space<vmem_shared>> -> memref<10112x128xf32, #tpu.memory_space<vmem_shared>>
      tpu.enqueue_indirect_dma source(%dma_start3A_161 : memref<128x128xf32, #tpu.memory_space<vmem>>) target(%dma_start3A_164 : memref<10112x128xf32, #tpu.memory_space<vmem_shared>>) offsets(%arg9 : memref<128xi32, #tpu.memory_space<vmem>>) semaphore(%arg18 : memref<!tpu.dma_semaphore, #tpu.memory_space<semaphore_mem>>) {add = true}
      %mul3A_165 = arith.constant 2 : i32
      %mul3A_166 = arith.muli %mul3A_165, %scan3A_109 : i32
      %add3A_167 = arith.constant 3 : i32
      %add3A_168 = arith.addi %mul3A_166, %add3A_167 : i32
      %dma_wait3A_169 = arith.constant 1 : i32
      %dma_wait3A_170 = arith.constant 0 : i32
      %dma_wait3A_171 = arith.constant 0 : i32
      %dma_wait3A_172 = tpu.memref_slice %arg11[%dma_wait3A_169, %dma_wait3A_170, %dma_wait3A_171] : memref<2x128x128xf32, #tpu.memory_space<vmem>> -> memref<1x128x128xf32, #tpu.memory_space<vmem>>
      %dma_wait3A_173 = tpu.memref_squeeze %dma_wait3A_172 : memref<1x128x128xf32, #tpu.memory_space<vmem>> -> memref<128x128xf32, #tpu.memory_space<vmem>>
      %dma_wait3A_174 = arith.constant 0 : i32
      %dma_wait3A_175 = arith.constant 0 : i32
      %dma_wait3A_176 = tpu.memref_slice %arg13[%dma_wait3A_174, %dma_wait3A_175] : memref<10112x128xf32, #tpu.memory_space<vmem_shared>> -> memref<10112x128xf32, #tpu.memory_space<vmem_shared>>
      tpu.wait_indirect_dma semaphore(%arg18 : memref<!tpu.dma_semaphore, #tpu.memory_space<semaphore_mem>>) src(%dma_wait3A_173 : memref<128x128xf32, #tpu.memory_space<vmem>>) dst(%dma_wait3A_176 : memref<10112x128xf32, #tpu.memory_space<vmem_shared>>)
      %mul3A_177 = arith.constant 128 : i32
      %mul3A_178 = arith.muli %add3A_168, %mul3A_177 : i32
      %add3A_179 = arith.addi %add3A, %mul3A_178 : i32
      %dma_start3A_180 = tpu.memref_slice %arg3[%add3A_179] : memref<320000xi32, #tpu.memory_space<hbm>> -> memref<128xi32, #tpu.memory_space<hbm>>
      %dma_start3A_181 = tpu.memref_slice %arg3[%add3A_179] : memref<320000xi32, #tpu.memory_space<hbm>> -> memref<128xi32, #tpu.memory_space<hbm>>
      tpu.enqueue_dma source(%dma_start3A_181 : memref<128xi32, #tpu.memory_space<hbm>>) target(%arg9 : memref<128xi32, #tpu.memory_space<vmem>>) target_semaphore(%arg15 : memref<!tpu.dma_semaphore, #tpu.memory_space<semaphore_mem>>)
      %mul3A_182 = arith.constant 128 : i32
      %mul3A_183 = arith.muli %add3A_168, %mul3A_182 : i32
      %dma_start3A_184 = arith.constant 1 : i32
      %dma_start3A_185 = arith.constant 0 : i32
      %dma_start3A_186 = arith.constant 0 : i32
      %dma_start3A_187 = tpu.memref_slice %arg11[%dma_start3A_184, %dma_start3A_185, %dma_start3A_186] : memref<2x128x128xf32, #tpu.memory_space<vmem>> -> memref<1x128x128xf32, #tpu.memory_space<vmem>>
      %dma_start3A_188 = tpu.memref_squeeze %dma_start3A_187 : memref<1x128x128xf32, #tpu.memory_space<vmem>> -> memref<128x128xf32, #tpu.memory_space<vmem>>
      %dma_start3A_189 = tpu.memref_slice %arg7[%mul3A_183] : memref<10000xi32, #tpu.memory_space<vmem>> -> memref<128xi32, #tpu.memory_space<vmem>>
      %dma_start3A_190 = arith.constant 0 : i32
      %dma_start3A_191 = arith.constant 0 : i32
      %dma_start3A_192 = tpu.memref_slice %arg4[%dma_start3A_190, %dma_start3A_191] : memref<10000x128xf32, #tpu.memory_space<hbm>> -> memref<10000x128xf32, #tpu.memory_space<hbm>>
      tpu.enqueue_indirect_dma source(%dma_start3A_192 : memref<10000x128xf32, #tpu.memory_space<hbm>>) target(%dma_start3A_188 : memref<128x128xf32, #tpu.memory_space<vmem>>) offsets(%dma_start3A_189 : memref<128xi32, #tpu.memory_space<vmem>>) semaphore(%arg17 : memref<!tpu.dma_semaphore, #tpu.memory_space<semaphore_mem>>)
      %sub3A_193 = arith.constant 1 : i32
      %sub3A_194 = arith.subi %add3A_168, %sub3A_193 : i32
      %mul3A_195 = arith.constant 128 : i32
      %mul3A_196 = arith.muli %sub3A_194, %mul3A_195 : i32
      %dma_wait3A_197 = arith.constant 0 : i32
      %dma_wait3A_198 = arith.constant 0 : i32
      %dma_wait3A_199 = arith.constant 0 : i32
      %dma_wait3A_200 = tpu.memref_slice %arg11[%dma_wait3A_197, %dma_wait3A_198, %dma_wait3A_199] : memref<2x128x128xf32, #tpu.memory_space<vmem>> -> memref<1x128x128xf32, #tpu.memory_space<vmem>>
      %dma_wait3A_201 = tpu.memref_squeeze %dma_wait3A_200 : memref<1x128x128xf32, #tpu.memory_space<vmem>> -> memref<128x128xf32, #tpu.memory_space<vmem>>
      %dma_wait3A_202 = tpu.memref_slice %arg7[%mul3A_196] : memref<10000xi32, #tpu.memory_space<vmem>> -> memref<128xi32, #tpu.memory_space<vmem>>
      %dma_wait3A_203 = arith.constant 0 : i32
      %dma_wait3A_204 = arith.constant 0 : i32
      %dma_wait3A_205 = tpu.memref_slice %arg4[%dma_wait3A_203, %dma_wait3A_204] : memref<10000x128xf32, #tpu.memory_space<hbm>> -> memref<10000x128xf32, #tpu.memory_space<hbm>>
      tpu.wait_indirect_dma semaphore(%arg16 : memref<!tpu.dma_semaphore, #tpu.memory_space<semaphore_mem>>) src(%dma_wait3A_205 : memref<10000x128xf32, #tpu.memory_space<hbm>>) dst(%dma_wait3A_201 : memref<128x128xf32, #tpu.memory_space<vmem>>)
      %sub3A_206 = arith.constant 1 : i32
      %sub3A_207 = arith.subi %add3A_168, %sub3A_206 : i32
      %mul3A_208 = arith.constant 128 : i32
      %mul3A_209 = arith.muli %sub3A_207, %mul3A_208 : i32
      %add3A_210 = arith.addi %add3A, %mul3A_209 : i32
      %dma_wait3A_211 = tpu.memref_slice %arg3[%add3A_210] : memref<320000xi32, #tpu.memory_space<hbm>> -> memref<128xi32, #tpu.memory_space<hbm>>
      %dma_wait3A_212 = tpu.memref_slice %arg3[%add3A_210] : memref<320000xi32, #tpu.memory_space<hbm>> -> memref<128xi32, #tpu.memory_space<hbm>>
      tpu.wait_dma2 semaphore(%arg14 : memref<!tpu.dma_semaphore, #tpu.memory_space<semaphore_mem>>) src(%dma_wait3A_212 : memref<128xi32, #tpu.memory_space<hbm>>) dst(%arg8 : memref<128xi32, #tpu.memory_space<vmem>>)
      %dma_start3A_213 = arith.constant 0 : i32
      %dma_start3A_214 = arith.constant 0 : i32
      %dma_start3A_215 = arith.constant 0 : i32
      %dma_start3A_216 = tpu.memref_slice %arg11[%dma_start3A_213, %dma_start3A_214, %dma_start3A_215] : memref<2x128x128xf32, #tpu.memory_space<vmem>> -> memref<1x128x128xf32, #tpu.memory_space<vmem>>
      %dma_start3A_217 = tpu.memref_squeeze %dma_start3A_216 : memref<1x128x128xf32, #tpu.memory_space<vmem>> -> memref<128x128xf32, #tpu.memory_space<vmem>>
      %dma_start3A_218 = arith.constant 0 : i32
      %dma_start3A_219 = arith.constant 0 : i32
      %dma_start3A_220 = tpu.memref_slice %arg13[%dma_start3A_218, %dma_start3A_219] : memref<10112x128xf32, #tpu.memory_space<vmem_shared>> -> memref<10112x128xf32, #tpu.memory_space<vmem_shared>>
      tpu.enqueue_indirect_dma source(%dma_start3A_217 : memref<128x128xf32, #tpu.memory_space<vmem>>) target(%dma_start3A_220 : memref<10112x128xf32, #tpu.memory_space<vmem_shared>>) offsets(%arg8 : memref<128xi32, #tpu.memory_space<vmem>>) semaphore(%arg18 : memref<!tpu.dma_semaphore, #tpu.memory_space<semaphore_mem>>) {add = true}
    }
    %scan3A_57 = arith.constant 38 : i32
    %dma_wait3A_58 = arith.constant 1 : i32
    %dma_wait3A_59 = arith.constant 0 : i32
    %dma_wait3A_60 = arith.constant 0 : i32
    %dma_wait3A_61 = tpu.memref_slice %arg11[%dma_wait3A_58, %dma_wait3A_59, %dma_wait3A_60] : memref<2x128x128xf32, #tpu.memory_space<vmem>> -> memref<1x128x128xf32, #tpu.memory_space<vmem>>
    %dma_wait3A_62 = tpu.memref_squeeze %dma_wait3A_61 : memref<1x128x128xf32, #tpu.memory_space<vmem>> -> memref<128x128xf32, #tpu.memory_space<vmem>>
    %dma_wait3A_63 = arith.constant 9856 : i32
    %dma_wait3A_64 = tpu.memref_slice %arg7[%dma_wait3A_63] : memref<10000xi32, #tpu.memory_space<vmem>> -> memref<128xi32, #tpu.memory_space<vmem>>
    %dma_wait3A_65 = arith.constant 0 : i32
    %dma_wait3A_66 = arith.constant 0 : i32
    %dma_wait3A_67 = tpu.memref_slice %arg4[%dma_wait3A_65, %dma_wait3A_66] : memref<10000x128xf32, #tpu.memory_space<hbm>> -> memref<10000x128xf32, #tpu.memory_space<hbm>>
    tpu.wait_indirect_dma semaphore(%arg17 : memref<!tpu.dma_semaphore, #tpu.memory_space<semaphore_mem>>) src(%dma_wait3A_67 : memref<10000x128xf32, #tpu.memory_space<hbm>>) dst(%dma_wait3A_62 : memref<128x128xf32, #tpu.memory_space<vmem>>)
    %add3A_68 = arith.constant 9856 : i32
    %add3A_69 = arith.addi %add3A, %add3A_68 : i32
    %dma_wait3A_70 = tpu.memref_slice %arg3[%add3A_69] : memref<320000xi32, #tpu.memory_space<hbm>> -> memref<128xi32, #tpu.memory_space<hbm>>
    %dma_wait3A_71 = tpu.memref_slice %arg3[%add3A_69] : memref<320000xi32, #tpu.memory_space<hbm>> -> memref<128xi32, #tpu.memory_space<hbm>>
    tpu.wait_dma2 semaphore(%arg15 : memref<!tpu.dma_semaphore, #tpu.memory_space<semaphore_mem>>) src(%dma_wait3A_71 : memref<128xi32, #tpu.memory_space<hbm>>) dst(%arg9 : memref<128xi32, #tpu.memory_space<vmem>>)
    %dma_start3A_72 = arith.constant 1 : i32
    %dma_start3A_73 = arith.constant 0 : i32
    %dma_start3A_74 = arith.constant 0 : i32
    %dma_start3A_75 = tpu.memref_slice %arg11[%dma_start3A_72, %dma_start3A_73, %dma_start3A_74] : memref<2x128x128xf32, #tpu.memory_space<vmem>> -> memref<1x128x128xf32, #tpu.memory_space<vmem>>
    %dma_start3A_76 = tpu.memref_squeeze %dma_start3A_75 : memref<1x128x128xf32, #tpu.memory_space<vmem>> -> memref<128x128xf32, #tpu.memory_space<vmem>>
    %dma_start3A_77 = arith.constant 0 : i32
    %dma_start3A_78 = arith.constant 0 : i32
    %dma_start3A_79 = tpu.memref_slice %arg13[%dma_start3A_77, %dma_start3A_78] : memref<10112x128xf32, #tpu.memory_space<vmem_shared>> -> memref<10112x128xf32, #tpu.memory_space<vmem_shared>>
    tpu.enqueue_indirect_dma source(%dma_start3A_76 : memref<128x128xf32, #tpu.memory_space<vmem>>) target(%dma_start3A_79 : memref<10112x128xf32, #tpu.memory_space<vmem_shared>>) offsets(%arg9 : memref<128xi32, #tpu.memory_space<vmem>>) semaphore(%arg18 : memref<!tpu.dma_semaphore, #tpu.memory_space<semaphore_mem>>) {add = true}
    %dma_wait3A_80 = arith.constant 0 : i32
    %dma_wait3A_81 = arith.constant 0 : i32
    %dma_wait3A_82 = arith.constant 0 : i32
    %dma_wait3A_83 = tpu.memref_slice %arg11[%dma_wait3A_80, %dma_wait3A_81, %dma_wait3A_82] : memref<2x128x128xf32, #tpu.memory_space<vmem>> -> memref<1x128x128xf32, #tpu.memory_space<vmem>>
    %dma_wait3A_84 = tpu.memref_squeeze %dma_wait3A_83 : memref<1x128x128xf32, #tpu.memory_space<vmem>> -> memref<128x128xf32, #tpu.memory_space<vmem>>
    %dma_wait3A_85 = arith.constant 0 : i32
    %dma_wait3A_86 = arith.constant 0 : i32
    %dma_wait3A_87 = tpu.memref_slice %arg13[%dma_wait3A_85, %dma_wait3A_86] : memref<10112x128xf32, #tpu.memory_space<vmem_shared>> -> memref<10112x128xf32, #tpu.memory_space<vmem_shared>>
    tpu.wait_indirect_dma semaphore(%arg18 : memref<!tpu.dma_semaphore, #tpu.memory_space<semaphore_mem>>) src(%dma_wait3A_84 : memref<128x128xf32, #tpu.memory_space<vmem>>) dst(%dma_wait3A_87 : memref<10112x128xf32, #tpu.memory_space<vmem_shared>>)
    %dma_wait3A_88 = arith.constant 1 : i32
    %dma_wait3A_89 = arith.constant 0 : i32
    %dma_wait3A_90 = arith.constant 0 : i32
    %dma_wait3A_91 = tpu.memref_slice %arg11[%dma_wait3A_88, %dma_wait3A_89, %dma_wait3A_90] : memref<2x128x128xf32, #tpu.memory_space<vmem>> -> memref<1x128x128xf32, #tpu.memory_space<vmem>>
    %dma_wait3A_92 = tpu.memref_squeeze %dma_wait3A_91 : memref<1x128x128xf32, #tpu.memory_space<vmem>> -> memref<128x128xf32, #tpu.memory_space<vmem>>
    %dma_wait3A_93 = arith.constant 0 : i32
    %dma_wait3A_94 = arith.constant 0 : i32
    %dma_wait3A_95 = tpu.memref_slice %arg13[%dma_wait3A_93, %dma_wait3A_94] : memref<10112x128xf32, #tpu.memory_space<vmem_shared>> -> memref<10112x128xf32, #tpu.memory_space<vmem_shared>>
    tpu.wait_indirect_dma semaphore(%arg18 : memref<!tpu.dma_semaphore, #tpu.memory_space<semaphore_mem>>) src(%dma_wait3A_92 : memref<128x128xf32, #tpu.memory_space<vmem>>) dst(%dma_wait3A_95 : memref<10112x128xf32, #tpu.memory_space<vmem_shared>>)
    %add3A_96 = arith.constant 9984 : i32
    %add3A_97 = arith.addi %add3A, %add3A_96 : i32
    "tpu.region"() ({
      %run_scoped3A = tpu.sem_alloc : memref<!tpu.dma_semaphore, #tpu.memory_space<semaphore_mem>>
      %dma_start3A_109 = tpu.memref_slice %arg3[%add3A_97] : memref<320000xi32, #tpu.memory_space<hbm>> -> memref<16xi32, #tpu.memory_space<hbm>>
      %dma_start3A_110 = tpu.memref_slice %arg3[%add3A_97] : memref<320000xi32, #tpu.memory_space<hbm>> -> memref<16xi32, #tpu.memory_space<hbm>>
      tpu.enqueue_dma source(%dma_start3A_110 : memref<16xi32, #tpu.memory_space<hbm>>) target(%arg10 : memref<16xi32, #tpu.memory_space<vmem>>) target_semaphore(%run_scoped3A : memref<!tpu.dma_semaphore, #tpu.memory_space<semaphore_mem>>)
      %dma_wait3A_111 = tpu.memref_slice %arg3[%add3A_97] : memref<320000xi32, #tpu.memory_space<hbm>> -> memref<16xi32, #tpu.memory_space<hbm>>
      %dma_wait3A_112 = tpu.memref_slice %arg3[%add3A_97] : memref<320000xi32, #tpu.memory_space<hbm>> -> memref<16xi32, #tpu.memory_space<hbm>>
      tpu.wait_dma2 semaphore(%run_scoped3A : memref<!tpu.dma_semaphore, #tpu.memory_space<semaphore_mem>>) src(%dma_wait3A_112 : memref<16xi32, #tpu.memory_space<hbm>>) dst(%arg10 : memref<16xi32, #tpu.memory_space<vmem>>)
      tpu.yield
    }) : () -> ()
    %dma_start3A_98 = arith.constant 9984 : i32
    %dma_start3A_99 = tpu.memref_slice %arg7[%dma_start3A_98] : memref<10000xi32, #tpu.memory_space<vmem>> -> memref<16xi32, #tpu.memory_space<vmem>>
    %dma_start3A_100 = arith.constant 0 : i32
    %dma_start3A_101 = arith.constant 0 : i32
    %dma_start3A_102 = tpu.memref_slice %arg4[%dma_start3A_100, %dma_start3A_101] : memref<10000x128xf32, #tpu.memory_space<hbm>> -> memref<10000x128xf32, #tpu.memory_space<hbm>>
    tpu.enqueue_indirect_dma source(%dma_start3A_102 : memref<10000x128xf32, #tpu.memory_space<hbm>>) target(%arg12 : memref<16x128xf32, #tpu.memory_space<vmem>>) offsets(%dma_start3A_99 : memref<16xi32, #tpu.memory_space<vmem>>) semaphore(%arg16 : memref<!tpu.dma_semaphore, #tpu.memory_space<semaphore_mem>>)
    %dma_wait3A_103 = arith.constant 9984 : i32
    %dma_wait3A_104 = tpu.memref_slice %arg7[%dma_wait3A_103] : memref<10000xi32, #tpu.memory_space<vmem>> -> memref<16xi32, #tpu.memory_space<vmem>>
    %dma_wait3A_105 = arith.constant 0 : i32
    %dma_wait3A_106 = arith.constant 0 : i32
    %dma_wait3A_107 = tpu.memref_slice %arg4[%dma_wait3A_105, %dma_wait3A_106] : memref<10000x128xf32, #tpu.memory_space<hbm>> -> memref<10000x128xf32, #tpu.memory_space<hbm>>
    tpu.wait_indirect_dma semaphore(%arg16 : memref<!tpu.dma_semaphore, #tpu.memory_space<semaphore_mem>>) src(%dma_wait3A_107 : memref<10000x128xf32, #tpu.memory_space<hbm>>) dst(%arg12 : memref<16x128xf32, #tpu.memory_space<vmem>>)
    "tpu.region"() ({
      %run_scoped3A = tpu.sem_alloc : memref<!tpu.dma_semaphore, #tpu.memory_space<semaphore_mem>>
      %dma_start3A_109 = arith.constant 0 : i32
      %dma_start3A_110 = arith.constant 0 : i32
      %dma_start3A_111 = tpu.memref_slice %arg13[%dma_start3A_109, %dma_start3A_110] : memref<10112x128xf32, #tpu.memory_space<vmem_shared>> -> memref<10112x128xf32, #tpu.memory_space<vmem_shared>>
      tpu.enqueue_indirect_dma source(%arg12 : memref<16x128xf32, #tpu.memory_space<vmem>>) target(%dma_start3A_111 : memref<10112x128xf32, #tpu.memory_space<vmem_shared>>) offsets(%arg10 : memref<16xi32, #tpu.memory_space<vmem>>) semaphore(%run_scoped3A : memref<!tpu.dma_semaphore, #tpu.memory_space<semaphore_mem>>) {add = true}
      %dma_wait3A_112 = arith.constant 0 : i32
      %dma_wait3A_113 = arith.constant 0 : i32
      %dma_wait3A_114 = tpu.memref_slice %arg13[%dma_wait3A_112, %dma_wait3A_113] : memref<10112x128xf32, #tpu.memory_space<vmem_shared>> -> memref<10112x128xf32, #tpu.memory_space<vmem_shared>>
      tpu.wait_indirect_dma semaphore(%run_scoped3A : memref<!tpu.dma_semaphore, #tpu.memory_space<semaphore_mem>>) src(%arg12 : memref<16x128xf32, #tpu.memory_space<vmem>>) dst(%dma_wait3A_114 : memref<10112x128xf32, #tpu.memory_space<vmem_shared>>)
      tpu.yield
    }) : () -> ()
    %barrier3A_108 = arith.constant 0 : index
    tpu.barrier barrier_id(%barrier3A_108)
    "tpu.region"() ({
      %run_scoped3A = tpu.sem_alloc : memref<!tpu.dma_semaphore, #tpu.memory_space<semaphore_mem>>
      %dma_start3A_109 = arith.constant 0 : i32
      %dma_start3A_110 = tpu.memref_slice %arg6[%arg0, %mul3A_0, %dma_start3A_109] : memref<2x10112x128xf32, #tpu.memory_space<hbm>> -> memref<1x632x128xf32, #tpu.memory_space<hbm>>
      %dma_start3A_111 = tpu.memref_squeeze %dma_start3A_110 : memref<1x632x128xf32, #tpu.memory_space<hbm>> -> memref<632x128xf32, #tpu.memory_space<hbm>>
      %dma_start3A_112 = arith.constant 0 : i32
      %dma_start3A_113 = tpu.memref_slice %arg13[%mul3A_0, %dma_start3A_112] : memref<10112x128xf32, #tpu.memory_space<vmem_shared>> -> memref<632x128xf32, #tpu.memory_space<vmem_shared>>
      tpu.enqueue_dma source(%dma_start3A_113 : memref<632x128xf32, #tpu.memory_space<vmem_shared>>) target(%dma_start3A_111 : memref<632x128xf32, #tpu.memory_space<hbm>>) target_semaphore(%run_scoped3A : memref<!tpu.dma_semaphore, #tpu.memory_space<semaphore_mem>>)
      %dma_wait3A_114 = arith.constant 0 : i32
      %dma_wait3A_115 = tpu.memref_slice %arg6[%arg0, %mul3A_0, %dma_wait3A_114] : memref<2x10112x128xf32, #tpu.memory_space<hbm>> -> memref<1x632x128xf32, #tpu.memory_space<hbm>>
      %dma_wait3A_116 = tpu.memref_squeeze %dma_wait3A_115 : memref<1x632x128xf32, #tpu.memory_space<hbm>> -> memref<632x128xf32, #tpu.memory_space<hbm>>
      %dma_wait3A_117 = arith.constant 0 : i32
      %dma_wait3A_118 = tpu.memref_slice %arg13[%mul3A_0, %dma_wait3A_117] : memref<10112x128xf32, #tpu.memory_space<vmem_shared>> -> memref<632x128xf32, #tpu.memory_space<vmem_shared>>
      tpu.wait_dma2 semaphore(%run_scoped3A : memref<!tpu.dma_semaphore, #tpu.memory_space<semaphore_mem>>) src(%dma_wait3A_118 : memref<632x128xf32, #tpu.memory_space<vmem_shared>>) dst(%dma_wait3A_116 : memref<632x128xf32, #tpu.memory_space<hbm>>)
      tpu.yield
    }) : () -> ()
    return
  }
}

module attributes {stable_mosaic.version = 14 : i64} {
  func.func @_table0_body(%arg0: i32, %arg1: memref<2000x128xf32, #tpu.memory_space<vmem>>, %arg2: memref<128x128xf32, #tpu.memory_space<vmem>>, %arg3: memref<2000x128xf32, #tpu.memory_space<vmem>>) attributes {dimension_semantics = [#tpu.dimension_semantics<arbitrary>], iteration_bounds = array<i64: 5>, scalar_prefetch = 0 : i64, scratch_operands = 0 : i64, tpu.core_type = #tpu.core_type<tc>, window_params = [{transform_indices = @transform_0, window_bounds = array<i64: 2000, 128>}, {pipeline_mode = #tpu.pipeline_mode<synchronous>, transform_indices = @transform_1, window_bounds = array<i64: 128, 128>}, {transform_indices = @transform_2, window_bounds = array<i64: 2000, 128>}]} {
    %get3A = arith.constant 0 : index
    %get3A_0 = arith.constant 0 : index
    %get3A_1 = vector.load %arg1[%get3A, %get3A_0] : memref<2000x128xf32, #tpu.memory_space<vmem>>, vector<2000x128xf32>
    %get3A_2 = arith.constant 0 : index
    %get3A_3 = arith.constant 0 : index
    %get3A_4 = vector.load %arg2[%get3A_2, %get3A_3] : memref<128x128xf32, #tpu.memory_space<vmem>>, vector<128x128xf32>
    %dot_general3A = arith.constant dense<0.000000e+00> : vector<2000x128xf32>
    %dot_general3A_5 = tpu.matmul %get3A_1, %get3A_4, %dot_general3A {dimension_numbers = #tpu.dot_dimension_numbers<[1], [0], [0], [1], [0, 0, 1, 1], [], []>, transpose_lhs_hint = false} : vector<2000x128xf32>, vector<128x128xf32>, vector<2000x128xf32> -> vector<2000x128xf32>
    %swap3A = arith.constant 0 : index
    %swap3A_6 = arith.constant 0 : index
    %swap3A_7 = vector.load %arg3[%swap3A, %swap3A_6] : memref<2000x128xf32, #tpu.memory_space<vmem>>, vector<2000x128xf32>
    tpu.vector_store %arg3[%swap3A, %swap3A_6], %dot_general3A_5 {strides = array<i32>} : memref<2000x128xf32, #tpu.memory_space<vmem>>, vector<2000x128xf32>,
    return
  }
  func.func @transform_0(%arg0: i32) -> (i32, i32) {
    %c0_i32 = arith.constant 0 : i32
    %c0_i32_0 = arith.constant 0 : i32
    return %arg0, %c0_i32 : i32, i32
  }
  func.func @transform_1(%arg0: i32) -> (i32, i32) {
    %c0_i32 = arith.constant 0 : i32
    %c0_i32_0 = arith.constant 0 : i32
    %c0_i32_1 = arith.constant 0 : i32
    return %c0_i32, %c0_i32_0 : i32, i32
  }
  func.func @transform_2(%arg0: i32) -> (i32, i32) {
    %c0_i32 = arith.constant 0 : i32
    %c0_i32_0 = arith.constant 0 : i32
    return %arg0, %c0_i32 : i32, i32
  }
}

module attributes {stable_mosaic.version = 14 : i64} {
  func.func @_deginv_body(%arg0: i32, %arg1: memref<2x80x128xf32, #tpu.memory_space<vmem>>, %arg2: memref<80x128xf32, #tpu.memory_space<vmem>>) attributes {dimension_semantics = [#tpu.dimension_semantics<arbitrary>], iteration_bounds = array<i64: 1>, scalar_prefetch = 0 : i64, scratch_operands = 0 : i64, tpu.core_type = #tpu.core_type<tc>, window_params = [{pipeline_mode = #tpu.pipeline_mode<synchronous>, transform_indices = @transform_0, window_bounds = array<i64: 2, 80, 128>}, {pipeline_mode = #tpu.pipeline_mode<synchronous>, transform_indices = @transform_1, window_bounds = array<i64: 80, 128>}]} {
    %get3A = arith.constant 0 : index
    %get3A_0 = arith.constant 0 : index
    %get3A_1 = arith.constant 0 : index
    %get3A_2 = vector.load %arg1[%get3A, %get3A_0, %get3A_1] : memref<2x80x128xf32, #tpu.memory_space<vmem>>, vector<1x80x128xf32>
    %get3A_3 = vector.shape_cast %get3A_2 : vector<1x80x128xf32> to vector<80x128xf32>
    %get3A_4 = arith.constant 1 : index
    %get3A_5 = arith.constant 0 : index
    %get3A_6 = arith.constant 0 : index
    %get3A_7 = vector.load %arg1[%get3A_4, %get3A_5, %get3A_6] : memref<2x80x128xf32, #tpu.memory_space<vmem>>, vector<1x80x128xf32>
    %get3A_8 = vector.shape_cast %get3A_7 : vector<1x80x128xf32> to vector<80x128xf32>
    %add3A = arith.addf %get3A_3, %get3A_8 : vector<80x128xf32>
    %max3A = arith.constant 1.000000e+00 : f32
    %max3A_9 = vector.broadcast %max3A : f32 to vector<80x128xf32>
    %max3A_10 = arith.maximumf %add3A, %max3A_9 : vector<80x128xf32>
    %div3A = arith.constant 1.000000e+00 : f32
    %div3A_11 = vector.broadcast %div3A : f32 to vector<80x128xf32>
    %div3A_12 = arith.divf %div3A_11, %max3A_10 : vector<80x128xf32>
    %swap3A = arith.constant 0 : index
    %swap3A_13 = arith.constant 0 : index
    %swap3A_14 = vector.load %arg2[%swap3A, %swap3A_13] : memref<80x128xf32, #tpu.memory_space<vmem>>, vector<80x128xf32>
    tpu.vector_store %arg2[%swap3A, %swap3A_13], %div3A_12 {strides = array<i32>} : memref<80x128xf32, #tpu.memory_space<vmem>>, vector<80x128xf32>,
    return
  }
  func.func @transform_0(%arg0: i32) -> (i32, i32, i32) {
    %c0_i32 = arith.constant 0 : i32
    %c0_i32_0 = arith.constant 0 : i32
    %c0_i32_1 = arith.constant 0 : i32
    %c0_i32_2 = arith.constant 0 : i32
    return %c0_i32, %c0_i32_0, %c0_i32_1 : i32, i32, i32
  }
  func.func @transform_1(%arg0: i32) -> (i32, i32) {
    %c0_i32 = arith.constant 0 : i32
    %c0_i32_0 = arith.constant 0 : i32
    %c0_i32_1 = arith.constant 0 : i32
    return %c0_i32, %c0_i32_0 : i32, i32
  }
}

module attributes {stable_mosaic.version = 14 : i64} {
  func.func @_combine_body(%arg0: i32, %arg1: memref<2000x128xf32, #tpu.memory_space<vmem>>, %arg2: memref<2x2000x128xf32, #tpu.memory_space<vmem>>, %arg3: memref<2000x1xf32, #tpu.memory_space<vmem>>, %arg4: memref<128x128xf32, #tpu.memory_space<vmem>>, %arg5: memref<1x128xf32, #tpu.memory_space<vmem>>, %arg6: memref<128x128xf32, #tpu.memory_space<vmem>>, %arg7: memref<2000x128xf32, #tpu.memory_space<vmem>>, %arg8: memref<2000x128xf32, #tpu.memory_space<vmem>>) attributes {dimension_semantics = [#tpu.dimension_semantics<arbitrary>], iteration_bounds = array<i64: 5>, scalar_prefetch = 0 : i64, scratch_operands = 0 : i64, tpu.core_type = #tpu.core_type<tc>, window_params = [{transform_indices = @transform_0, window_bounds = array<i64: 2000, 128>}, {transform_indices = @transform_1, window_bounds = array<i64: 2, 2000, 128>}, {transform_indices = @transform_2, window_bounds = array<i64: 2000, 1>}, {pipeline_mode = #tpu.pipeline_mode<synchronous>, transform_indices = @transform_3, window_bounds = array<i64: 128, 128>}, {pipeline_mode = #tpu.pipeline_mode<synchronous>, transform_indices = @transform_4, window_bounds = array<i64: 1, 128>}, {pipeline_mode = #tpu.pipeline_mode<synchronous>, transform_indices = @transform_5, window_bounds = array<i64: 128, 128>}, {transform_indices = @transform_6, window_bounds = array<i64: 2000, 128>}, {transform_indices = @transform_7, window_bounds = array<i64: 2000, 128>}]} {
    %get3A = arith.constant 0 : index
    %get3A_0 = arith.constant 0 : index
    %get3A_1 = arith.constant 0 : index
    %get3A_2 = vector.load %arg2[%get3A, %get3A_0, %get3A_1] : memref<2x2000x128xf32, #tpu.memory_space<vmem>>, vector<1x2000x128xf32>
    %get3A_3 = vector.shape_cast %get3A_2 : vector<1x2000x128xf32> to vector<2000x128xf32>
    %get3A_4 = arith.constant 1 : index
    %get3A_5 = arith.constant 0 : index
    %get3A_6 = arith.constant 0 : index
    %get3A_7 = vector.load %arg2[%get3A_4, %get3A_5, %get3A_6] : memref<2x2000x128xf32, #tpu.memory_space<vmem>>, vector<1x2000x128xf32>
    %get3A_8 = vector.shape_cast %get3A_7 : vector<1x2000x128xf32> to vector<2000x128xf32>
    %add3A = arith.addf %get3A_3, %get3A_8 : vector<2000x128xf32>
    %get3A_9 = arith.constant 0 : index
    %get3A_10 = arith.constant 0 : index
    %get3A_11 = vector.load %arg1[%get3A_9, %get3A_10] : memref<2000x128xf32, #tpu.memory_space<vmem>>, vector<2000x128xf32>
    %get3A_12 = arith.constant 0 : index
    %get3A_13 = arith.constant 0 : index
    %get3A_14 = vector.load %arg4[%get3A_12, %get3A_13] : memref<128x128xf32, #tpu.memory_space<vmem>>, vector<128x128xf32>
    %dot_general3A = arith.constant dense<0.000000e+00> : vector<2000x128xf32>
    %dot_general3A_15 = tpu.matmul %get3A_11, %get3A_14, %dot_general3A {dimension_numbers = #tpu.dot_dimension_numbers<[1], [0], [0], [1], [0, 0, 1, 1], [], []>, transpose_lhs_hint = false} : vector<2000x128xf32>, vector<128x128xf32>, vector<2000x128xf32> -> vector<2000x128xf32>
    %get3A_16 = arith.constant 0 : index
    %get3A_17 = arith.constant 0 : index
    %get3A_18 = vector.load %arg3[%get3A_16, %get3A_17] : memref<2000x1xf32, #tpu.memory_space<vmem>>, vector<2000x1xf32>
    %mul3A = vector.broadcast %get3A_18 : vector<2000x1xf32> to vector<2000x128xf32>
    %mul3A_19 = arith.mulf %add3A, %mul3A : vector<2000x128xf32>
    %add3A_20 = arith.addf %dot_general3A_15, %mul3A_19 : vector<2000x128xf32>
    %get3A_21 = arith.constant 0 : index
    %get3A_22 = arith.constant 0 : index
    %get3A_23 = vector.load %arg5[%get3A_21, %get3A_22] : memref<1x128xf32, #tpu.memory_space<vmem>>, vector<1x128xf32>
    %add3A_24 = vector.broadcast %get3A_23 : vector<1x128xf32> to vector<2000x128xf32>
    %add3A_25 = arith.addf %add3A_20, %add3A_24 : vector<2000x128xf32>
    %max3A = arith.constant 0.000000e+00 : f32
    %max3A_26 = vector.broadcast %max3A : f32 to vector<2000x128xf32>
    %max3A_27 = arith.maximumf %add3A_25, %max3A_26 : vector<2000x128xf32>
    %swap3A = arith.constant 0 : index
    %swap3A_28 = arith.constant 0 : index
    %swap3A_29 = vector.load %arg7[%swap3A, %swap3A_28] : memref<2000x128xf32, #tpu.memory_space<vmem>>, vector<2000x128xf32>
    tpu.vector_store %arg7[%swap3A, %swap3A_28], %max3A_27 {strides = array<i32>} : memref<2000x128xf32, #tpu.memory_space<vmem>>, vector<2000x128xf32>,
    %get3A_30 = arith.constant 0 : index
    %get3A_31 = arith.constant 0 : index
    %get3A_32 = vector.load %arg6[%get3A_30, %get3A_31] : memref<128x128xf32, #tpu.memory_space<vmem>>, vector<128x128xf32>
    %dot_general3A_33 = arith.constant dense<0.000000e+00> : vector<2000x128xf32>
    %dot_general3A_34 = tpu.matmul %max3A_27, %get3A_32, %dot_general3A_33 {dimension_numbers = #tpu.dot_dimension_numbers<[1], [0], [0], [1], [0, 0, 1, 1], [], []>, transpose_lhs_hint = false} : vector<2000x128xf32>, vector<128x128xf32>, vector<2000x128xf32> -> vector<2000x128xf32>
    %swap3A_35 = arith.constant 0 : index
    %swap3A_36 = arith.constant 0 : index
    %swap3A_37 = vector.load %arg8[%swap3A_35, %swap3A_36] : memref<2000x128xf32, #tpu.memory_space<vmem>>, vector<2000x128xf32>
    tpu.vector_store %arg8[%swap3A_35, %swap3A_36], %dot_general3A_34 {strides = array<i32>} : memref<2000x128xf32, #tpu.memory_space<vmem>>, vector<2000x128xf32>,
    return
  }
  func.func @transform_0(%arg0: i32) -> (i32, i32) {
    %c0_i32 = arith.constant 0 : i32
    %c0_i32_0 = arith.constant 0 : i32
    return %arg0, %c0_i32 : i32, i32
  }
  func.func @transform_1(%arg0: i32) -> (i32, i32, i32) {
    %c0_i32 = arith.constant 0 : i32
    %c0_i32_0 = arith.constant 0 : i32
    %c0_i32_1 = arith.constant 0 : i32
    return %c0_i32, %arg0, %c0_i32_0 : i32, i32, i32
  }
  func.func @transform_2(%arg0: i32) -> (i32, i32) {
    %c0_i32 = arith.constant 0 : i32
    %c0_i32_0 = arith.constant 0 : i32
    return %arg0, %c0_i32 : i32, i32
  }
  func.func @transform_3(%arg0: i32) -> (i32, i32) {
    %c0_i32 = arith.constant 0 : i32
    %c0_i32_0 = arith.constant 0 : i32
    %c0_i32_1 = arith.constant 0 : i32
    return %c0_i32, %c0_i32_0 : i32, i32
  }
  func.func @transform_4(%arg0: i32) -> (i32, i32) {
    %c0_i32 = arith.constant 0 : i32
    %c0_i32_0 = arith.constant 0 : i32
    %c0_i32_1 = arith.constant 0 : i32
    return %c0_i32, %c0_i32_0 : i32, i32
  }
  func.func @transform_5(%arg0: i32) -> (i32, i32) {
    %c0_i32 = arith.constant 0 : i32
    %c0_i32_0 = arith.constant 0 : i32
    %c0_i32_1 = arith.constant 0 : i32
    return %c0_i32, %c0_i32_0 : i32, i32
  }
  func.func @transform_6(%arg0: i32) -> (i32, i32) {
    %c0_i32 = arith.constant 0 : i32
    %c0_i32_0 = arith.constant 0 : i32
    return %arg0, %c0_i32 : i32, i32
  }
  func.func @transform_7(%arg0: i32) -> (i32, i32) {
    %c0_i32 = arith.constant 0 : i32
    %c0_i32_0 = arith.constant 0 : i32
    return %arg0, %c0_i32 : i32, i32
  }
}

module attributes {stable_mosaic.version = 14 : i64} {
  func.func @_final_body(%arg0: i32, %arg1: memref<2000x128xf32, #tpu.memory_space<vmem>>, %arg2: memref<2x2000x128xf32, #tpu.memory_space<vmem>>, %arg3: memref<2000x1xf32, #tpu.memory_space<vmem>>, %arg4: memref<128x128xf32, #tpu.memory_space<vmem>>, %arg5: memref<1x128xf32, #tpu.memory_space<vmem>>, %arg6: memref<2000x128xf32, #tpu.memory_space<vmem>>) attributes {dimension_semantics = [#tpu.dimension_semantics<arbitrary>], iteration_bounds = array<i64: 5>, scalar_prefetch = 0 : i64, scratch_operands = 0 : i64, tpu.core_type = #tpu.core_type<tc>, window_params = [{transform_indices = @transform_0, window_bounds = array<i64: 2000, 128>}, {transform_indices = @transform_1, window_bounds = array<i64: 2, 2000, 128>}, {transform_indices = @transform_2, window_bounds = array<i64: 2000, 1>}, {pipeline_mode = #tpu.pipeline_mode<synchronous>, transform_indices = @transform_3, window_bounds = array<i64: 128, 128>}, {pipeline_mode = #tpu.pipeline_mode<synchronous>, transform_indices = @transform_4, window_bounds = array<i64: 1, 128>}, {transform_indices = @transform_5, window_bounds = array<i64: 2000, 128>}]} {
    %get3A = arith.constant 0 : index
    %get3A_0 = arith.constant 0 : index
    %get3A_1 = arith.constant 0 : index
    %get3A_2 = vector.load %arg2[%get3A, %get3A_0, %get3A_1] : memref<2x2000x128xf32, #tpu.memory_space<vmem>>, vector<1x2000x128xf32>
    %get3A_3 = vector.shape_cast %get3A_2 : vector<1x2000x128xf32> to vector<2000x128xf32>
    %get3A_4 = arith.constant 1 : index
    %get3A_5 = arith.constant 0 : index
    %get3A_6 = arith.constant 0 : index
    %get3A_7 = vector.load %arg2[%get3A_4, %get3A_5, %get3A_6] : memref<2x2000x128xf32, #tpu.memory_space<vmem>>, vector<1x2000x128xf32>
    %get3A_8 = vector.shape_cast %get3A_7 : vector<1x2000x128xf32> to vector<2000x128xf32>
    %add3A = arith.addf %get3A_3, %get3A_8 : vector<2000x128xf32>
    %get3A_9 = arith.constant 0 : index
    %get3A_10 = arith.constant 0 : index
    %get3A_11 = vector.load %arg1[%get3A_9, %get3A_10] : memref<2000x128xf32, #tpu.memory_space<vmem>>, vector<2000x128xf32>
    %get3A_12 = arith.constant 0 : index
    %get3A_13 = arith.constant 0 : index
    %get3A_14 = vector.load %arg4[%get3A_12, %get3A_13] : memref<128x128xf32, #tpu.memory_space<vmem>>, vector<128x128xf32>
    %dot_general3A = arith.constant dense<0.000000e+00> : vector<2000x128xf32>
    %dot_general3A_15 = tpu.matmul %get3A_11, %get3A_14, %dot_general3A {dimension_numbers = #tpu.dot_dimension_numbers<[1], [0], [0], [1], [0, 0, 1, 1], [], []>, transpose_lhs_hint = false} : vector<2000x128xf32>, vector<128x128xf32>, vector<2000x128xf32> -> vector<2000x128xf32>
    %get3A_16 = arith.constant 0 : index
    %get3A_17 = arith.constant 0 : index
    %get3A_18 = vector.load %arg3[%get3A_16, %get3A_17] : memref<2000x1xf32, #tpu.memory_space<vmem>>, vector<2000x1xf32>
    %mul3A = vector.broadcast %get3A_18 : vector<2000x1xf32> to vector<2000x128xf32>
    %mul3A_19 = arith.mulf %add3A, %mul3A : vector<2000x128xf32>
    %add3A_20 = arith.addf %dot_general3A_15, %mul3A_19 : vector<2000x128xf32>
    %get3A_21 = arith.constant 0 : index
    %get3A_22 = arith.constant 0 : index
    %get3A_23 = vector.load %arg5[%get3A_21, %get3A_22] : memref<1x128xf32, #tpu.memory_space<vmem>>, vector<1x128xf32>
    %add3A_24 = vector.broadcast %get3A_23 : vector<1x128xf32> to vector<2000x128xf32>
    %add3A_25 = arith.addf %add3A_20, %add3A_24 : vector<2000x128xf32>
    %swap3A = arith.constant 0 : index
    %swap3A_26 = arith.constant 0 : index
    %swap3A_27 = vector.load %arg6[%swap3A, %swap3A_26] : memref<2000x128xf32, #tpu.memory_space<vmem>>, vector<2000x128xf32>
    tpu.vector_store %arg6[%swap3A, %swap3A_26], %add3A_25 {strides = array<i32>} : memref<2000x128xf32, #tpu.memory_space<vmem>>, vector<2000x128xf32>,
    return
  }
  func.func @transform_0(%arg0: i32) -> (i32, i32) {
    %c0_i32 = arith.constant 0 : i32
    %c0_i32_0 = arith.constant 0 : i32
    return %arg0, %c0_i32 : i32, i32
  }
  func.func @transform_1(%arg0: i32) -> (i32, i32, i32) {
    %c0_i32 = arith.constant 0 : i32
    %c0_i32_0 = arith.constant 0 : i32
    %c0_i32_1 = arith.constant 0 : i32
    return %c0_i32, %arg0, %c0_i32_0 : i32, i32, i32
  }
  func.func @transform_2(%arg0: i32) -> (i32, i32) {
    %c0_i32 = arith.constant 0 : i32
    %c0_i32_0 = arith.constant 0 : i32
    return %arg0, %c0_i32 : i32, i32
  }
  func.func @transform_3(%arg0: i32) -> (i32, i32) {
    %c0_i32 = arith.constant 0 : i32
    %c0_i32_0 = arith.constant 0 : i32
    %c0_i32_1 = arith.constant 0 : i32
    return %c0_i32, %c0_i32_0 : i32, i32
  }
  func.func @transform_4(%arg0: i32) -> (i32, i32) {
    %c0_i32 = arith.constant 0 : i32
    %c0_i32_0 = arith.constant 0 : i32
    %c0_i32_1 = arith.constant 0 : i32
    return %c0_i32, %c0_i32_0 : i32, i32
  }
  func.func @transform_5(%arg0: i32) -> (i32, i32) {
    %c0_i32 = arith.constant 0 : i32
    %c0_i32_0 = arith.constant 0 : i32
    return %arg0, %c0_i32 : i32, i32
  }
}

</mosaic_0001>

<sc_bundles>
// kernel: kernel.10.cloned.1.call-start
scs
__scs_entry_jumppad:
0x0: {  	(pc) =	sbr.rel $0x88, $3  }
0x1: {  	(tag) =	ssettag $0x0;
	lr =	simm.s32 $0x1  }
0x2: {  	[smem:$0x3F96] =	sst lr;
	_ =	strace $0xD0000000  }
0x3: {  	_ = 	snop  }
0x4: {  	_ = 	snop  }
0x5: {  	_ = 	snop  }
0x6: {  	_ = 	snop  }
0x7: {  	_ = 	snop  }
__scs_overlays_trampoline_lowered:
0x8: {  	[smem:$0x3FA5] =	sst s0  }
0x9: {  	[smem:$0x3FA6] =	sst s1  }
0xa: {  	[smem:$0x3FA7] =	sst s2  }
0xb: {  	[smem:$0x3FA8] =	sst s3  }
0xc: {  	[smem:$0x3FA9] =	sst s4  }
0xd: {  	[smem:$0x3FAA] =	sst s5  }
0xe: {  	[smem:$0x3FAB] =	sst s6  }
0xf: {  	[smem:$0x3FAC] =	sst s7  }
0x10: {  	[smem:$0x3FAD] =	sst s8  }
0x11: {  	[smem:$0x3FAE] =	sst s9;
	s0 =	simm.s32 @!p0 $0x0  }
0x12: {  	s1 =	sld [smem:$0x3F94];
	s0 =	simm.s32 @p0 $0x1  }
0x13: {  	[smem:$0x3FAF] =	sst s0;
	s0 =	simm.s32 @!p1 $0x0  }
0x14: {  	s2 =	sld [smem:$0x3F93];
	s0 =	simm.s32 @p1 $0x1  }
0x15: {  	[smem:$0x3FB0] =	sst s0;
	s0 =	simm.s32 @!p2 $0x0  }
0x16: {  	s3 =	sld [smem:$0x3FDB];
	s0 =	simm.s32 @p2 $0x1  }
0x17: {  	s4 =	simm.s32 $0x1BF5;
	[smem:$0x3FB2] =	sst s0  }
0x18: {  	s0 =	sld [smem:$0x3F95];
	_ =	swait.ge [sflag:s4], $0x0  }
0x19: {  	s7 =	sld [smem:$0x3F96]  }
0x1a: {  	s8 =	sadd.s32 $0xFFFFE003, lr  }
0x1b: {  	s9 =	sadd.s32 $0xFFFFFEF7, lr;
	s5 =	simm.s32 $0xFFFFFFFF;
	p2 =	slt.u32 s8, $0xFFFFF086  }
0x1c: {  	p1 =	slt.u32 s9, $0xF7A;
	s5 =	simm.s32 @!p2 $0x0  }
0x1d: {  	s5 =	simm.s32 @p1 $0x1;
	p0 =	seq.s32 s7, s2  }
0x1e: {  	s7 =	smul.u32 @!p0 $0xF7A, s2;
	p2 =	seq.s32 @!p0 s5, $0x0  }
0x1f: {  	s9 =	smul.u32 $0xF7A, s1;
	s8 =	simm.s32 @!p0 $0x1BF5;
	p2 =	por !p2, p0  }
0x20: {  	[sflag:s8] =	ssyncset.s32 @!p0 $0xFFFFF086;
	s6 =	sadd.s32 @!p0 s3, s7;
	s7 =	simm.s32 @!p0 $0x108  }
0x21: {  	s3 =	sadd.s32 s3, s9;
	s6 =	sadd.s32 @!p0 $0x88, s6;
	s7 =	simm.s32 @p2 $0x1082  }
0x22: {  	[simem:s7], [sflag:s8] =	dma.local @!p0 [hbm:s6], $0xF7A  }
0x23: {  	s9 =	sor.u32 $0xD0000000, s2;
	s6 =	simm.s32 $0x108;
	_ =	swait.ge @!p0 [sflag:s8], $0x0  }
0x24: {  	s3 =	sadd.s32 $0x88, s3;
	s6 =	simm.s32 @!p1 $0x1082;
	[sflag:s4] =	ssyncset.s32 $0xFFFFF086  }
0x25: {  	[simem:s6], [sflag:s4] =	dma.local [hbm:s3], $0xF7A  }
0x26: {  	[smem:$0x3F96] =	sst s1;
	(tag) =	ssettag s2;
	_ =	strace s9  }
0x27: {  	s1 =	sld [smem:$0x3FA6]  }
0x28: {  	s2 =	sld [smem:$0x3FA7]  }
0x29: {  	s4 =	sld [smem:$0x3FA9]  }
0x2a: {  	p0 =	seq.s32 s5, $0x0;
	s5 =	sld [smem:$0x3FAA]  }
0x2b: {  	s6 =	sld [smem:$0x3FAB]  }
0x2c: {  	s7 =	sld [smem:$0x3FAC]  }
0x2d: {  	s3 =	simm.s32 $0x108;
	s8 =	sld [smem:$0x3FAD]  }
0x2e: {  	s3 =	simm.s32 @!p0 $0x1082;
	s9 =	sld [smem:$0x3FAE]  }
0x2f: {  	lr =	sadd.s32 s0, s3;
	s0 =	sld [smem:$0x3FA5]  }
0x30: {  	s3 =	sld [smem:$0x3FA8]  }
0x31: {  	[smem:$0x3FB1] =	sst s10  }
0x32: {  	s10 =	sld [smem:$0x3FAF];
	_ =	sdelay $0x3  }
0x33: {  	p0 =	seq.s32 s10, $0x1;
	s10 =	sld [smem:$0x3FB1];
	_ =	sdelay $0x3  }
0x34: {  	[smem:$0x3FB1] =	sst s10  }
0x35: {  	s10 =	sld [smem:$0x3FB0];
	_ =	sdelay $0x3  }
0x36: {  	p1 =	seq.s32 s10, $0x1;
	s10 =	sld [smem:$0x3FB1];
	_ =	sdelay $0x3  }
0x37: {  	[smem:$0x3FB1] =	sst s10  }
0x38: {  	s10 =	sld [smem:$0x3FB2]  }
0x39: {  	_ = 	snop;
	(pc) =	sbr.ind lr, $3  }
0x3a: {  	_ = 	snop  }
0x3b: {  	_ = 	snop  }
0x3c: {  	p2 =	seq.s32 s10, $0x1;
	s10 =	sld [smem:$0x3FB1]  }
0x3d: {  	_ =	shalt  }
0x3e: {  	_ =	shalt  }
0x3f: {  	_ =	shalt  }
0x40: {  	_ =	shalt  }
0x41: {  	_ =	shalt  }
0x42: {  	_ =	shalt  }
0x43: {  	_ =	shalt  }
0x44: {  	_ =	shalt  }
0x45: {  	_ =	shalt  }
0x46: {  	_ =	shalt  }
0x47: {  	_ =	shalt  }
0x48: {  	_ =	shalt  }
0x49: {  	_ =	shalt  }
0x4a: {  	_ =	shalt  }
0x4b: {  	_ =	shalt  }
0x4c: {  	_ =	shalt  }
0x4d: {  	_ =	shalt  }
0x4e: {  	_ =	shalt  }
0x4f: {  	_ =	shalt  }
0x50: {  	_ =	shalt  }
0x51: {  	_ =	shalt  }
0x52: {  	_ =	shalt  }
0x53: {  	_ =	shalt  }
0x54: {  	_ =	shalt  }
0x55: {  	_ =	shalt  }
0x56: {  	_ =	shalt  }
0x57: {  	_ =	shalt  }
0x58: {  	_ =	shalt  }
0x59: {  	_ =	shalt  }
0x5a: {  	_ =	shalt  }
0x5b: {  	_ =	shalt  }
0x5c: {  	_ =	shalt  }
0x5d: {  	_ =	shalt  }
0x5e: {  	_ =	shalt  }
0x5f: {  	_ =	shalt  }
0x60: {  	_ =	shalt  }
0x61: {  	_ =	shalt  }
0x62: {  	_ =	shalt  }
0x63: {  	_ =	shalt  }
0x64: {  	_ =	shalt  }
0x65: {  	_ =	shalt  }
0x66: {  	_ =	shalt  }
0x67: {  	_ =	shalt  }
0x68: {  	_ =	shalt  }
0x69: {  	_ =	shalt  }
0x6a: {  	_ =	shalt  }
0x6b: {  	_ =	shalt  }
0x6c: {  	_ =	shalt  }
0x6d: {  	_ =	shalt  }
0x6e: {  	_ =	shalt  }
0x6f: {  	_ =	shalt  }
0x70: {  	_ =	shalt  }
0x71: {  	_ =	shalt  }
0x72: {  	_ =	shalt  }
0x73: {  	_ =	shalt  }
0x74: {  	_ =	shalt  }
0x75: {  	_ =	shalt  }
0x76: {  	_ =	shalt  }
0x77: {  	_ =	shalt  }
0x78: {  	_ =	shalt  }
0x79: {  	_ =	shalt  }
0x7a: {  	_ =	shalt  }
0x7b: {  	_ =	shalt  }
0x7c: {  	_ =	shalt  }
0x7d: {  	_ =	shalt  }
0x7e: {  	_ =	shalt  }
0x7f: {  	_ =	shalt  }
0x80: {  	_ =	shalt  }
0x81: {  	_ =	shalt  }
0x82: {  	_ =	shalt  }
0x83: {  	_ =	shalt  }
0x84: {  	_ =	shalt  }
0x85: {  	_ =	shalt  }
0x86: {  	_ =	shalt  }
0x87: {  	_ =	shalt  }
.Lfunc_end0:
.L_simem_size_0:
called_computation_lowered:
.L_overlay_start_0:
0x88: {  	s2 =	sld [smem:$0x3FD9]  }
0x89: {  	s3 =	sld [smem:$0x3FFE];
	_ =	sdelay $0x1  }
0x8a: {  	s1 =	srdreg.scid  }
0x8b: {  	s0 =	sand.u32 $0x1, s1  }
0x8c: {  	s17 =	sshll.u32 s0, $0xA;
	s2 =	sadd.s32 s3, s2  }
0x8d: {  	s2 =	sadd.s32 s2, s17  }
0x8e: {  	[smem:$0x3FBD] =	sst s2  }
0x8f: {  	_ = 	snop  }
0x90: {  	s2 =	sld [smem:$0x3FD0];
	(tm) =	ssettm $0x1  }
0x91: {  	s18 =	sld [smem:$0x3FFB];
	_ =	sdelay $0x3  }
0x92: {  	_ =	strace s18  }
0x93: {  	s3 =	sld [smem:$0x3FFC];
	_ =	sdelay $0x3  }
0x94: {  	_ =	strace s3  }
0x95: {  	s3 =	sld [smem:$0x3FFD];
	_ =	sdelay $0x3  }
0x96: {  	_ =	strace s3  }
0x97: {  	_ =	strace $0x8FFFFFFF  }
0x98: {  	s19 =	sld [smem:$0x3FDB];
	_ =	sdelay $0x1  }
0x99: {  	s4 =	simm.s32 $_scs_section_size  }
0x9a: {  	s5 =	simm.s32 $_size__tile_overlayer_lowered;
	s6 =	simm.s32 $_tile_overlayer_lowered  }
0x9b: {  	s22 =	simm.s32 $0x1BFF;
	s21 =	sshll.u32 s6, $0x1;
	s3 =	sadd.s32 s4, s19  }
0x9c: {  	s7 =	simm.s32 $0x0;
	s20 =	sshll.u32 s5, $0x1;
	s5 =	sadd.s32 s21, s3  }
0x9d: {  	[timem:s7], [sflag:s22] =	dma.local [hbm:s5], s20  }
0x9e: {  	_ =	swait.ge [sflag:s22], s20  }
0x9f: {  	s4 =	ssub.s32 $0x0, s20;
	[sflag:s22] =	ssyncset.done $0x0  }
0xa0: {  	[sflag:s22] =	ssyncadd.s32 s4;
	_ =	sdelay $0x1  }
0xa1: {  	s23 =	simm.s32 $0x1B8B  }
0xa2: {  	_ =	swait.ge [sflag:s23], $0x1  }
0xa3: {  	[sflag:s23] =	ssyncset.done $0x0  }
0xa4: {  	s25 =	simm.s32 $0x1B8E;
	s24 =	sld [smem:$0x3FFE];
	[sflag:s23] =	ssyncadd.s32 $0xFFFFFFFF  }
0xa5: {  	s26 =	simm.s32 $execute0_lowered;
	[smem:$0x3FD2] =	sst s25  }
0xa6: {  	s5 =	sshll.u32 s26, $0x1;
	_ =	strace $0x80000046;
	[dreg:$0x1] =	wrdreg $0xFFFFFFFF  }
0xa7: {  	s28 =	simm.s32 $_size_execute0_lowered;
	s3 =	sadd.s32 s3, s5;
	[dreg:$0x0] =	wrdreg $0x0  }
0xa8: {  	s5 =	sshll.u32 s28, $0x1;
	[dreg:$0x2] =	wrdreg s3  }
0xa9: {  	[dreg:$0x3] =	wrdreg s5  }
0xaa: {  	[dreg:$0x4] =	wrdreg $0xC0  }
0xab: {  	_ =	task [dreg:s7], $0x5FFFF  }
0xac: {  	[dreg:$0x1] =	wrdreg $0xFFFFFFFF  }
0xad: {  	[dreg:$0x0] =	wrdreg $0x60  }
0xae: {  	[dreg:$0x2] =	wrdreg s24  }
0xaf: {  	[dreg:$0x3] =	wrdreg s2  }
0xb0: {  	[dreg:$0x4] =	wrdreg $0xA1000  }
0xb1: {  	[dreg:$0x5] =	wrdreg $0x1DD000  }
0xb2: {  	[dreg:$0x6] =	wrdreg $0x9  }
0xb3: {  	_ =	task.clear_ibuf [dreg:s7], $0x7FFFF;
	_ =	strace $0x90000046  }
0xb4: {  	s29 =	simm.s32 $0x9;
	_ =	strace $0x80000048  }
0xb5: {  	_ =	swait.ge [sflag:s29], $0x1  }
0xb6: {  	[sflag:s29] =	ssyncadd.s32 $0xFFFFFFFF  }
0xb7: {  	_ =	strace $0x90000048  }
0xb8: {  	_ =	sfence  }
0xb9: {  	s30 =	sld [smem:$0x0];
	_ =	sdelay $0x2  }
0xba: {  	s31 =	sshll.u32 s1, $0xD;
	s1 =	sshrl.u32 s1, $0x2  }
0xbb: {  	s3 =	sand.u32 $0x4000, s31;
	s1 =	sadd.s32 s1, s30  }
0xbc: {  	s0 =	sor.u32 s3, s0;
	s1 =	sshll.u32 s1, $0x11  }
0xbd: {  	s0 =	sor.u32 s1, s0  }
0xbe: {  	s0 =	sadd.s32 $0x8F2B, s0  }
0xbf: {  	[sflag:s0] =	ssyncadd.remote.s32 $0x1  }
0xc0: {  	_ =	sfence.sel $0xFFFF  }
0xc1: {  	[dreg:$0x0] =	wrdreg $0xFFFFFFFF;
	(pc) =	sbr.abs _section_cstart, $3  }
0xc2: {  	[dreg:$0x1] =	wrdreg $0xFFFFFFFF  }
0xc3: {  	_ =	task.clear_ibuf [dreg:s7], $0x2FFFF;
	_ =	strace $0x9FFFFFFF  }
0xc4: {  	(tm) =	ssettm $0x7FFFFFFF  }
0xc5: {  	_ =	shalt  }
tec
execute0_lowered:
.L_overlay_start_1:
0x0: {  	(tag) =	ssettag $0x1  }
0x1: {  	s0 =	rddreg [dreg:$0x0]  }
0x2: {  	s1 =	rddreg [dreg:$0x1]  }
0x3: {  	s2 =	srdreg.scid;
	s3 =	rddreg [dreg:$0x2]  }
0x4: {  	s16 =	stileid.u32;
	s17 =	rddreg [dreg:$0x3];
	s5 =	simm.s32 $0x0  }
0x5: {  	s28 =	simm.s32 $0x50;
	s29 =	simm.s32 $0x2880;
	s30 =	simm.s32 $0x2800  }
0x6: {  	s31 =	simm.s32 $0x5080;
	s2 =	sand.u32 $0x1, s2;
	s6 =	smul.u32 $0x2710, s16  }
0x7: {  	s7 =	smul.u32 $0x13C00, s16;
	[smem:$0x7FF] =	sst s5;
	s18 =	sadd.s32 $0x16800, s0  }
0x8: {  	s12 =	sadd.s32 $0x16600, s0;
	s19 =	sshll.u32 s16, $0xA;
	s13 =	smul.u32 $0x4F000, s16  }
0x9: {  	s21 =	sshll.u32 s16, $0x6;
	s24 =	sshll.u32 s16, $0x7;
	s4 =	smul.u32 $0x27100, s2  }
0xa: {  	p0 =	sgt.u32 s16, $0x9;
	s9 =	smul.u32 $0x13C000, s2;
	_ =	strace $0x80000047  }
0xb: {  	s10 =	smul.u32 $0x2800, s2;
	[dreg:$0x6] =	wrdreg s12;
	s2 =	ssub.s32 $0x2, s2  }
0xc: {  	s23 =	sadd.s32 s19, s17;
	[dreg:$0x5] =	wrdreg s18;
	s14 =	sshrl.u32 s2, $0x1  }
0xd: {  	s20 =	sshrl.u32 s13, $0x2;
	[dreg:$0x9] =	wrdreg s23;
	s23 =	simm.s32 $0x6  }
0xe: {  	s4 =	sadd.s32 s6, s4;
	s6 =	sadd.s32 $0x2A00, s0;
	s9 =	sadd.s32 s7, s9  }
0xf: {  	s10 =	sadd.s32 s19, s10;
	s2 =	ssub.s32 s2, s14;
	s15 =	sadd.s32 s20, s3  }
0x10: {  	s7 =	sshrl.u32 s7, $0x3;
	s8 =	sshrl.u32 s4, $0x3;
	s9 =	sshrl.u32 s9, $0x3  }
0x11: {  	s10 =	sshrl.u32 s10, $0x3;
	s7 =	sadd.s32 s18, s7;
	s26 =	sadd.s32 $0xF0, s4  }
0x12: {  	s19 =	smax.u32 s2, $0x1;
	s14 =	sadd.s32 $0xA0, s4;
	s2 =	simm.s32 $0x3  }
0x13: {  	s4 =	simm.s32 $0x5;
	s11 =	sadd.s32 s8, s0;
	s9 =	sadd.s32 s9, s0  }
0x14: {  	s0 =	sadd.s32 s10, s0;
	[dreg:$0x7] =	wrdreg s7;
	s10 =	sor.u32 $0x1C06, s21  }
0x15: {  	s13 =	sadd.s32 s6, s8;
	s7 =	sadd.s32 s18, s24;
	s24 =	simm.s32 $0x7880  }
0x16: {  	s22 =	sadd.s32 $0xC800, s11;
	[dreg:$0xa] =	wrdreg s7;
	s25 =	sadd.s32 $0xA, s13  }
0x17: {  	s8 =	sadd.s32 $0x4D8, s13;
	s17 =	sadd.s32 $0x3EA00, s9;
	s7 =	sshrl.u32 s26, $0x3  }
0x18: {  	s18 =	sadd.s32 $0x3E000, s0;
	s26 =	simm.s32 $0x2780;
	[dreg:$0x8] =	wrdreg s22  }
0x19: {  	s0 =	simm.s32 $0x1;
	s9 =	simm.s32 $0x0;
	[dreg:$0xb] =	wrdreg s25  }
0x1a: {  	[dreg:$0xc] =	wrdreg s8;
	s20 =	sadd.s32 s7, s6;
	s22 =	sshrl.u32 s15, $0x3  }
0x1b: {  	v0 =	vimm.f32 $1.000000000e+00;
	s25 =	simm.s32 $0xA080;
	s8 =	simm.s32 $0x4;
	s7 =	simm.s32 $0x2  }
.LBB2_1:
0x1c: {  	s11 =	rddreg [dreg:$0x7]  }
0x1d: {  	[spmem:s22], [sflag:s10] =	dma.local [hbm:s11], $0x2780  }
0x1e: {  	_ =	swait.ge [sflag:s23], $0x2780  }
0x1f: {  	[sflag:s23] =	ssyncset.done $0x0  }
0x20: {  	s12 =	rddreg [dreg:$0x5];
	[sflag:s23] =	ssyncadd.s32 $0xFFFFD880  }
0x21: {  	[tilespmem:s24], [sflag:$0x6] =	stream.linear.gather [hbm4b:s12+s5], $0x2800, $0x38;
	[tilespmem:$0x1DF80] =	vst v63  }
0x22: {  	_ =	swait.ge [sflag:s23], $0x2800  }
0x23: {  	[sflag:s23] =	ssyncset.done $0x0  }
0x24: {  	s15 =	rddreg [dreg:$0x6];
	[sflag:s23] =	ssyncadd.s32 $0xFFFFD800  }
0x25: {  	[tilespmem:s25], [sflag:$0x6] =	stream.linear.gather [hbm4b:s15+s5], $0x80, $0x38;
	[tilespmem:$0x1DF80] =	vst v63  }
0x26: {  	_ =	swait.ge [sflag:s23], $0x80  }
0x27: {  	[sflag:s23] =	ssyncset.done $0x0  }
0x28: {  	s16 =	rddreg [dreg:$0x8];
	[sflag:s23] =	ssyncadd.s32 $0xFFFFFF80  }
0x29: {  	[tilespmem:s5], [sflag:$0x6] =	stream.linear.gather [hbm4b:s16+s5], $0x2710, $0x38;
	[tilespmem:$0x1DF80] =	vst v63  }
0x2a: {  	_ =	swait.ge [sflag:s23], $0x2710  }
0x2b: {  	[sflag:s23] =	ssyncset.done $0x0;
	s11 =	rddreg [dreg:$0x9]  }
0x2c: {  	s12 =	rddreg [dreg:$0xa];
	[sflag:s23] =	ssyncadd.s32 $0xFFFFD8F0;
	s11 =	sshrl.u32 @!p0 s11, $0x3  }
0x2d: {  	[spmem:s11], [sflag:s10] =	dma.local @!p0 [hbm:s12], $0x80  }
0x2e: {  	s12 =	simm.s32 @!p0 $0x6  }
0x2f: {  	_ =	swait.ge @!p0 [sflag:s12], $0x80  }
0x30: {  	[sflag:s12] =	ssyncset.done @!p0 $0x0  }
0x31: {  	[sflag:s12] =	ssyncadd.s32 @!p0 $0xFFFFFF80  }
0x32: {  	[bflag:$0x0] =	sbarrier.arrive $0xFFFF  }
0x33: {  	[tilespmem:s26], [sflag:$0x1] =	stream.linear.gather [hbm4b:s13+s5], $0x50, $0x38;
	[tilespmem:$0x1DF80] =	vst v63  }
0x34: {  	_ = 	snop  }
0x35: {  	[tilespmem:s29], [sflag:$0x3] =	stream.indirect.gather [hbm4b:s1+s28], $0x80, s5, s28, $0xb8;
	[tilespmem:$0x1DF80] =	vst v63  }
0x36: {  	s21 =	rddreg [dreg:$0xb]  }
0x37: {  	[tilespmem:s30], [sflag:$0x2] =	stream.linear.gather [hbm4b:s21+s5], $0x50, $0x38;
	[tilespmem:$0x1DF80] =	vst v63  }
0x38: {  	_ = 	snop  }
0x39: {  	[tilespmem:s31], [sflag:$0x4] =	stream.indirect.gather [hbm4b:s1+s28], $0x80, s28, s28, $0xb8;
	[tilespmem:$0x1DF80] =	vst v63  }
0x3a: {  	_ =	swait.ge [sflag:s2], $0x2800  }
0x3b: {  	[sflag:s2] =	ssyncset.done $0x0  }
0x3c: {  	[sflag:s2] =	ssyncadd.s32 $0xFFFFD800  }
0x3d: {  	_ =	swait.ge [sflag:s0], $0x50  }
0x3e: {  	[sflag:s0] =	ssyncset.done $0x0  }
0x3f: {  	[sflag:s0] =	ssyncadd.s32 $0xFFFFFFB0  }
0x40: {  	v1 =	vld [tilespmem:$0x2780];
	_ =	sdelay $0x7  }
0x41: {  	[tilespmem:v1+s24+$0x0] =	vst.idx.add.f32.msk $0xffff, v0  }
0x42: {  	v1 =	vld [tilespmem:$0x2790];
	_ =	sdelay $0x7  }
0x43: {  	[tilespmem:v1+s24+$0x0] =	vst.idx.add.f32.msk $0xffff, v0  }
0x44: {  	v1 =	vld [tilespmem:$0x27A0];
	_ =	sdelay $0x7  }
0x45: {  	[tilespmem:v1+s24+$0x0] =	vst.idx.add.f32.msk $0xffff, v0  }
0x46: {  	v1 =	vld [tilespmem:$0x27B0];
	_ =	sdelay $0x7  }
0x47: {  	[tilespmem:v1+s24+$0x0] =	vst.idx.add.f32.msk $0xffff, v0  }
0x48: {  	v1 =	vld [tilespmem:$0x27C0];
	_ =	sdelay $0x7  }
0x49: {  	s15 =	simm.s32 $0x0;
	s12 =	simm.s32 $0xF0;
	s21 =	smov.u32 s14;
	[tilespmem:v1+s24+$0x0] =	vst.idx.add.f32.msk $0xffff, v0  }
0x4a: {  	[spmem:s3] =	stream.indirect.scatter.add.f32 [tilespmem:s29], [sflag:$0x5], $0x80, s26, s28, $0xb8;
	[tilespmem:$0x1DF80] =	vst v63  }
.LBB2_2:
0x4b: {  	_ =	swait.ge [sflag:s4], $0x2800  }
0x4c: {  	s16 =	sshrl.u32 s21, $0x3;
	[sflag:s4] =	ssyncset.done $0x0  }
0x4d: {  	s16 =	sadd.s32 s6, s16;
	[sflag:s4] =	ssyncadd.s32 $0xFFFFD800  }
0x4e: {  	[tilespmem:s26], [sflag:$0x1] =	stream.linear.gather [hbm4b:s16+s5], $0x50, $0x38;
	[tilespmem:$0x1DF80] =	vst v63  }
0x4f: {  	s16 =	sadd.s32 $0xFFFFFFB0, s12  }
0x50: {  	[tilespmem:s29], [sflag:$0x3] =	stream.indirect.gather [hbm4b:s1+s28], $0x80, s16, s28, $0xb8;
	[tilespmem:$0x1DF80] =	vst v63  }
0x51: {  	_ =	swait.ge [sflag:s8], $0x2800  }
0x52: {  	[sflag:s8] =	ssyncset.done $0x0  }
0x53: {  	[sflag:s8] =	ssyncadd.s32 $0xFFFFD800  }
0x54: {  	_ =	swait.ge [sflag:s7], $0x50  }
0x55: {  	[sflag:s7] =	ssyncset.done $0x0  }
0x56: {  	[sflag:s7] =	ssyncadd.s32 $0xFFFFFFB0  }
0x57: {  	v1 =	vld [tilespmem:$0x2800];
	_ =	sdelay $0x7  }
0x58: {  	[tilespmem:v1+s24+$0x0] =	vst.idx.add.f32.msk $0xffff, v0  }
0x59: {  	v1 =	vld [tilespmem:$0x2810];
	_ =	sdelay $0x7  }
0x5a: {  	[tilespmem:v1+s24+$0x0] =	vst.idx.add.f32.msk $0xffff, v0  }
0x5b: {  	v1 =	vld [tilespmem:$0x2820];
	_ =	sdelay $0x7  }
0x5c: {  	[tilespmem:v1+s24+$0x0] =	vst.idx.add.f32.msk $0xffff, v0  }
0x5d: {  	v1 =	vld [tilespmem:$0x2830];
	_ =	sdelay $0x7  }
0x5e: {  	[tilespmem:v1+s24+$0x0] =	vst.idx.add.f32.msk $0xffff, v0  }
0x5f: {  	v1 =	vld [tilespmem:$0x2840];
	_ =	sdelay $0x7  }
0x60: {  	[tilespmem:v1+s24+$0x0] =	vst.idx.add.f32.msk $0xffff, v0  }
0x61: {  	[spmem:s3] =	stream.indirect.scatter.add.f32 [tilespmem:s31], [sflag:$0x5], $0x80, s30, s28, $0xb8;
	[tilespmem:$0x1DF80] =	vst v63  }
0x62: {  	_ =	swait.ge [sflag:s4], $0x2800  }
0x63: {  	[sflag:s4] =	ssyncset.done $0x0  }
0x64: {  	s16 =	sadd.s32 s15, s20;
	[sflag:s4] =	ssyncadd.s32 $0xFFFFD800  }
0x65: {  	[tilespmem:s30], [sflag:$0x2] =	stream.linear.gather [hbm4b:s16+s5], $0x50, $0x38;
	[tilespmem:$0x1DF80] =	vst v63  }
0x66: {  	_ = 	snop  }
0x67: {  	[tilespmem:s31], [sflag:$0x4] =	stream.indirect.gather [hbm4b:s1+s28], $0x80, s12, s28, $0xb8;
	[tilespmem:$0x1DF80] =	vst v63  }
0x68: {  	_ =	swait.ge [sflag:s2], $0x2800  }
0x69: {  	[sflag:s2] =	ssyncset.done $0x0  }
0x6a: {  	[sflag:s2] =	ssyncadd.s32 $0xFFFFD800  }
0x6b: {  	_ =	swait.ge [sflag:s0], $0x50  }
0x6c: {  	[sflag:s0] =	ssyncset.done $0x0  }
0x6d: {  	[sflag:s0] =	ssyncadd.s32 $0xFFFFFFB0  }
0x6e: {  	v1 =	vld [tilespmem:$0x2780];
	_ =	sdelay $0x7  }
0x6f: {  	[tilespmem:v1+s24+$0x0] =	vst.idx.add.f32.msk $0xffff, v0  }
0x70: {  	v1 =	vld [tilespmem:$0x2790];
	_ =	sdelay $0x7  }
0x71: {  	[tilespmem:v1+s24+$0x0] =	vst.idx.add.f32.msk $0xffff, v0  }
0x72: {  	v1 =	vld [tilespmem:$0x27A0];
	_ =	sdelay $0x7  }
0x73: {  	[tilespmem:v1+s24+$0x0] =	vst.idx.add.f32.msk $0xffff, v0  }
0x74: {  	v1 =	vld [tilespmem:$0x27B0];
	_ =	sdelay $0x7  }
0x75: {  	[tilespmem:v1+s24+$0x0] =	vst.idx.add.f32.msk $0xffff, v0  }
0x76: {  	v1 =	vld [tilespmem:$0x27C0];
	_ =	sdelay $0x3  }
0x77: {  	p1 =	sne.s32 s15, $0x4B0  }
.Ltmp0:
0x78: {  	_ = 	snop;
	(pc) =	sbr.rel @p1 .LBB2_2-.Ltmp0, $3  }
0x79: {  	_ =	sdelay $0x1  }
0x7a: {  	s21 =	sadd.s32 $0xA0, s21;
	s15 =	sadd.s32 $0x14, s15;
	s12 =	sadd.s32 $0xA0, s12;
	[tilespmem:v1+s24+$0x0] =	vst.idx.add.f32.msk $0xffff, v0  }
0x7b: {  	[spmem:s3] =	stream.indirect.scatter.add.f32 [tilespmem:s29], [sflag:$0x5], $0x80, s26, s28, $0xb8;
	[tilespmem:$0x1DF80] =	vst v63  }
0x7c: {  	_ =	swait.ge [sflag:s4], $0x2800  }
0x7d: {  	[sflag:s4] =	ssyncset.done $0x0  }
0x7e: {  	s12 =	rddreg [dreg:$0xc];
	[sflag:s4] =	ssyncadd.s32 $0xFFFFD800  }
0x7f: {  	[tilespmem:s26], [sflag:$0x1] =	stream.linear.gather [hbm4b:s12+s5], $0x50, $0x38;
	[tilespmem:$0x1DF80] =	vst v63  }
0x80: {  	s16 =	simm.s32 $0x26C0  }
0x81: {  	[tilespmem:s29], [sflag:$0x3] =	stream.indirect.gather [hbm4b:s1+s28], $0x80, s16, s28, $0xb8;
	[tilespmem:$0x1DF80] =	vst v63  }
0x82: {  	_ =	swait.ge [sflag:s8], $0x2800  }
0x83: {  	[sflag:s8] =	ssyncset.done $0x0  }
0x84: {  	[sflag:s8] =	ssyncadd.s32 $0xFFFFD800  }
0x85: {  	_ =	swait.ge [sflag:s7], $0x50  }
0x86: {  	[sflag:s7] =	ssyncset.done $0x0  }
0x87: {  	[sflag:s7] =	ssyncadd.s32 $0xFFFFFFB0  }
0x88: {  	v1 =	vld [tilespmem:$0x2800];
	_ =	sdelay $0x7  }
0x89: {  	[tilespmem:v1+s24+$0x0] =	vst.idx.add.f32.msk $0xffff, v0  }
0x8a: {  	v1 =	vld [tilespmem:$0x2810];
	_ =	sdelay $0x7  }
0x8b: {  	[tilespmem:v1+s24+$0x0] =	vst.idx.add.f32.msk $0xffff, v0  }
0x8c: {  	v1 =	vld [tilespmem:$0x2820];
	_ =	sdelay $0x7  }
0x8d: {  	[tilespmem:v1+s24+$0x0] =	vst.idx.add.f32.msk $0xffff, v0  }
0x8e: {  	v1 =	vld [tilespmem:$0x2830];
	_ =	sdelay $0x7  }
0x8f: {  	[tilespmem:v1+s24+$0x0] =	vst.idx.add.f32.msk $0xffff, v0  }
0x90: {  	v1 =	vld [tilespmem:$0x2840];
	_ =	sdelay $0x7  }
0x91: {  	[tilespmem:v1+s24+$0x0] =	vst.idx.add.f32.msk $0xffff, v0  }
0x92: {  	[spmem:s3] =	stream.indirect.scatter.add.f32 [tilespmem:s31], [sflag:$0x5], $0x80, s30, s28, $0xb8;
	[tilespmem:$0x1DF80] =	vst v63  }
0x93: {  	_ =	swait.ge [sflag:s2], $0x2800  }
0x94: {  	[sflag:s2] =	ssyncset.done $0x0  }
0x95: {  	[sflag:s2] =	ssyncadd.s32 $0xFFFFD800  }
0x96: {  	_ =	swait.ge [sflag:s0], $0x50  }
0x97: {  	[sflag:s0] =	ssyncset.done $0x0  }
0x98: {  	[sflag:s0] =	ssyncadd.s32 $0xFFFFFFB0  }
0x99: {  	v1 =	vld [tilespmem:$0x2780];
	_ =	sdelay $0x7  }
0x9a: {  	[tilespmem:v1+s24+$0x0] =	vst.idx.add.f32.msk $0xffff, v0  }
0x9b: {  	v1 =	vld [tilespmem:$0x2790];
	_ =	sdelay $0x7  }
0x9c: {  	[tilespmem:v1+s24+$0x0] =	vst.idx.add.f32.msk $0xffff, v0  }
0x9d: {  	v1 =	vld [tilespmem:$0x27A0];
	_ =	sdelay $0x7  }
0x9e: {  	[tilespmem:v1+s24+$0x0] =	vst.idx.add.f32.msk $0xffff, v0  }
0x9f: {  	v1 =	vld [tilespmem:$0x27B0];
	_ =	sdelay $0x7  }
0xa0: {  	[tilespmem:v1+s24+$0x0] =	vst.idx.add.f32.msk $0xffff, v0  }
0xa1: {  	v1 =	vld [tilespmem:$0x27C0];
	_ =	sdelay $0x7  }
0xa2: {  	[tilespmem:v1+s24+$0x0] =	vst.idx.add.f32.msk $0xffff, v0  }
0xa3: {  	[spmem:s3] =	stream.indirect.scatter.add.f32 [tilespmem:s29], [sflag:$0x5], $0x80, s26, s28, $0xb8;
	[tilespmem:$0x1DF80] =	vst v63  }
0xa4: {  	_ =	swait.ge [sflag:s4], $0x2800  }
0xa5: {  	[sflag:s4] =	ssyncset.done $0x0  }
0xa6: {  	[sflag:s4] =	ssyncadd.s32 $0xFFFFD800  }
0xa7: {  	_ =	swait.ge [sflag:s4], $0x2800  }
0xa8: {  	[sflag:s4] =	ssyncset.done $0x0  }
0xa9: {  	[sflag:s4] =	ssyncadd.s32 $0xFFFFD800  }
0xaa: {  	[bflag:$0x0] =	sbarrier.arrive $0xFFFF  }
0xab: {  	[hbm:s17], [sflag:s10] =	dma.local [spmem:s22], $0x2780  }
0xac: {  	_ =	swait.ge [sflag:s23], $0x2780  }
0xad: {  	[sflag:s23] =	ssyncset.done $0x0  }
0xae: {  	[sflag:s23] =	ssyncadd.s32 $0xFFFFD880  }
0xaf: {  	s21 =	rddreg [dreg:$0x3]  }
0xb0: {  	[spmem:s21] =	stream.indirect.scatter.add.f32 [tilespmem:s24], [sflag:$0x6], $0x80, s25, s28, $0xb8;
	[tilespmem:$0x1DF80] =	vst v63  }
0xb1: {  	_ =	swait.ge [sflag:s23], $0x2800  }
0xb2: {  	[sflag:s23] =	ssyncset.done $0x0  }
0xb3: {  	s9 =	sadd.s32 $0x1, s9;
	[sflag:s23] =	ssyncadd.s32 $0xFFFFD800  }
0xb4: {  	p1 =	sne.s32 s9, s19;
	[bflag:$0x0] =	sbarrier.arrive $0xFFFF  }
0xb5: {  	[hbm:s18], [sflag:s10] =	dma.local @!p0 [spmem:s11], $0x80  }
.Ltmp1:
0xb6: {  	_ = 	snop;
	(pc) =	sbr.rel @p1 .LBB2_1-.Ltmp1, $4  }
0xb7: {  	s11 =	simm.s32 @!p0 $0x6  }
0xb8: {  	_ =	swait.ge @!p0 [sflag:s11], $0x80  }
0xb9: {  	[sflag:s11] =	ssyncset.done @!p0 $0x0  }
0xba: {  	[sflag:s11] =	ssyncadd.s32 @!p0 $0xFFFFFF80  }
0xbb: {  	_ =	sfence.sel $0x180000  }
0xbc: {  	[bflag:$0x0] =	sbarrier.arrive $0xFFFF  }
0xbd: {  	_ =	strace $0x90000047  }
0xbe: {  	s0 =	stileid.u32;
	[bflag:$0x2] =	sbarrier.arrive $0xFFFF  }
0xbf: {  	p0 =	sne.s32 s0, $0x0;
	s0 =	rddreg [dreg:$0x4]  }
0xc0: {  	s0 =	sadd.s32 @!p0 $0x100000, s0  }
0xc1: {  	[sflag:s0] =	ssyncadd.tile.s32 @!p0 $0x1;
	_ =	shalt  }
.Lfunc_end2:
_tile_overlayer_lowered:
.L_overlay_start_2:
0xc2: {  	(tag) =	ssettag $0x2  }
0xc3: {  	s0 =	rddreg [dreg:$0x0];
	s2 =	stileid.u32  }
0xc4: {  	s1 =	rddreg [dreg:$0x1];
	p0 =	sne.s32 s2, $0x0  }
0xc5: {  	s3 =	rddreg [dreg:$0x2];
	[bflag:$0x3] =	sbarrier.arrive $0xFFFF;
	s2 =	simm.s32 @!p0 $0x1C06  }
0xc6: {  	[timem:s3], [sflag:s2] =	dma.local @!p0 [hbm:s0], s1  }
0xc7: {  	s0 =	simm.s32 @!p0 $0x6  }
0xc8: {  	_ =	swait.ge @!p0 [sflag:s0], s1  }
0xc9: {  	s1 =	ssub.s32 @!p0 $0x0, s1;
	[sflag:s0] =	ssyncset.done @!p0 $0x0  }
0xca: {  	[sflag:s0] =	ssyncadd.s32 @!p0 s1  }
0xcb: {  	[bflag:$0x3] =	sbarrier.arrive $0xFFFF  }
0xcc: {  	_ =	shalt  }

// kernel: kernel.13.cloned.1.call-start
scs
__scs_entry_jumppad:
0x0: {  	(pc) =	sbr.rel $0x88, $3  }
0x1: {  	(tag) =	ssettag $0x0;
	lr =	simm.s32 $0x1  }
0x2: {  	[smem:$0x3F96] =	sst lr;
	_ =	strace $0xD0000000  }
0x3: {  	_ = 	snop  }
0x4: {  	_ = 	snop  }
0x5: {  	_ = 	snop  }
0x6: {  	_ = 	snop  }
0x7: {  	_ = 	snop  }
__scs_overlays_trampoline_lowered:
0x8: {  	[smem:$0x3FA5] =	sst s0  }
0x9: {  	[smem:$0x3FA6] =	sst s1  }
0xa: {  	[smem:$0x3FA7] =	sst s2  }
0xb: {  	[smem:$0x3FA8] =	sst s3  }
0xc: {  	[smem:$0x3FA9] =	sst s4  }
0xd: {  	[smem:$0x3FAA] =	sst s5  }
0xe: {  	[smem:$0x3FAB] =	sst s6  }
0xf: {  	[smem:$0x3FAC] =	sst s7  }
0x10: {  	[smem:$0x3FAD] =	sst s8  }
0x11: {  	[smem:$0x3FAE] =	sst s9;
	s0 =	simm.s32 @!p0 $0x0  }
0x12: {  	s1 =	sld [smem:$0x3F94];
	s0 =	simm.s32 @p0 $0x1  }
0x13: {  	[smem:$0x3FAF] =	sst s0;
	s0 =	simm.s32 @!p1 $0x0  }
0x14: {  	s2 =	sld [smem:$0x3F93];
	s0 =	simm.s32 @p1 $0x1  }
0x15: {  	[smem:$0x3FB0] =	sst s0;
	s0 =	simm.s32 @!p2 $0x0  }
0x16: {  	s3 =	sld [smem:$0x3FDB];
	s0 =	simm.s32 @p2 $0x1  }
0x17: {  	s4 =	simm.s32 $0x1BF5;
	[smem:$0x3FB2] =	sst s0  }
0x18: {  	s0 =	sld [smem:$0x3F95];
	_ =	swait.ge [sflag:s4], $0x0  }
0x19: {  	s7 =	sld [smem:$0x3F96]  }
0x1a: {  	s8 =	sadd.s32 $0xFFFFE003, lr  }
0x1b: {  	s9 =	sadd.s32 $0xFFFFFEF7, lr;
	s5 =	simm.s32 $0xFFFFFFFF;
	p2 =	slt.u32 s8, $0xFFFFF086  }
0x1c: {  	p1 =	slt.u32 s9, $0xF7A;
	s5 =	simm.s32 @!p2 $0x0  }
0x1d: {  	s5 =	simm.s32 @p1 $0x1;
	p0 =	seq.s32 s7, s2  }
0x1e: {  	s7 =	smul.u32 @!p0 $0xF7A, s2;
	p2 =	seq.s32 @!p0 s5, $0x0  }
0x1f: {  	s9 =	smul.u32 $0xF7A, s1;
	s8 =	simm.s32 @!p0 $0x1BF5;
	p2 =	por !p2, p0  }
0x20: {  	[sflag:s8] =	ssyncset.s32 @!p0 $0xFFFFF086;
	s6 =	sadd.s32 @!p0 s3, s7;
	s7 =	simm.s32 @!p0 $0x108  }
0x21: {  	s3 =	sadd.s32 s3, s9;
	s6 =	sadd.s32 @!p0 $0x88, s6;
	s7 =	simm.s32 @p2 $0x1082  }
0x22: {  	[simem:s7], [sflag:s8] =	dma.local @!p0 [hbm:s6], $0xF7A  }
0x23: {  	s9 =	sor.u32 $0xD0000000, s2;
	s6 =	simm.s32 $0x108;
	_ =	swait.ge @!p0 [sflag:s8], $0x0  }
0x24: {  	s3 =	sadd.s32 $0x88, s3;
	s6 =	simm.s32 @!p1 $0x1082;
	[sflag:s4] =	ssyncset.s32 $0xFFFFF086  }
0x25: {  	[simem:s6], [sflag:s4] =	dma.local [hbm:s3], $0xF7A  }
0x26: {  	[smem:$0x3F96] =	sst s1;
	(tag) =	ssettag s2;
	_ =	strace s9  }
0x27: {  	s1 =	sld [smem:$0x3FA6]  }
0x28: {  	s2 =	sld [smem:$0x3FA7]  }
0x29: {  	s4 =	sld [smem:$0x3FA9]  }
0x2a: {  	p0 =	seq.s32 s5, $0x0;
	s5 =	sld [smem:$0x3FAA]  }
0x2b: {  	s6 =	sld [smem:$0x3FAB]  }
0x2c: {  	s7 =	sld [smem:$0x3FAC]  }
0x2d: {  	s3 =	simm.s32 $0x108;
	s8 =	sld [smem:$0x3FAD]  }
0x2e: {  	s3 =	simm.s32 @!p0 $0x1082;
	s9 =	sld [smem:$0x3FAE]  }
0x2f: {  	lr =	sadd.s32 s0, s3;
	s0 =	sld [smem:$0x3FA5]  }
0x30: {  	s3 =	sld [smem:$0x3FA8]  }
0x31: {  	[smem:$0x3FB1] =	sst s10  }
0x32: {  	s10 =	sld [smem:$0x3FAF];
	_ =	sdelay $0x3  }
0x33: {  	p0 =	seq.s32 s10, $0x1;
	s10 =	sld [smem:$0x3FB1];
	_ =	sdelay $0x3  }
0x34: {  	[smem:$0x3FB1] =	sst s10  }
0x35: {  	s10 =	sld [smem:$0x3FB0];
	_ =	sdelay $0x3  }
0x36: {  	p1 =	seq.s32 s10, $0x1;
	s10 =	sld [smem:$0x3FB1];
	_ =	sdelay $0x3  }
0x37: {  	[smem:$0x3FB1] =	sst s10  }
0x38: {  	s10 =	sld [smem:$0x3FB2]  }
0x39: {  	_ = 	snop;
	(pc) =	sbr.ind lr, $3  }
0x3a: {  	_ = 	snop  }
0x3b: {  	_ = 	snop  }
0x3c: {  	p2 =	seq.s32 s10, $0x1;
	s10 =	sld [smem:$0x3FB1]  }
0x3d: {  	_ =	shalt  }
0x3e: {  	_ =	shalt  }
0x3f: {  	_ =	shalt  }
0x40: {  	_ =	shalt  }
0x41: {  	_ =	shalt  }
0x42: {  	_ =	shalt  }
0x43: {  	_ =	shalt  }
0x44: {  	_ =	shalt  }
0x45: {  	_ =	shalt  }
0x46: {  	_ =	shalt  }
0x47: {  	_ =	shalt  }
0x48: {  	_ =	shalt  }
0x49: {  	_ =	shalt  }
0x4a: {  	_ =	shalt  }
0x4b: {  	_ =	shalt  }
0x4c: {  	_ =	shalt  }
0x4d: {  	_ =	shalt  }
0x4e: {  	_ =	shalt  }
0x4f: {  	_ =	shalt  }
0x50: {  	_ =	shalt  }
0x51: {  	_ =	shalt  }
0x52: {  	_ =	shalt  }
0x53: {  	_ =	shalt  }
0x54: {  	_ =	shalt  }
0x55: {  	_ =	shalt  }
0x56: {  	_ =	shalt  }
0x57: {  	_ =	shalt  }
0x58: {  	_ =	shalt  }
0x59: {  	_ =	shalt  }
0x5a: {  	_ =	shalt  }
0x5b: {  	_ =	shalt  }
0x5c: {  	_ =	shalt  }
0x5d: {  	_ =	shalt  }
0x5e: {  	_ =	shalt  }
0x5f: {  	_ =	shalt  }
0x60: {  	_ =	shalt  }
0x61: {  	_ =	shalt  }
0x62: {  	_ =	shalt  }
0x63: {  	_ =	shalt  }
0x64: {  	_ =	shalt  }
0x65: {  	_ =	shalt  }
0x66: {  	_ =	shalt  }
0x67: {  	_ =	shalt  }
0x68: {  	_ =	shalt  }
0x69: {  	_ =	shalt  }
0x6a: {  	_ =	shalt  }
0x6b: {  	_ =	shalt  }
0x6c: {  	_ =	shalt  }
0x6d: {  	_ =	shalt  }
0x6e: {  	_ =	shalt  }
0x6f: {  	_ =	shalt  }
0x70: {  	_ =	shalt  }
0x71: {  	_ =	shalt  }
0x72: {  	_ =	shalt  }
0x73: {  	_ =	shalt  }
0x74: {  	_ =	shalt  }
0x75: {  	_ =	shalt  }
0x76: {  	_ =	shalt  }
0x77: {  	_ =	shalt  }
0x78: {  	_ =	shalt  }
0x79: {  	_ =	shalt  }
0x7a: {  	_ =	shalt  }
0x7b: {  	_ =	shalt  }
0x7c: {  	_ =	shalt  }
0x7d: {  	_ =	shalt  }
0x7e: {  	_ =	shalt  }
0x7f: {  	_ =	shalt  }
0x80: {  	_ =	shalt  }
0x81: {  	_ =	shalt  }
0x82: {  	_ =	shalt  }
0x83: {  	_ =	shalt  }
0x84: {  	_ =	shalt  }
0x85: {  	_ =	shalt  }
0x86: {  	_ =	shalt  }
0x87: {  	_ =	shalt  }
.Lfunc_end0:
.L_simem_size_0:
called_computation.1_lowered:
.L_overlay_start_0:
0x88: {  	s2 =	sld [smem:$0x3FD9]  }
0x89: {  	s3 =	sld [smem:$0x3FFE];
	_ =	sdelay $0x1  }
0x8a: {  	s1 =	srdreg.scid  }
0x8b: {  	s0 =	sand.u32 $0x1, s1  }
0x8c: {  	s17 =	sshll.u32 s0, $0xA;
	s2 =	sadd.s32 s3, s2  }
0x8d: {  	s2 =	sadd.s32 s2, s17  }
0x8e: {  	[smem:$0x3FBD] =	sst s2  }
0x8f: {  	_ = 	snop  }
0x90: {  	s2 =	sld [smem:$0x3FD0];
	(tm) =	ssettm $0x1  }
0x91: {  	s18 =	sld [smem:$0x3FFB];
	_ =	sdelay $0x3  }
0x92: {  	_ =	strace s18  }
0x93: {  	s3 =	sld [smem:$0x3FFC];
	_ =	sdelay $0x3  }
0x94: {  	_ =	strace s3  }
0x95: {  	s3 =	sld [smem:$0x3FFD];
	_ =	sdelay $0x3  }
0x96: {  	_ =	strace s3  }
0x97: {  	_ =	strace $0x8FFFFFFF  }
0x98: {  	s19 =	sld [smem:$0x3FDB];
	_ =	sdelay $0x1  }
0x99: {  	s4 =	simm.s32 $_scs_section_size  }
0x9a: {  	s5 =	simm.s32 $_size__tile_overlayer_lowered;
	s6 =	simm.s32 $_tile_overlayer_lowered  }
0x9b: {  	s22 =	simm.s32 $0x1BFF;
	s21 =	sshll.u32 s6, $0x1;
	s3 =	sadd.s32 s4, s19  }
0x9c: {  	s7 =	simm.s32 $0x0;
	s20 =	sshll.u32 s5, $0x1;
	s5 =	sadd.s32 s21, s3  }
0x9d: {  	[timem:s7], [sflag:s22] =	dma.local [hbm:s5], s20  }
0x9e: {  	_ =	swait.ge [sflag:s22], s20  }
0x9f: {  	s4 =	ssub.s32 $0x0, s20;
	[sflag:s22] =	ssyncset.done $0x0  }
0xa0: {  	[sflag:s22] =	ssyncadd.s32 s4;
	_ =	sdelay $0x1  }
0xa1: {  	s23 =	simm.s32 $0x1B8B  }
0xa2: {  	_ =	swait.ge [sflag:s23], $0x1  }
0xa3: {  	[sflag:s23] =	ssyncset.done $0x0  }
0xa4: {  	s25 =	simm.s32 $0x1B8E;
	s24 =	sld [smem:$0x3FFE];
	[sflag:s23] =	ssyncadd.s32 $0xFFFFFFFF  }
0xa5: {  	s26 =	simm.s32 $execute0_lowered;
	[smem:$0x3FD2] =	sst s25  }
0xa6: {  	s5 =	sshll.u32 s26, $0x1;
	_ =	strace $0x80000049;
	[dreg:$0x1] =	wrdreg $0xFFFFFFFF  }
0xa7: {  	s28 =	simm.s32 $_size_execute0_lowered;
	s3 =	sadd.s32 s3, s5;
	[dreg:$0x0] =	wrdreg $0x0  }
0xa8: {  	s5 =	sshll.u32 s28, $0x1;
	[dreg:$0x2] =	wrdreg s3  }
0xa9: {  	[dreg:$0x3] =	wrdreg s5  }
0xaa: {  	[dreg:$0x4] =	wrdreg $0xC0  }
0xab: {  	_ =	task [dreg:s7], $0x5FFFF  }
0xac: {  	[dreg:$0x1] =	wrdreg $0xFFFFFFFF  }
0xad: {  	[dreg:$0x0] =	wrdreg $0x60  }
0xae: {  	[dreg:$0x2] =	wrdreg s24  }
0xaf: {  	[dreg:$0x3] =	wrdreg s2  }
0xb0: {  	[dreg:$0x4] =	wrdreg $0xB1000  }
0xb1: {  	[dreg:$0x5] =	wrdreg $0x9  }
0xb2: {  	_ =	task.clear_ibuf [dreg:s7], $0x6FFFF;
	_ =	strace $0x90000049  }
0xb3: {  	s29 =	simm.s32 $0x9;
	_ =	strace $0x8000004B  }
0xb4: {  	_ =	swait.ge [sflag:s29], $0x1  }
0xb5: {  	[sflag:s29] =	ssyncadd.s32 $0xFFFFFFFF  }
0xb6: {  	_ =	strace $0x9000004B  }
0xb7: {  	_ =	sfence  }
0xb8: {  	s30 =	sld [smem:$0x0];
	_ =	sdelay $0x2  }
0xb9: {  	s31 =	sshll.u32 s1, $0xD;
	s1 =	sshrl.u32 s1, $0x2  }
0xba: {  	s3 =	sand.u32 $0x4000, s31;
	s1 =	sadd.s32 s1, s30  }
0xbb: {  	s0 =	sor.u32 s3, s0;
	s1 =	sshll.u32 s1, $0x11  }
0xbc: {  	s0 =	sor.u32 s1, s0  }
0xbd: {  	s0 =	sadd.s32 $0x8F2B, s0  }
0xbe: {  	[sflag:s0] =	ssyncadd.remote.s32 $0x1  }
0xbf: {  	_ =	sfence.sel $0xFFFF  }
0xc0: {  	[dreg:$0x0] =	wrdreg $0xFFFFFFFF;
	(pc) =	sbr.abs _section_cstart, $3  }
0xc1: {  	[dreg:$0x1] =	wrdreg $0xFFFFFFFF  }
0xc2: {  	_ =	task.clear_ibuf [dreg:s7], $0x2FFFF;
	_ =	strace $0x9FFFFFFF  }
0xc3: {  	(tm) =	ssettm $0x7FFFFFFF  }
tec
execute0_lowered:
.L_overlay_start_1:
0x0: {  	(tag) =	ssettag $0x1  }
0x1: {  	s0 =	rddreg [dreg:$0x0];
	s1 =	srdreg.scid  }
0x2: {  	s2 =	rddreg [dreg:$0x1];
	s12 =	stileid.u32  }
0x3: {  	s3 =	rddreg [dreg:$0x2];
	s4 =	simm.s32 $0x0;
	s6 =	smul.u32 $0x2710, s12  }
0x4: {  	s17 =	simm.s32 $0x6;
	s18 =	simm.s32 $0x2780;
	s7 =	smul.u32 $0x13C00, s12  }
0x5: {  	s28 =	simm.s32 $0x2;
	s1 =	sand.u32 $0x1, s1;
	s19 =	smul.u32 $0x4F000, s12  }
0x6: {  	s29 =	simm.s32 $0x2880;
	s30 =	simm.s32 $0x10;
	s5 =	smul.u32 $0x27100, s1  }
0x7: {  	[smem:$0x7FF] =	sst s4;
	s22 =	sshll.u32 s12, $0x6;
	s9 =	smul.u32 $0x13C000, s1  }
0x8: {  	_ =	strace $0x8000004A;
	s1 =	ssub.s32 $0x2, s1;
	s11 =	sshrl.u32 s7, $0x3  }
0x9: {  	s20 =	sshrl.u32 s1, $0x1;
	s21 =	sshrl.u32 s19, $0x2;
	s19 =	simm.s32 $0x80  }
0xa: {  	s6 =	sadd.s32 s6, s5;
	s5 =	sadd.s32 $0x2A00, s0;
	s7 =	sadd.s32 s7, s9  }
0xb: {  	s11 =	sadd.s32 s11, s0;
	s1 =	ssub.s32 s1, s20;
	s16 =	sadd.s32 s21, s3  }
0xc: {  	s20 =	simm.s32 $0x2900;
	s21 =	simm.s32 $0x2800;
	s8 =	sshrl.u32 s6, $0x3  }
0xd: {  	s7 =	sshrl.u32 s7, $0x3;
	s23 =	sadd.s32 $0x16800, s11;
	s25 =	sadd.s32 $0x180, s6  }
0xe: {  	s13 =	smax.u32 s1, $0x1;
	s15 =	sadd.s32 $0x100, s6;
	s16 =	sshrl.u32 s16, $0x3  }
0xf: {  	s1 =	simm.s32 $0xA900;
	s10 =	sadd.s32 s8, s0;
	s0 =	sadd.s32 s7, s0  }
0x10: {  	[dreg:$0x4] =	wrdreg s23;
	s7 =	sor.u32 $0x1C06, s22;
	s9 =	sadd.s32 s5, s8  }
0x11: {  	s8 =	sshrl.u32 s25, $0x3;
	s22 =	simm.s32 $0x6900;
	s23 =	simm.s32 $0x3  }
0x12: {  	s25 =	simm.s32 $0x5;
	s24 =	sadd.s32 $0xC800, s10;
	s26 =	sadd.s32 $0x10, s9  }
0x13: {  	s31 =	sadd.s32 $0x4E0, s9;
	s12 =	sadd.s32 $0x3E000, s0;
	[dreg:$0x5] =	wrdreg s24  }
0x14: {  	s14 =	sadd.s32 s8, s5;
	s0 =	simm.s32 $0x0;
	[dreg:$0x6] =	wrdreg s26  }
0x15: {  	[dreg:$0x7] =	wrdreg s31;
	s24 =	simm.s32 $0x1;
	s26 =	simm.s32 $0x4  }
.LBB2_1:
0x16: {  	s6 =	rddreg [dreg:$0x4]  }
0x17: {  	[spmem:s16], [sflag:s7] =	dma.local [hbm:s6], $0x2780  }
0x18: {  	_ =	swait.ge [sflag:s17], $0x2780  }
0x19: {  	[sflag:s17] =	ssyncset.done $0x0  }
0x1a: {  	s8 =	rddreg [dreg:$0x5];
	[sflag:s17] =	ssyncadd.s32 $0xFFFFD880  }
0x1b: {  	[tilespmem:s4], [sflag:$0x6] =	stream.linear.gather [hbm4b:s8+s4], $0x2710, $0x38;
	[tilespmem:$0x1ED00] =	vst v63  }
0x1c: {  	_ =	swait.ge [sflag:s17], $0x2710  }
0x1d: {  	[sflag:s17] =	ssyncset.done $0x0  }
0x1e: {  	[sflag:s17] =	ssyncadd.s32 $0xFFFFD8F0  }
0x1f: {  	[bflag:$0x0] =	sbarrier.arrive $0xFFFF  }
0x20: {  	[tilespmem:s18], [sflag:$0x1] =	stream.linear.gather [hbm4b:s9+s4], $0x80, $0x38;
	[tilespmem:$0x1ED00] =	vst v63  }
0x21: {  	_ = 	snop  }
0x22: {  	[tilespmem:s20], [sflag:$0x3] =	stream.indirect.gather [hbm4b:s2+s19], $0x80, s4, s19, $0xb8;
	[tilespmem:$0x1ED00] =	vst v63  }
0x23: {  	s10 =	rddreg [dreg:$0x6]  }
0x24: {  	[tilespmem:s21], [sflag:$0x2] =	stream.linear.gather [hbm4b:s10+s4], $0x80, $0x38;
	[tilespmem:$0x1ED00] =	vst v63  }
0x25: {  	_ = 	snop  }
0x26: {  	[tilespmem:s22], [sflag:$0x4] =	stream.indirect.gather [hbm4b:s2+s19], $0x80, s19, s19, $0xb8;
	[tilespmem:$0x1ED00] =	vst v63  }
0x27: {  	_ =	swait.ge [sflag:s23], $0x4000  }
0x28: {  	[sflag:s23] =	ssyncset.done $0x0  }
0x29: {  	[sflag:s23] =	ssyncadd.s32 $0xFFFFC000  }
0x2a: {  	_ =	swait.ge [sflag:s24], $0x80  }
0x2b: {  	[sflag:s24] =	ssyncset.done $0x0  }
0x2c: {  	[sflag:s24] =	ssyncadd.s32 $0xFFFFFF80  }
0x2d: {  	[spmem:s3] =	stream.indirect.scatter.add.f32 [tilespmem:s20], [sflag:$0x5], $0x80, s18, s19, $0xb8;
	[tilespmem:$0x1ED00] =	vst v63  }
0x2e: {  	_ =	swait.ge [sflag:s25], $0x4000  }
0x2f: {  	s11 =	sshrl.u32 s15, $0x3;
	[sflag:s25] =	ssyncset.done $0x0  }
0x30: {  	s6 =	sadd.s32 s5, s11;
	[sflag:s25] =	ssyncadd.s32 $0xFFFFC000  }
0x31: {  	[tilespmem:s18], [sflag:$0x1] =	stream.linear.gather [hbm4b:s6+s4], $0x80, $0x38;
	[tilespmem:$0x1ED00] =	vst v63  }
0x32: {  	s8 =	simm.s32 $0x100  }
0x33: {  	[tilespmem:s20], [sflag:$0x3] =	stream.indirect.gather [hbm4b:s2+s19], $0x80, s8, s19, $0xb8;
	[tilespmem:$0x1ED00] =	vst v63  }
0x34: {  	_ =	swait.ge [sflag:s26], $0x4000  }
0x35: {  	[sflag:s26] =	ssyncset.done $0x0  }
0x36: {  	[sflag:s26] =	ssyncadd.s32 $0xFFFFC000  }
0x37: {  	_ =	swait.ge [sflag:s28], $0x80  }
0x38: {  	[sflag:s28] =	ssyncset.done $0x0  }
0x39: {  	[sflag:s28] =	ssyncadd.s32 $0xFFFFFF80  }
0x3a: {  	[spmem:s3] =	stream.indirect.scatter.add.f32 [tilespmem:s22], [sflag:$0x5], $0x80, s21, s19, $0xb8;
	[tilespmem:$0x1ED00] =	vst v63  }
0x3b: {  	_ =	swait.ge [sflag:s25], $0x4000  }
0x3c: {  	[sflag:s25] =	ssyncset.done $0x0  }
0x3d: {  	s10 =	sadd.s32 $0x0, s14;
	[sflag:s25] =	ssyncadd.s32 $0xFFFFC000  }
0x3e: {  	[tilespmem:s21], [sflag:$0x2] =	stream.linear.gather [hbm4b:s10+s4], $0x80, $0x38;
	[tilespmem:$0x1ED00] =	vst v63  }
0x3f: {  	s11 =	simm.s32 $0x180  }
0x40: {  	[tilespmem:s22], [sflag:$0x4] =	stream.indirect.gather [hbm4b:s2+s19], $0x80, s11, s19, $0xb8;
	[tilespmem:$0x1ED00] =	vst v63  }
0x41: {  	_ =	swait.ge [sflag:s23], $0x4000  }
0x42: {  	[sflag:s23] =	ssyncset.done $0x0  }
0x43: {  	[sflag:s23] =	ssyncadd.s32 $0xFFFFC000  }
0x44: {  	_ =	swait.ge [sflag:s24], $0x80  }
0x45: {  	s31 =	simm.s32 $0x20;
	[sflag:s24] =	ssyncset.done $0x0  }
0x46: {  	s6 =	simm.s32 $0x280;
	s8 =	sadd.s32 $0x100, s15;
	[sflag:s24] =	ssyncadd.s32 $0xFFFFFF80  }
.LBB2_2:
0x47: {  	[spmem:s3] =	stream.indirect.scatter.add.f32 [tilespmem:s20], [sflag:$0x5], $0x80, s18, s19, $0xb8;
	[tilespmem:$0x1ED00] =	vst v63  }
0x48: {  	s10 =	smov.u32 s31  }
0x49: {  	p0 =	sne.s32 s31, $0x4A0;
	s31 =	sadd.s32 $0x20, s31;
	_ =	swait.ge [sflag:s25], $0x4000  }
0x4a: {  	s11 =	sshrl.u32 s8, $0x3;
	[sflag:s25] =	ssyncset.done $0x0  }
0x4b: {  	s11 =	sadd.s32 s5, s11;
	[sflag:s25] =	ssyncadd.s32 $0xFFFFC000  }
0x4c: {  	[tilespmem:s18], [sflag:$0x1] =	stream.linear.gather [hbm4b:s11+s4], $0x80, $0x38;
	[tilespmem:$0x1ED00] =	vst v63  }
0x4d: {  	s11 =	sadd.s32 $0xFFFFFF80, s6  }
0x4e: {  	[tilespmem:s20], [sflag:$0x3] =	stream.indirect.gather [hbm4b:s2+s19], $0x80, s11, s19, $0xb8;
	[tilespmem:$0x1ED00] =	vst v63  }
0x4f: {  	_ =	swait.ge [sflag:s26], $0x4000  }
0x50: {  	[sflag:s26] =	ssyncset.done $0x0  }
0x51: {  	[sflag:s26] =	ssyncadd.s32 $0xFFFFC000  }
0x52: {  	_ =	swait.ge [sflag:s28], $0x80  }
0x53: {  	[sflag:s28] =	ssyncset.done $0x0  }
0x54: {  	[sflag:s28] =	ssyncadd.s32 $0xFFFFFF80  }
0x55: {  	[spmem:s3] =	stream.indirect.scatter.add.f32 [tilespmem:s22], [sflag:$0x5], $0x80, s21, s19, $0xb8;
	[tilespmem:$0x1ED00] =	vst v63  }
0x56: {  	_ =	swait.ge [sflag:s25], $0x4000  }
0x57: {  	[sflag:s25] =	ssyncset.done $0x0  }
0x58: {  	s10 =	sadd.s32 s10, s14;
	[sflag:s25] =	ssyncadd.s32 $0xFFFFC000  }
0x59: {  	[tilespmem:s21], [sflag:$0x2] =	stream.linear.gather [hbm4b:s10+s4], $0x80, $0x38;
	[tilespmem:$0x1ED00] =	vst v63  }
0x5a: {  	_ = 	snop  }
0x5b: {  	[tilespmem:s22], [sflag:$0x4] =	stream.indirect.gather [hbm4b:s2+s19], $0x80, s6, s19, $0xb8;
	[tilespmem:$0x1ED00] =	vst v63  }
0x5c: {  	_ =	swait.ge [sflag:s23], $0x4000  }
.Ltmp0:
0x5d: {  	[sflag:s23] =	ssyncset.done $0x0;
	(pc) =	sbr.rel @p0 .LBB2_2-.Ltmp0, $4  }
0x5e: {  	[sflag:s23] =	ssyncadd.s32 $0xFFFFC000  }
0x5f: {  	_ =	swait.ge [sflag:s24], $0x80  }
0x60: {  	[sflag:s24] =	ssyncset.done $0x0  }
0x61: {  	s8 =	sadd.s32 $0x100, s8;
	s6 =	sadd.s32 $0x100, s6;
	[sflag:s24] =	ssyncadd.s32 $0xFFFFFF80  }
0x62: {  	[spmem:s3] =	stream.indirect.scatter.add.f32 [tilespmem:s20], [sflag:$0x5], $0x80, s18, s19, $0xb8;
	[tilespmem:$0x1ED00] =	vst v63  }
0x63: {  	_ =	swait.ge [sflag:s26], $0x4000  }
0x64: {  	[sflag:s26] =	ssyncset.done $0x0  }
0x65: {  	[sflag:s26] =	ssyncadd.s32 $0xFFFFC000  }
0x66: {  	_ =	swait.ge [sflag:s28], $0x80  }
0x67: {  	[sflag:s28] =	ssyncset.done $0x0  }
0x68: {  	[sflag:s28] =	ssyncadd.s32 $0xFFFFFF80  }
0x69: {  	[spmem:s3] =	stream.indirect.scatter.add.f32 [tilespmem:s22], [sflag:$0x5], $0x80, s21, s19, $0xb8;
	[tilespmem:$0x1ED00] =	vst v63  }
0x6a: {  	_ =	swait.ge [sflag:s25], $0x4000  }
0x6b: {  	[sflag:s25] =	ssyncset.done $0x0  }
0x6c: {  	[sflag:s25] =	ssyncadd.s32 $0xFFFFC000  }
0x6d: {  	_ =	swait.ge [sflag:s25], $0x4000  }
0x6e: {  	[sflag:s25] =	ssyncset.done $0x0  }
0x6f: {  	s6 =	rddreg [dreg:$0x7];
	[sflag:s25] =	ssyncadd.s32 $0xFFFFC000  }
0x70: {  	[tilespmem:s29], [sflag:$0x6] =	stream.linear.gather [hbm4b:s6+s4], $0x10, $0x38;
	[tilespmem:$0x1ED00] =	vst v63  }
0x71: {  	_ =	swait.ge [sflag:s17], $0x10  }
0x72: {  	[sflag:s17] =	ssyncset.done $0x0  }
0x73: {  	s31 =	simm.s32 $0x2700;
	[sflag:s17] =	ssyncadd.s32 $0xFFFFFFF0  }
0x74: {  	[tilespmem:s1], [sflag:$0x3] =	stream.indirect.gather [hbm4b:s2+s30], $0x80, s31, s30, $0xb8;
	[tilespmem:$0x1ED00] =	vst v63  }
0x75: {  	_ =	swait.ge [sflag:s23], $0x800  }
0x76: {  	[sflag:s23] =	ssyncset.done $0x0  }
0x77: {  	[sflag:s23] =	ssyncadd.s32 $0xFFFFF800  }
0x78: {  	[spmem:s3] =	stream.indirect.scatter.add.f32 [tilespmem:s1], [sflag:$0x6], $0x80, s29, s30, $0xb8;
	[tilespmem:$0x1ED00] =	vst v63  }
0x79: {  	_ =	swait.ge [sflag:s17], $0x800  }
0x7a: {  	s0 =	sadd.s32 $0x1, s0;
	[sflag:s17] =	ssyncset.done $0x0  }
0x7b: {  	p0 =	sne.s32 s0, s13;
	[sflag:s17] =	ssyncadd.s32 $0xFFFFF800  }
.Ltmp1:
0x7c: {  	[bflag:$0x0] =	sbarrier.arrive $0xFFFF;
	(pc) =	sbr.rel @p0 .LBB2_1-.Ltmp1, $4  }
0x7d: {  	[hbm:s12], [sflag:s7] =	dma.local [spmem:s16], $0x2780  }
0x7e: {  	_ =	swait.ge [sflag:s17], $0x2780  }
0x7f: {  	[sflag:s17] =	ssyncset.done $0x0  }
0x80: {  	[sflag:s17] =	ssyncadd.s32 $0xFFFFD880  }
0x81: {  	_ =	sfence.sel $0x180000  }
0x82: {  	[bflag:$0x0] =	sbarrier.arrive $0xFFFF  }
0x83: {  	_ =	strace $0x9000004A  }
0x84: {  	s0 =	stileid.u32;
	[bflag:$0x2] =	sbarrier.arrive $0xFFFF  }
0x85: {  	p0 =	sne.s32 s0, $0x0;
	s0 =	rddreg [dreg:$0x3]  }
0x86: {  	s0 =	sadd.s32 @!p0 $0x100000, s0  }
0x87: {  	[sflag:s0] =	ssyncadd.tile.s32 @!p0 $0x1;
	_ =	shalt  }
.Lfunc_end2:
_tile_overlayer_lowered:
.L_overlay_start_2:
0x88: {  	(tag) =	ssettag $0x2  }
0x89: {  	s0 =	rddreg [dreg:$0x0];
	s2 =	stileid.u32  }
0x8a: {  	s1 =	rddreg [dreg:$0x1];
	p0 =	sne.s32 s2, $0x0  }
0x8b: {  	s3 =	rddreg [dreg:$0x2];
	[bflag:$0x3] =	sbarrier.arrive $0xFFFF;
	s2 =	simm.s32 @!p0 $0x1C06  }
0x8c: {  	[timem:s3], [sflag:s2] =	dma.local @!p0 [hbm:s0], s1  }
0x8d: {  	s0 =	simm.s32 @!p0 $0x6  }
0x8e: {  	_ =	swait.ge @!p0 [sflag:s0], s1  }
0x8f: {  	s1 =	ssub.s32 @!p0 $0x0, s1;
	[sflag:s0] =	ssyncset.done @!p0 $0x0  }
0x90: {  	[sflag:s0] =	ssyncadd.s32 @!p0 s1  }
0x91: {  	[bflag:$0x3] =	sbarrier.arrive $0xFFFF  }
0x92: {  	_ =	shalt  }

// kernel: kernel.16.cloned.1.call-start
scs
__scs_entry_jumppad:
0x0: {  	(pc) =	sbr.rel $0x88, $3  }
0x1: {  	(tag) =	ssettag $0x0;
	lr =	simm.s32 $0x1  }
0x2: {  	[smem:$0x3F96] =	sst lr;
	_ =	strace $0xD0000000  }
0x3: {  	_ = 	snop  }
0x4: {  	_ = 	snop  }
0x5: {  	_ = 	snop  }
0x6: {  	_ = 	snop  }
0x7: {  	_ = 	snop  }
__scs_overlays_trampoline_lowered:
0x8: {  	[smem:$0x3FA5] =	sst s0  }
0x9: {  	[smem:$0x3FA6] =	sst s1  }
0xa: {  	[smem:$0x3FA7] =	sst s2  }
0xb: {  	[smem:$0x3FA8] =	sst s3  }
0xc: {  	[smem:$0x3FA9] =	sst s4  }
0xd: {  	[smem:$0x3FAA] =	sst s5  }
0xe: {  	[smem:$0x3FAB] =	sst s6  }
0xf: {  	[smem:$0x3FAC] =	sst s7  }
0x10: {  	[smem:$0x3FAD] =	sst s8  }
0x11: {  	[smem:$0x3FAE] =	sst s9;
	s0 =	simm.s32 @!p0 $0x0  }
0x12: {  	s1 =	sld [smem:$0x3F94];
	s0 =	simm.s32 @p0 $0x1  }
0x13: {  	[smem:$0x3FAF] =	sst s0;
	s0 =	simm.s32 @!p1 $0x0  }
0x14: {  	s2 =	sld [smem:$0x3F93];
	s0 =	simm.s32 @p1 $0x1  }
0x15: {  	[smem:$0x3FB0] =	sst s0;
	s0 =	simm.s32 @!p2 $0x0  }
0x16: {  	s3 =	sld [smem:$0x3FDB];
	s0 =	simm.s32 @p2 $0x1  }
0x17: {  	s4 =	simm.s32 $0x1BF5;
	[smem:$0x3FB2] =	sst s0  }
0x18: {  	s0 =	sld [smem:$0x3F95];
	_ =	swait.ge [sflag:s4], $0x0  }
0x19: {  	s7 =	sld [smem:$0x3F96]  }
0x1a: {  	s8 =	sadd.s32 $0xFFFFE003, lr  }
0x1b: {  	s9 =	sadd.s32 $0xFFFFFEF7, lr;
	s5 =	simm.s32 $0xFFFFFFFF;
	p2 =	slt.u32 s8, $0xFFFFF086  }
0x1c: {  	p1 =	slt.u32 s9, $0xF7A;
	s5 =	simm.s32 @!p2 $0x0  }
0x1d: {  	s5 =	simm.s32 @p1 $0x1;
	p0 =	seq.s32 s7, s2  }
0x1e: {  	s7 =	smul.u32 @!p0 $0xF7A, s2;
	p2 =	seq.s32 @!p0 s5, $0x0  }
0x1f: {  	s9 =	smul.u32 $0xF7A, s1;
	s8 =	simm.s32 @!p0 $0x1BF5;
	p2 =	por !p2, p0  }
0x20: {  	[sflag:s8] =	ssyncset.s32 @!p0 $0xFFFFF086;
	s6 =	sadd.s32 @!p0 s3, s7;
	s7 =	simm.s32 @!p0 $0x108  }
0x21: {  	s3 =	sadd.s32 s3, s9;
	s6 =	sadd.s32 @!p0 $0x88, s6;
	s7 =	simm.s32 @p2 $0x1082  }
0x22: {  	[simem:s7], [sflag:s8] =	dma.local @!p0 [hbm:s6], $0xF7A  }
0x23: {  	s9 =	sor.u32 $0xD0000000, s2;
	s6 =	simm.s32 $0x108;
	_ =	swait.ge @!p0 [sflag:s8], $0x0  }
0x24: {  	s3 =	sadd.s32 $0x88, s3;
	s6 =	simm.s32 @!p1 $0x1082;
	[sflag:s4] =	ssyncset.s32 $0xFFFFF086  }
0x25: {  	[simem:s6], [sflag:s4] =	dma.local [hbm:s3], $0xF7A  }
0x26: {  	[smem:$0x3F96] =	sst s1;
	(tag) =	ssettag s2;
	_ =	strace s9  }
0x27: {  	s1 =	sld [smem:$0x3FA6]  }
0x28: {  	s2 =	sld [smem:$0x3FA7]  }
0x29: {  	s4 =	sld [smem:$0x3FA9]  }
0x2a: {  	p0 =	seq.s32 s5, $0x0;
	s5 =	sld [smem:$0x3FAA]  }
0x2b: {  	s6 =	sld [smem:$0x3FAB]  }
0x2c: {  	s7 =	sld [smem:$0x3FAC]  }
0x2d: {  	s3 =	simm.s32 $0x108;
	s8 =	sld [smem:$0x3FAD]  }
0x2e: {  	s3 =	simm.s32 @!p0 $0x1082;
	s9 =	sld [smem:$0x3FAE]  }
0x2f: {  	lr =	sadd.s32 s0, s3;
	s0 =	sld [smem:$0x3FA5]  }
0x30: {  	s3 =	sld [smem:$0x3FA8]  }
0x31: {  	[smem:$0x3FB1] =	sst s10  }
0x32: {  	s10 =	sld [smem:$0x3FAF];
	_ =	sdelay $0x3  }
0x33: {  	p0 =	seq.s32 s10, $0x1;
	s10 =	sld [smem:$0x3FB1];
	_ =	sdelay $0x3  }
0x34: {  	[smem:$0x3FB1] =	sst s10  }
0x35: {  	s10 =	sld [smem:$0x3FB0];
	_ =	sdelay $0x3  }
0x36: {  	p1 =	seq.s32 s10, $0x1;
	s10 =	sld [smem:$0x3FB1];
	_ =	sdelay $0x3  }
0x37: {  	[smem:$0x3FB1] =	sst s10  }
0x38: {  	s10 =	sld [smem:$0x3FB2]  }
0x39: {  	_ = 	snop;
	(pc) =	sbr.ind lr, $3  }
0x3a: {  	_ = 	snop  }
0x3b: {  	_ = 	snop  }
0x3c: {  	p2 =	seq.s32 s10, $0x1;
	s10 =	sld [smem:$0x3FB1]  }
0x3d: {  	_ =	shalt  }
0x3e: {  	_ =	shalt  }
0x3f: {  	_ =	shalt  }
0x40: {  	_ =	shalt  }
0x41: {  	_ =	shalt  }
0x42: {  	_ =	shalt  }
0x43: {  	_ =	shalt  }
0x44: {  	_ =	shalt  }
0x45: {  	_ =	shalt  }
0x46: {  	_ =	shalt  }
0x47: {  	_ =	shalt  }
0x48: {  	_ =	shalt  }
0x49: {  	_ =	shalt  }
0x4a: {  	_ =	shalt  }
0x4b: {  	_ =	shalt  }
0x4c: {  	_ =	shalt  }
0x4d: {  	_ =	shalt  }
0x4e: {  	_ =	shalt  }
0x4f: {  	_ =	shalt  }
0x50: {  	_ =	shalt  }
0x51: {  	_ =	shalt  }
0x52: {  	_ =	shalt  }
0x53: {  	_ =	shalt  }
0x54: {  	_ =	shalt  }
0x55: {  	_ =	shalt  }
0x56: {  	_ =	shalt  }
0x57: {  	_ =	shalt  }
0x58: {  	_ =	shalt  }
0x59: {  	_ =	shalt  }
0x5a: {  	_ =	shalt  }
0x5b: {  	_ =	shalt  }
0x5c: {  	_ =	shalt  }
0x5d: {  	_ =	shalt  }
0x5e: {  	_ =	shalt  }
0x5f: {  	_ =	shalt  }
0x60: {  	_ =	shalt  }
0x61: {  	_ =	shalt  }
0x62: {  	_ =	shalt  }
0x63: {  	_ =	shalt  }
0x64: {  	_ =	shalt  }
0x65: {  	_ =	shalt  }
0x66: {  	_ =	shalt  }
0x67: {  	_ =	shalt  }
0x68: {  	_ =	shalt  }
0x69: {  	_ =	shalt  }
0x6a: {  	_ =	shalt  }
0x6b: {  	_ =	shalt  }
0x6c: {  	_ =	shalt  }
0x6d: {  	_ =	shalt  }
0x6e: {  	_ =	shalt  }
0x6f: {  	_ =	shalt  }
0x70: {  	_ =	shalt  }
0x71: {  	_ =	shalt  }
0x72: {  	_ =	shalt  }
0x73: {  	_ =	shalt  }
0x74: {  	_ =	shalt  }
0x75: {  	_ =	shalt  }
0x76: {  	_ =	shalt  }
0x77: {  	_ =	shalt  }
0x78: {  	_ =	shalt  }
0x79: {  	_ =	shalt  }
0x7a: {  	_ =	shalt  }
0x7b: {  	_ =	shalt  }
0x7c: {  	_ =	shalt  }
0x7d: {  	_ =	shalt  }
0x7e: {  	_ =	shalt  }
0x7f: {  	_ =	shalt  }
0x80: {  	_ =	shalt  }
0x81: {  	_ =	shalt  }
0x82: {  	_ =	shalt  }
0x83: {  	_ =	shalt  }
0x84: {  	_ =	shalt  }
0x85: {  	_ =	shalt  }
0x86: {  	_ =	shalt  }
0x87: {  	_ =	shalt  }
.Lfunc_end0:
.L_simem_size_0:
called_computation.2_lowered:
.L_overlay_start_0:
0x88: {  	s2 =	sld [smem:$0x3FD9]  }
0x89: {  	s3 =	sld [smem:$0x3FFE];
	_ =	sdelay $0x1  }
0x8a: {  	s1 =	srdreg.scid  }
0x8b: {  	s0 =	sand.u32 $0x1, s1  }
0x8c: {  	s17 =	sshll.u32 s0, $0xA;
	s2 =	sadd.s32 s3, s2  }
0x8d: {  	s2 =	sadd.s32 s2, s17  }
0x8e: {  	[smem:$0x3FBD] =	sst s2  }
0x8f: {  	_ = 	snop  }
0x90: {  	s2 =	sld [smem:$0x3FD0];
	(tm) =	ssettm $0x1  }
0x91: {  	s18 =	sld [smem:$0x3FFB];
	_ =	sdelay $0x3  }
0x92: {  	_ =	strace s18  }
0x93: {  	s3 =	sld [smem:$0x3FFC];
	_ =	sdelay $0x3  }
0x94: {  	_ =	strace s3  }
0x95: {  	s3 =	sld [smem:$0x3FFD];
	_ =	sdelay $0x3  }
0x96: {  	_ =	strace s3  }
0x97: {  	_ =	strace $0x8FFFFFFF  }
0x98: {  	s19 =	sld [smem:$0x3FDB];
	_ =	sdelay $0x1  }
0x99: {  	s4 =	simm.s32 $_scs_section_size  }
0x9a: {  	s5 =	simm.s32 $_size__tile_overlayer_lowered;
	s6 =	simm.s32 $_tile_overlayer_lowered  }
0x9b: {  	s22 =	simm.s32 $0x1BFF;
	s21 =	sshll.u32 s6, $0x1;
	s3 =	sadd.s32 s4, s19  }
0x9c: {  	s7 =	simm.s32 $0x0;
	s20 =	sshll.u32 s5, $0x1;
	s5 =	sadd.s32 s21, s3  }
0x9d: {  	[timem:s7], [sflag:s22] =	dma.local [hbm:s5], s20  }
0x9e: {  	_ =	swait.ge [sflag:s22], s20  }
0x9f: {  	s4 =	ssub.s32 $0x0, s20;
	[sflag:s22] =	ssyncset.done $0x0  }
0xa0: {  	[sflag:s22] =	ssyncadd.s32 s4;
	_ =	sdelay $0x1  }
0xa1: {  	s23 =	simm.s32 $0x1B8B  }
0xa2: {  	_ =	swait.ge [sflag:s23], $0x1  }
0xa3: {  	[sflag:s23] =	ssyncset.done $0x0  }
0xa4: {  	s25 =	simm.s32 $0x1B8E;
	s24 =	sld [smem:$0x3FFE];
	[sflag:s23] =	ssyncadd.s32 $0xFFFFFFFF  }
0xa5: {  	s26 =	simm.s32 $execute0_lowered;
	[smem:$0x3FD2] =	sst s25  }
0xa6: {  	s5 =	sshll.u32 s26, $0x1;
	_ =	strace $0x8000004C;
	[dreg:$0x1] =	wrdreg $0xFFFFFFFF  }
0xa7: {  	s28 =	simm.s32 $_size_execute0_lowered;
	s3 =	sadd.s32 s3, s5;
	[dreg:$0x0] =	wrdreg $0x0  }
0xa8: {  	s5 =	sshll.u32 s28, $0x1;
	[dreg:$0x2] =	wrdreg s3  }
0xa9: {  	[dreg:$0x3] =	wrdreg s5  }
0xaa: {  	[dreg:$0x4] =	wrdreg $0xC0  }
0xab: {  	_ =	task [dreg:s7], $0x5FFFF  }
0xac: {  	[dreg:$0x1] =	wrdreg $0xFFFFFFFF  }
0xad: {  	[dreg:$0x0] =	wrdreg $0x60  }
0xae: {  	[dreg:$0x2] =	wrdreg s24  }
0xaf: {  	[dreg:$0x3] =	wrdreg s2  }
0xb0: {  	[dreg:$0x4] =	wrdreg $0xB1000  }
0xb1: {  	[dreg:$0x5] =	wrdreg $0x9  }
0xb2: {  	_ =	task.clear_ibuf [dreg:s7], $0x6FFFF;
	_ =	strace $0x9000004C  }
0xb3: {  	s29 =	simm.s32 $0x9;
	_ =	strace $0x8000004E  }
0xb4: {  	_ =	swait.ge [sflag:s29], $0x1  }
0xb5: {  	[sflag:s29] =	ssyncadd.s32 $0xFFFFFFFF  }
0xb6: {  	_ =	strace $0x9000004E  }
0xb7: {  	_ =	sfence  }
0xb8: {  	s30 =	sld [smem:$0x0];
	_ =	sdelay $0x2  }
0xb9: {  	s31 =	sshll.u32 s1, $0xD;
	s1 =	sshrl.u32 s1, $0x2  }
0xba: {  	s3 =	sand.u32 $0x4000, s31;
	s1 =	sadd.s32 s1, s30  }
0xbb: {  	s0 =	sor.u32 s3, s0;
	s1 =	sshll.u32 s1, $0x11  }
0xbc: {  	s0 =	sor.u32 s1, s0  }
0xbd: {  	s0 =	sadd.s32 $0x8F2B, s0  }
0xbe: {  	[sflag:s0] =	ssyncadd.remote.s32 $0x1  }
0xbf: {  	_ =	sfence.sel $0xFFFF  }
0xc0: {  	[dreg:$0x0] =	wrdreg $0xFFFFFFFF;
	(pc) =	sbr.abs _section_cstart, $3  }
0xc1: {  	[dreg:$0x1] =	wrdreg $0xFFFFFFFF  }
0xc2: {  	_ =	task.clear_ibuf [dreg:s7], $0x2FFFF;
	_ =	strace $0x9FFFFFFF  }
0xc3: {  	(tm) =	ssettm $0x7FFFFFFF  }
tec
execute0_lowered:
.L_overlay_start_1:
0x0: {  	(tag) =	ssettag $0x1  }
0x1: {  	s0 =	rddreg [dreg:$0x0];
	s1 =	srdreg.scid  }
0x2: {  	s2 =	rddreg [dreg:$0x1];
	s12 =	stileid.u32  }
0x3: {  	s3 =	rddreg [dreg:$0x2];
	s4 =	simm.s32 $0x0;
	s6 =	smul.u32 $0x2710, s12  }
0x4: {  	s17 =	simm.s32 $0x6;
	s18 =	simm.s32 $0x2780;
	s7 =	smul.u32 $0x13C00, s12  }
0x5: {  	s28 =	simm.s32 $0x2;
	s1 =	sand.u32 $0x1, s1;
	s19 =	smul.u32 $0x4F000, s12  }
0x6: {  	s29 =	simm.s32 $0x2880;
	s30 =	simm.s32 $0x10;
	s5 =	smul.u32 $0x27100, s1  }
0x7: {  	[smem:$0x7FF] =	sst s4;
	s22 =	sshll.u32 s12, $0x6;
	s9 =	smul.u32 $0x13C000, s1  }
0x8: {  	_ =	strace $0x8000004D;
	s1 =	ssub.s32 $0x2, s1;
	s11 =	sshrl.u32 s7, $0x3  }
0x9: {  	s20 =	sshrl.u32 s1, $0x1;
	s21 =	sshrl.u32 s19, $0x2;
	s19 =	simm.s32 $0x80  }
0xa: {  	s6 =	sadd.s32 s6, s5;
	s5 =	sadd.s32 $0x2A00, s0;
	s7 =	sadd.s32 s7, s9  }
0xb: {  	s11 =	sadd.s32 s11, s0;
	s1 =	ssub.s32 s1, s20;
	s16 =	sadd.s32 s21, s3  }
0xc: {  	s20 =	simm.s32 $0x2900;
	s21 =	simm.s32 $0x2800;
	s8 =	sshrl.u32 s6, $0x3  }
0xd: {  	s7 =	sshrl.u32 s7, $0x3;
	s23 =	sadd.s32 $0x16800, s11;
	s25 =	sadd.s32 $0x180, s6  }
0xe: {  	s13 =	smax.u32 s1, $0x1;
	s15 =	sadd.s32 $0x100, s6;
	s16 =	sshrl.u32 s16, $0x3  }
0xf: {  	s1 =	simm.s32 $0xA900;
	s10 =	sadd.s32 s8, s0;
	s0 =	sadd.s32 s7, s0  }
0x10: {  	[dreg:$0x4] =	wrdreg s23;
	s7 =	sor.u32 $0x1C06, s22;
	s9 =	sadd.s32 s5, s8  }
0x11: {  	s8 =	sshrl.u32 s25, $0x3;
	s22 =	simm.s32 $0x6900;
	s23 =	simm.s32 $0x3  }
0x12: {  	s25 =	simm.s32 $0x5;
	s24 =	sadd.s32 $0xC800, s10;
	s26 =	sadd.s32 $0x10, s9  }
0x13: {  	s31 =	sadd.s32 $0x4E0, s9;
	s12 =	sadd.s32 $0x3E000, s0;
	[dreg:$0x5] =	wrdreg s24  }
0x14: {  	s14 =	sadd.s32 s8, s5;
	s0 =	simm.s32 $0x0;
	[dreg:$0x6] =	wrdreg s26  }
0x15: {  	[dreg:$0x7] =	wrdreg s31;
	s24 =	simm.s32 $0x1;
	s26 =	simm.s32 $0x4  }
.LBB2_1:
0x16: {  	s6 =	rddreg [dreg:$0x4]  }
0x17: {  	[spmem:s16], [sflag:s7] =	dma.local [hbm:s6], $0x2780  }
0x18: {  	_ =	swait.ge [sflag:s17], $0x2780  }
0x19: {  	[sflag:s17] =	ssyncset.done $0x0  }
0x1a: {  	s8 =	rddreg [dreg:$0x5];
	[sflag:s17] =	ssyncadd.s32 $0xFFFFD880  }
0x1b: {  	[tilespmem:s4], [sflag:$0x6] =	stream.linear.gather [hbm4b:s8+s4], $0x2710, $0x38;
	[tilespmem:$0x1ED00] =	vst v63  }
0x1c: {  	_ =	swait.ge [sflag:s17], $0x2710  }
0x1d: {  	[sflag:s17] =	ssyncset.done $0x0  }
0x1e: {  	[sflag:s17] =	ssyncadd.s32 $0xFFFFD8F0  }
0x1f: {  	[bflag:$0x0] =	sbarrier.arrive $0xFFFF  }
0x20: {  	[tilespmem:s18], [sflag:$0x1] =	stream.linear.gather [hbm4b:s9+s4], $0x80, $0x38;
	[tilespmem:$0x1ED00] =	vst v63  }
0x21: {  	_ = 	snop  }
0x22: {  	[tilespmem:s20], [sflag:$0x3] =	stream.indirect.gather [hbm4b:s2+s19], $0x80, s4, s19, $0xb8;
	[tilespmem:$0x1ED00] =	vst v63  }
0x23: {  	s10 =	rddreg [dreg:$0x6]  }
0x24: {  	[tilespmem:s21], [sflag:$0x2] =	stream.linear.gather [hbm4b:s10+s4], $0x80, $0x38;
	[tilespmem:$0x1ED00] =	vst v63  }
0x25: {  	_ = 	snop  }
0x26: {  	[tilespmem:s22], [sflag:$0x4] =	stream.indirect.gather [hbm4b:s2+s19], $0x80, s19, s19, $0xb8;
	[tilespmem:$0x1ED00] =	vst v63  }
0x27: {  	_ =	swait.ge [sflag:s23], $0x4000  }
0x28: {  	[sflag:s23] =	ssyncset.done $0x0  }
0x29: {  	[sflag:s23] =	ssyncadd.s32 $0xFFFFC000  }
0x2a: {  	_ =	swait.ge [sflag:s24], $0x80  }
0x2b: {  	[sflag:s24] =	ssyncset.done $0x0  }
0x2c: {  	[sflag:s24] =	ssyncadd.s32 $0xFFFFFF80  }
0x2d: {  	[spmem:s3] =	stream.indirect.scatter.add.f32 [tilespmem:s20], [sflag:$0x5], $0x80, s18, s19, $0xb8;
	[tilespmem:$0x1ED00] =	vst v63  }
0x2e: {  	_ =	swait.ge [sflag:s25], $0x4000  }
0x2f: {  	s11 =	sshrl.u32 s15, $0x3;
	[sflag:s25] =	ssyncset.done $0x0  }
0x30: {  	s6 =	sadd.s32 s5, s11;
	[sflag:s25] =	ssyncadd.s32 $0xFFFFC000  }
0x31: {  	[tilespmem:s18], [sflag:$0x1] =	stream.linear.gather [hbm4b:s6+s4], $0x80, $0x38;
	[tilespmem:$0x1ED00] =	vst v63  }
0x32: {  	s8 =	simm.s32 $0x100  }
0x33: {  	[tilespmem:s20], [sflag:$0x3] =	stream.indirect.gather [hbm4b:s2+s19], $0x80, s8, s19, $0xb8;
	[tilespmem:$0x1ED00] =	vst v63  }
0x34: {  	_ =	swait.ge [sflag:s26], $0x4000  }
0x35: {  	[sflag:s26] =	ssyncset.done $0x0  }
0x36: {  	[sflag:s26] =	ssyncadd.s32 $0xFFFFC000  }
0x37: {  	_ =	swait.ge [sflag:s28], $0x80  }
0x38: {  	[sflag:s28] =	ssyncset.done $0x0  }
0x39: {  	[sflag:s28] =	ssyncadd.s32 $0xFFFFFF80  }
0x3a: {  	[spmem:s3] =	stream.indirect.scatter.add.f32 [tilespmem:s22], [sflag:$0x5], $0x80, s21, s19, $0xb8;
	[tilespmem:$0x1ED00] =	vst v63  }
0x3b: {  	_ =	swait.ge [sflag:s25], $0x4000  }
0x3c: {  	[sflag:s25] =	ssyncset.done $0x0  }
0x3d: {  	s10 =	sadd.s32 $0x0, s14;
	[sflag:s25] =	ssyncadd.s32 $0xFFFFC000  }
0x3e: {  	[tilespmem:s21], [sflag:$0x2] =	stream.linear.gather [hbm4b:s10+s4], $0x80, $0x38;
	[tilespmem:$0x1ED00] =	vst v63  }
0x3f: {  	s11 =	simm.s32 $0x180  }
0x40: {  	[tilespmem:s22], [sflag:$0x4] =	stream.indirect.gather [hbm4b:s2+s19], $0x80, s11, s19, $0xb8;
	[tilespmem:$0x1ED00] =	vst v63  }
0x41: {  	_ =	swait.ge [sflag:s23], $0x4000  }
0x42: {  	[sflag:s23] =	ssyncset.done $0x0  }
0x43: {  	[sflag:s23] =	ssyncadd.s32 $0xFFFFC000  }
0x44: {  	_ =	swait.ge [sflag:s24], $0x80  }
0x45: {  	s31 =	simm.s32 $0x20;
	[sflag:s24] =	ssyncset.done $0x0  }
0x46: {  	s6 =	simm.s32 $0x280;
	s8 =	sadd.s32 $0x100, s15;
	[sflag:s24] =	ssyncadd.s32 $0xFFFFFF80  }
.LBB2_2:
0x47: {  	[spmem:s3] =	stream.indirect.scatter.add.f32 [tilespmem:s20], [sflag:$0x5], $0x80, s18, s19, $0xb8;
	[tilespmem:$0x1ED00] =	vst v63  }
0x48: {  	s10 =	smov.u32 s31  }
0x49: {  	p0 =	sne.s32 s31, $0x4A0;
	s31 =	sadd.s32 $0x20, s31;
	_ =	swait.ge [sflag:s25], $0x4000  }
0x4a: {  	s11 =	sshrl.u32 s8, $0x3;
	[sflag:s25] =	ssyncset.done $0x0  }
0x4b: {  	s11 =	sadd.s32 s5, s11;
	[sflag:s25] =	ssyncadd.s32 $0xFFFFC000  }
0x4c: {  	[tilespmem:s18], [sflag:$0x1] =	stream.linear.gather [hbm4b:s11+s4], $0x80, $0x38;
	[tilespmem:$0x1ED00] =	vst v63  }
0x4d: {  	s11 =	sadd.s32 $0xFFFFFF80, s6  }
0x4e: {  	[tilespmem:s20], [sflag:$0x3] =	stream.indirect.gather [hbm4b:s2+s19], $0x80, s11, s19, $0xb8;
	[tilespmem:$0x1ED00] =	vst v63  }
0x4f: {  	_ =	swait.ge [sflag:s26], $0x4000  }
0x50: {  	[sflag:s26] =	ssyncset.done $0x0  }
0x51: {  	[sflag:s26] =	ssyncadd.s32 $0xFFFFC000  }
0x52: {  	_ =	swait.ge [sflag:s28], $0x80  }
0x53: {  	[sflag:s28] =	ssyncset.done $0x0  }
0x54: {  	[sflag:s28] =	ssyncadd.s32 $0xFFFFFF80  }
0x55: {  	[spmem:s3] =	stream.indirect.scatter.add.f32 [tilespmem:s22], [sflag:$0x5], $0x80, s21, s19, $0xb8;
	[tilespmem:$0x1ED00] =	vst v63  }
0x56: {  	_ =	swait.ge [sflag:s25], $0x4000  }
0x57: {  	[sflag:s25] =	ssyncset.done $0x0  }
0x58: {  	s10 =	sadd.s32 s10, s14;
	[sflag:s25] =	ssyncadd.s32 $0xFFFFC000  }
0x59: {  	[tilespmem:s21], [sflag:$0x2] =	stream.linear.gather [hbm4b:s10+s4], $0x80, $0x38;
	[tilespmem:$0x1ED00] =	vst v63  }
0x5a: {  	_ = 	snop  }
0x5b: {  	[tilespmem:s22], [sflag:$0x4] =	stream.indirect.gather [hbm4b:s2+s19], $0x80, s6, s19, $0xb8;
	[tilespmem:$0x1ED00] =	vst v63  }
0x5c: {  	_ =	swait.ge [sflag:s23], $0x4000  }
.Ltmp0:
0x5d: {  	[sflag:s23] =	ssyncset.done $0x0;
	(pc) =	sbr.rel @p0 .LBB2_2-.Ltmp0, $4  }
0x5e: {  	[sflag:s23] =	ssyncadd.s32 $0xFFFFC000  }
0x5f: {  	_ =	swait.ge [sflag:s24], $0x80  }
0x60: {  	[sflag:s24] =	ssyncset.done $0x0  }
0x61: {  	s8 =	sadd.s32 $0x100, s8;
	s6 =	sadd.s32 $0x100, s6;
	[sflag:s24] =	ssyncadd.s32 $0xFFFFFF80  }
0x62: {  	[spmem:s3] =	stream.indirect.scatter.add.f32 [tilespmem:s20], [sflag:$0x5], $0x80, s18, s19, $0xb8;
	[tilespmem:$0x1ED00] =	vst v63  }
0x63: {  	_ =	swait.ge [sflag:s26], $0x4000  }
0x64: {  	[sflag:s26] =	ssyncset.done $0x0  }
0x65: {  	[sflag:s26] =	ssyncadd.s32 $0xFFFFC000  }
0x66: {  	_ =	swait.ge [sflag:s28], $0x80  }
0x67: {  	[sflag:s28] =	ssyncset.done $0x0  }
0x68: {  	[sflag:s28] =	ssyncadd.s32 $0xFFFFFF80  }
0x69: {  	[spmem:s3] =	stream.indirect.scatter.add.f32 [tilespmem:s22], [sflag:$0x5], $0x80, s21, s19, $0xb8;
	[tilespmem:$0x1ED00] =	vst v63  }
0x6a: {  	_ =	swait.ge [sflag:s25], $0x4000  }
0x6b: {  	[sflag:s25] =	ssyncset.done $0x0  }
0x6c: {  	[sflag:s25] =	ssyncadd.s32 $0xFFFFC000  }
0x6d: {  	_ =	swait.ge [sflag:s25], $0x4000  }
0x6e: {  	[sflag:s25] =	ssyncset.done $0x0  }
0x6f: {  	s6 =	rddreg [dreg:$0x7];
	[sflag:s25] =	ssyncadd.s32 $0xFFFFC000  }
0x70: {  	[tilespmem:s29], [sflag:$0x6] =	stream.linear.gather [hbm4b:s6+s4], $0x10, $0x38;
	[tilespmem:$0x1ED00] =	vst v63  }
0x71: {  	_ =	swait.ge [sflag:s17], $0x10  }
0x72: {  	[sflag:s17] =	ssyncset.done $0x0  }
0x73: {  	s31 =	simm.s32 $0x2700;
	[sflag:s17] =	ssyncadd.s32 $0xFFFFFFF0  }
0x74: {  	[tilespmem:s1], [sflag:$0x3] =	stream.indirect.gather [hbm4b:s2+s30], $0x80, s31, s30, $0xb8;
	[tilespmem:$0x1ED00] =	vst v63  }
0x75: {  	_ =	swait.ge [sflag:s23], $0x800  }
0x76: {  	[sflag:s23] =	ssyncset.done $0x0  }
0x77: {  	[sflag:s23] =	ssyncadd.s32 $0xFFFFF800  }
0x78: {  	[spmem:s3] =	stream.indirect.scatter.add.f32 [tilespmem:s1], [sflag:$0x6], $0x80, s29, s30, $0xb8;
	[tilespmem:$0x1ED00] =	vst v63  }
0x79: {  	_ =	swait.ge [sflag:s17], $0x800  }
0x7a: {  	s0 =	sadd.s32 $0x1, s0;
	[sflag:s17] =	ssyncset.done $0x0  }
0x7b: {  	p0 =	sne.s32 s0, s13;
	[sflag:s17] =	ssyncadd.s32 $0xFFFFF800  }
.Ltmp1:
0x7c: {  	[bflag:$0x0] =	sbarrier.arrive $0xFFFF;
	(pc) =	sbr.rel @p0 .LBB2_1-.Ltmp1, $4  }
0x7d: {  	[hbm:s12], [sflag:s7] =	dma.local [spmem:s16], $0x2780  }
0x7e: {  	_ =	swait.ge [sflag:s17], $0x2780  }
0x7f: {  	[sflag:s17] =	ssyncset.done $0x0  }
0x80: {  	[sflag:s17] =	ssyncadd.s32 $0xFFFFD880  }
0x81: {  	_ =	sfence.sel $0x180000  }
0x82: {  	[bflag:$0x0] =	sbarrier.arrive $0xFFFF  }
0x83: {  	_ =	strace $0x9000004D  }
0x84: {  	s0 =	stileid.u32;
	[bflag:$0x2] =	sbarrier.arrive $0xFFFF  }
0x85: {  	p0 =	sne.s32 s0, $0x0;
	s0 =	rddreg [dreg:$0x3]  }
0x86: {  	s0 =	sadd.s32 @!p0 $0x100000, s0  }
0x87: {  	[sflag:s0] =	ssyncadd.tile.s32 @!p0 $0x1;
	_ =	shalt  }
.Lfunc_end2:
_tile_overlayer_lowered:
.L_overlay_start_2:
0x88: {  	(tag) =	ssettag $0x2  }
0x89: {  	s0 =	rddreg [dreg:$0x0];
	s2 =	stileid.u32  }
0x8a: {  	s1 =	rddreg [dreg:$0x1];
	p0 =	sne.s32 s2, $0x0  }
0x8b: {  	s3 =	rddreg [dreg:$0x2];
	[bflag:$0x3] =	sbarrier.arrive $0xFFFF;
	s2 =	simm.s32 @!p0 $0x1C06  }
0x8c: {  	[timem:s3], [sflag:s2] =	dma.local @!p0 [hbm:s0], s1  }
0x8d: {  	s0 =	simm.s32 @!p0 $0x6  }
0x8e: {  	_ =	swait.ge @!p0 [sflag:s0], s1  }
0x8f: {  	s1 =	ssub.s32 @!p0 $0x0, s1;
	[sflag:s0] =	ssyncset.done @!p0 $0x0  }
0x90: {  	[sflag:s0] =	ssyncadd.s32 @!p0 s1  }
0x91: {  	[bflag:$0x3] =	sbarrier.arrive $0xFFFF  }
0x92: {  	_ =	shalt  }

</sc_bundles>
